<compile_context>
chip_gen: v7x
topology: tpu7x:2x2x1
jax: 0.10.2.dev20260603
libtpu: 0.0.44.dev20260713+nightly
codegen_flags: <defaults>
</compile_context>

<pallas_src>
import functools

import jax
import jax.numpy as jnp
from jax import lax
from jax.experimental import pallas as pl
from jax.experimental.pallas import tpu as pltpu
from jax.experimental.pallas import tpu_sc as plsc

_VOCAB = 100001
_NUM_TRAINABLE = 1001
_CHAR_VOCAB = 1301
_WORD_DIM = 300
_CHAR_DIM = 200
_K = 5
_B, _S, _C = 1024, 20, 16
_WORD_RANGE = _VOCAB - _NUM_TRAINABLE
_D = _WORD_DIM + _CHAR_DIM
_BS = _B * _S

_NW = 32
_PER_TILE = _BS // _NW
_CHUNK = 64
_NCHUNK = _PER_TILE // _CHUNK
_NBUF = 3
_WPAD = 384
_TR_PAD = 1008

_R = 1280
_NBLK = _BS // _R
_RS = _R // _S
_CV_PAD = 1312


def _sc_gather(words_flat, word_table):
    mesh = plsc.VectorSubcoreMesh(core_axis_name="c", subcore_axis_name="s")

    @functools.partial(
        pl.kernel,
        out_type=jax.ShapeDtypeStruct((_BS, _WPAD), jnp.float32),
        mesh=mesh,
        scratch_types=(
            [pltpu.VMEM((_CHUNK,), jnp.int32)] * _NBUF
            + [pltpu.VMEM((_CHUNK, _WPAD), jnp.float32)] * _NBUF
            + [pltpu.SemaphoreType.DMA] * _NBUF
        ),
    )
    def k(words_hbm, wt_hbm, wout_hbm, *rest):
        widx = rest[:_NBUF]
        wbufs = rest[_NBUF:2 * _NBUF]
        wsems = rest[2 * _NBUF:3 * _NBUF]
        wid = lax.axis_index("s") * 2 + lax.axis_index("c")
        base = wid * _PER_TILE
        pend = [None] * _NBUF
        for j in range(_NCHUNK):
            b = j % _NBUF
            if pend[b] is not None:
                pw, pj = pend[b]
                pw.wait()
                off = base + pj * _CHUNK
                pltpu.sync_copy(wbufs[b], wout_hbm.at[pl.ds(off, _CHUNK)])
            pltpu.sync_copy(words_hbm.at[pl.ds(base + j * _CHUNK, _CHUNK)],
                            widx[b])
            cw = pltpu.async_copy(wt_hbm.at[widx[b]], wbufs[b], wsems[b])
            pend[b] = (cw, j)
        for j in range(_NCHUNK, _NCHUNK + _NBUF):
            b = j % _NBUF
            pw, pj = pend[b]
            pw.wait()
            off = base + pj * _CHUNK
            pltpu.sync_copy(wbufs[b], wout_hbm.at[pl.ds(off, _CHUNK)])

    return k(words_flat, word_table)


def _tc_char_body(chars, ct, ck, cb, out):
    f32 = jnp.float32

    def mm(a, b):
        return lax.dot_general(a, b, (((1,), (0,)), ((), ())),
                               preferred_element_type=f32)

    chars_blk = chars[...]
    table = ct[...]
    emb = []
    for c in range(_C):
        col = chars_blk[:, c:c + 1]
        oh = (col == lax.broadcasted_iota(jnp.int32, (_R, _CV_PAD), 1))
        emb.append(mm(oh.astype(jnp.bfloat16), table).astype(jnp.bfloat16))

    ckv = ck[...]
    pooled = None
    for c in range(_C):
        acc = None
        for k in range(_K):
            cc = c + k - 2
            if 0 <= cc < _C:
                y = mm(emb[cc], ckv[k])
                acc = y if acc is None else acc + y
        pooled = acc if pooled is None else jnp.maximum(pooled, acc)
    out[...] = jnp.maximum(pooled + cb[...], 0.0)


def _tc_mix_body(wrows, wcol, pooled, tt,
                 wt1, bt1, wh1, bh1, wt2, bt2, wh2, bh2, out):
    f32 = jnp.float32

    def mm(a, b):
        return lax.dot_general(a, b, (((1,), (0,)), ((), ())),
                               preferred_element_type=f32)

    wcolv = wcol[...]
    mask = (wcolv > _WORD_RANGE).astype(f32)
    tr_idx = jnp.clip(wcolv - _WORD_RANGE, 0, _NUM_TRAINABLE - 1)
    oh_tr = (tr_idx == lax.broadcasted_iota(jnp.int32, (_R, _TR_PAD), 1))
    tv = mm(oh_tr.astype(jnp.bfloat16), tt[...])
    wv = wrows[...][:, :_WORD_DIM]
    wr = wv + jnp.maximum(tv, 0.0) * mask

    x = jnp.concatenate([wr, pooled[...]], axis=1)
    for wt, bt, wh, bh in ((wt1, bt1, wh1, bh1), (wt2, bt2, wh2, bh2)):
        xb = x.astype(jnp.bfloat16)
        t = jax.nn.sigmoid(mm(xb, wt[...]) + bt[...])
        h = jnp.maximum(mm(xb, wh[...]) + bh[...], 0.0)
        x = t * h + (1.0 - t) * x
    out[...] = x.reshape(_RS, _S, _D)


def _tc_char(chars2d, ct_bf, ck_bf, cb2):
    def full(shape):
        return pl.BlockSpec(shape, lambda i: tuple(0 for _ in shape))

    return pl.pallas_call(
        _tc_char_body,
        grid=(_NBLK,),
        in_specs=[
            pl.BlockSpec((_R, _C), lambda i: (i, 0)),
            full((_CV_PAD, _CHAR_DIM)),
            full((_K, _CHAR_DIM, _CHAR_DIM)),
            full((1, _CHAR_DIM)),
        ],
        out_specs=pl.BlockSpec((_R, _CHAR_DIM), lambda i: (i, 0)),
        out_shape=jax.ShapeDtypeStruct((_BS, _CHAR_DIM), jnp.float32),
        compiler_params=pltpu.CompilerParams(
            dimension_semantics=("arbitrary",)),
    )(chars2d, ct_bf, ck_bf, cb2)


def _tc_mix(wrows, words_col, pooled, tt_bf, hw_args):
    def full(shape):
        return pl.BlockSpec(shape, lambda i: tuple(0 for _ in shape))

    in_specs = [
        pl.BlockSpec((_R, _WPAD), lambda i: (i, 0)),
        pl.BlockSpec((_R, 1), lambda i: (i, 0)),
        pl.BlockSpec((_R, _CHAR_DIM), lambda i: (i, 0)),
        full((_TR_PAD, _WORD_DIM)),
    ]
    for _ in range(2):
        in_specs += [full((_D, _D)), full((1, _D)),
                     full((_D, _D)), full((1, _D))]

    return pl.pallas_call(
        _tc_mix_body,
        grid=(_NBLK,),
        in_specs=in_specs,
        out_specs=pl.BlockSpec((_RS, _S, _D), lambda i: (i, 0, 0)),
        out_shape=jax.ShapeDtypeStruct((_B, _S, _D), jnp.float32),
        compiler_params=pltpu.CompilerParams(
            dimension_semantics=("arbitrary",)),
    )(wrows, words_col, pooled, tt_bf, *hw_args)


def kernel(words, chars, word_table, trainable_table, char_table, conv_k,
           conv_b, hw1_wt, hw1_bt, hw1_wh, hw1_bh, hw2_wt, hw2_bt, hw2_wh,
           hw2_bh):
    words_flat = words.reshape(_BS)
    wt_pad = jnp.pad(word_table, ((0, 0), (0, _WPAD - _WORD_DIM)))
    wrows = _sc_gather(words_flat, wt_pad)

    tt_bf = jnp.zeros((_TR_PAD, _WORD_DIM), jnp.bfloat16)
    tt_bf = tt_bf.at[:_NUM_TRAINABLE].set(trainable_table.astype(jnp.bfloat16))
    ct_bf = jnp.zeros((_CV_PAD, _CHAR_DIM), jnp.bfloat16)
    ct_bf = ct_bf.at[:_CHAR_VOCAB].set(char_table.astype(jnp.bfloat16))
    ck_bf = conv_k.astype(jnp.bfloat16)
    cb2 = conv_b.reshape(1, _CHAR_DIM)
    hw_args = [a.astype(jnp.bfloat16) if a.ndim == 2 else a.reshape(1, _D)
               for a in (hw1_wt, hw1_bt, hw1_wh, hw1_bh,
                         hw2_wt, hw2_bt, hw2_wh, hw2_bh)]

    pooled = _tc_char(chars.reshape(_BS, _C), ct_bf, ck_bf, cb2)
    return _tc_mix(wrows, words_flat.reshape(_BS, 1), pooled, tt_bf, hw_args)

# --- scband reference (transcript-rebuilt; emitter-appended) ---
"""Pipeline reference for scband-embedding-layer-34522947125530 (READ-ONLY COPY).

The authoritative reference and input builder live on the scoring server;
editing this copy changes nothing except your own understanding.
"""

import jax, jax.numpy as jnp
import numpy as np

VOCAB = 100001
NUM_TRAINABLE = 1001
CHAR_VOCAB = 1301
WORD_DIM = 300
CHAR_DIM = 200
KERNEL = 5
B, S, C = 1024, 20, 16
WORD_RANGE = VOCAB - NUM_TRAINABLE
D = WORD_DIM + CHAR_DIM


def setup_inputs(seed: int = 0) -> dict:
    key = jax.random.key(seed)
    ks = jax.random.split(key, 16)
    words = jax.random.randint(ks[0], (B, S), 0, VOCAB, dtype=jnp.int32)
    chars = jax.random.randint(ks[1], (B, S, C), 0, CHAR_VOCAB, dtype=jnp.int32)
    word_table = jax.random.normal(ks[2], (VOCAB, WORD_DIM), jnp.float32) * 0.02
    trainable_table = jax.random.normal(ks[3], (NUM_TRAINABLE, WORD_DIM), jnp.float32) * 0.02
    char_table = jax.random.normal(ks[4], (CHAR_VOCAB, CHAR_DIM), jnp.float32) * 0.02
    conv_k = jax.random.normal(ks[5], (KERNEL, CHAR_DIM, CHAR_DIM), jnp.float32) * 0.05
    conv_b = jnp.zeros((CHAR_DIM,), jnp.float32)
    hw1_wt = jax.random.normal(ks[6], (D, D), jnp.float32) * 0.02
    hw1_bt = jnp.full((D,), -1.0, jnp.float32)
    hw1_wh = jax.random.normal(ks[7], (D, D), jnp.float32) * 0.02
    hw1_bh = jnp.zeros((D,), jnp.float32)
    hw2_wt = jax.random.normal(ks[8], (D, D), jnp.float32) * 0.02
    hw2_bt = jnp.full((D,), -1.0, jnp.float32)
    hw2_wh = jax.random.normal(ks[9], (D, D), jnp.float32) * 0.02
    hw2_bh = jnp.zeros((D,), jnp.float32)
    return {"words": words, "chars": chars, "word_table": word_table,
            "trainable_table": trainable_table, "char_table": char_table,
            "conv_k": conv_k, "conv_b": conv_b,
            "hw1_wt": hw1_wt, "hw1_bt": hw1_bt, "hw1_wh": hw1_wh, "hw1_bh": hw1_bh,
            "hw2_wt": hw2_wt, "hw2_bt": hw2_bt, "hw2_wh": hw2_wh, "hw2_bh": hw2_bh}


def _highway(x, wt, bt, wh, bh):
    t = jax.nn.sigmoid(jnp.einsum('bsd,de->bse', x, wt) + bt)
    h = jax.nn.relu(jnp.einsum('bsd,de->bse', x, wh) + bh)
    return t * h + (1.0 - t) * x


def reference(words, chars, word_table, trainable_table, char_table, conv_k, conv_b,
              hw1_wt, hw1_bt, hw1_wh, hw1_bh, hw2_wt, hw2_bt, hw2_wh, hw2_bh):
    # word embedding (gather)
    word_emb = jnp.take(word_table, words, axis=0)  # [B, S, WORD_DIM]
    # trainable OOV embedding
    tr_idx = jnp.clip(words - WORD_RANGE, 0, NUM_TRAINABLE - 1)
    tr_emb = jnp.take(trainable_table, tr_idx, axis=0)
    tr_emb = tr_emb * (tr_idx != 0).astype(jnp.float32)[..., None]
    tr_emb = jax.nn.relu(tr_emb)
    word_emb = word_emb + tr_emb
    # char embedding (gather) + conv + max-pool over chars
    ch = jnp.take(char_table, chars, axis=0)  # [B, S, C, CHAR_DIM]
    ch = ch.reshape(B * S, C, CHAR_DIM)
    ch = jax.lax.conv_general_dilated(ch, conv_k, (1,), 'SAME',
                                      dimension_numbers=('NWC', 'WIO', 'NWC')) + conv_b
    ch = jax.nn.relu(ch)
    ch = jnp.max(ch, axis=1).reshape(B, S, CHAR_DIM)
    emb = jnp.concatenate([word_emb, ch], axis=2)  # [B, S, D]
    emb = _highway(emb, hw1_wt, hw1_bt, hw1_wh, hw1_bh)
    emb = _highway(emb, hw2_wt, hw2_bt, hw2_wh, hw2_bh)
    return emb

if __name__ == "__main__":
    import jax
    _d = setup_inputs()
    print(jax.jit(kernel)(*tuple(_d.values())))

</pallas_src>

<mosaic_0001>
#map = affine_map<(d0, d1) -> (0)>
#map1 = affine_map<(d0, d1) -> (0, 0)>
module attributes {stable_mosaic.version = 14 : i64} {
  func.func @k(%arg0: i32, %arg1: i32, %arg2: memref<20480xi32, #tpu.memory_space<hbm>>, %arg3: memref<100001x384xf32, #tpu.memory_space<hbm>>, %arg4: memref<20480x384xf32, #tpu.memory_space<hbm>>, %arg5: memref<64xi32, #tpu.memory_space<vmem>>, %arg6: memref<64xi32, #tpu.memory_space<vmem>>, %arg7: memref<64xi32, #tpu.memory_space<vmem>>, %arg8: memref<64x384xf32, #tpu.memory_space<vmem>>, %arg9: memref<64x384xf32, #tpu.memory_space<vmem>>, %arg10: memref<64x384xf32, #tpu.memory_space<vmem>>, %arg11: memref<!tpu.dma_semaphore, #tpu.memory_space<semaphore_mem>>, %arg12: memref<!tpu.dma_semaphore, #tpu.memory_space<semaphore_mem>>, %arg13: memref<!tpu.dma_semaphore, #tpu.memory_space<semaphore_mem>>) attributes {dimension_semantics = [#tpu.dimension_semantics<core_parallel>, #tpu.dimension_semantics<subcore_parallel>], iteration_bounds = array<i64: 2, 16>, scalar_prefetch = 0 : i64, scratch_operands = 9 : i64, tpu.core_type = #tpu.core_type<sc_vector_subcore>, window_params = [{transform_indices = #map}, {transform_indices = #map1}, {transform_indices = #map1}]} {
    %mul3A = arith.constant 2 : i32
    %mul3A_0 = arith.muli %arg1, %mul3A : i32
    %add3A = arith.addi %mul3A_0, %arg0 : i32
    %mul3A_1 = arith.constant 640 : i32
    %mul3A_2 = arith.muli %add3A, %mul3A_1 : i32
    %add3A_3 = arith.constant 0 : i32
    %add3A_4 = arith.addi %mul3A_2, %add3A_3 : i32
    "tpu.region"() ({
      %run_scoped3A = tpu.sem_alloc : memref<!tpu.dma_semaphore, #tpu.memory_space<semaphore_mem>>
      %dma_start3A_101 = tpu.memref_slice %arg2[%add3A_4] : memref<20480xi32, #tpu.memory_space<hbm>> -> memref<64xi32, #tpu.memory_space<hbm>>
      %dma_start3A_102 = tpu.memref_slice %arg2[%add3A_4] : memref<20480xi32, #tpu.memory_space<hbm>> -> memref<64xi32, #tpu.memory_space<hbm>>
      tpu.enqueue_dma source(%dma_start3A_102 : memref<64xi32, #tpu.memory_space<hbm>>) target(%arg5 : memref<64xi32, #tpu.memory_space<vmem>>) target_semaphore(%run_scoped3A : memref<!tpu.dma_semaphore, #tpu.memory_space<semaphore_mem>>)
      %dma_wait3A_103 = tpu.memref_slice %arg2[%add3A_4] : memref<20480xi32, #tpu.memory_space<hbm>> -> memref<64xi32, #tpu.memory_space<hbm>>
      %dma_wait3A_104 = tpu.memref_slice %arg2[%add3A_4] : memref<20480xi32, #tpu.memory_space<hbm>> -> memref<64xi32, #tpu.memory_space<hbm>>
      tpu.wait_dma2 semaphore(%run_scoped3A : memref<!tpu.dma_semaphore, #tpu.memory_space<semaphore_mem>>) src(%dma_wait3A_104 : memref<64xi32, #tpu.memory_space<hbm>>) dst(%arg5 : memref<64xi32, #tpu.memory_space<vmem>>)
      tpu.yield
    }) : () -> ()
    %dma_start3A = arith.constant 0 : i32
    %dma_start3A_5 = arith.constant 0 : i32
    %dma_start3A_6 = tpu.memref_slice %arg3[%dma_start3A, %dma_start3A_5] : memref<100001x384xf32, #tpu.memory_space<hbm>> -> memref<100001x384xf32, #tpu.memory_space<hbm>>
    tpu.enqueue_indirect_dma source(%dma_start3A_6 : memref<100001x384xf32, #tpu.memory_space<hbm>>) target(%arg8 : memref<64x384xf32, #tpu.memory_space<vmem>>) offsets(%arg5 : memref<64xi32, #tpu.memory_space<vmem>>) semaphore(%arg11 : memref<!tpu.dma_semaphore, #tpu.memory_space<semaphore_mem>>)
    %add3A_7 = arith.constant 64 : i32
    %add3A_8 = arith.addi %mul3A_2, %add3A_7 : i32
    "tpu.region"() ({
      %run_scoped3A = tpu.sem_alloc : memref<!tpu.dma_semaphore, #tpu.memory_space<semaphore_mem>>
      %dma_start3A_101 = tpu.memref_slice %arg2[%add3A_8] : memref<20480xi32, #tpu.memory_space<hbm>> -> memref<64xi32, #tpu.memory_space<hbm>>
      %dma_start3A_102 = tpu.memref_slice %arg2[%add3A_8] : memref<20480xi32, #tpu.memory_space<hbm>> -> memref<64xi32, #tpu.memory_space<hbm>>
      tpu.enqueue_dma source(%dma_start3A_102 : memref<64xi32, #tpu.memory_space<hbm>>) target(%arg6 : memref<64xi32, #tpu.memory_space<vmem>>) target_semaphore(%run_scoped3A : memref<!tpu.dma_semaphore, #tpu.memory_space<semaphore_mem>>)
      %dma_wait3A_103 = tpu.memref_slice %arg2[%add3A_8] : memref<20480xi32, #tpu.memory_space<hbm>> -> memref<64xi32, #tpu.memory_space<hbm>>
      %dma_wait3A_104 = tpu.memref_slice %arg2[%add3A_8] : memref<20480xi32, #tpu.memory_space<hbm>> -> memref<64xi32, #tpu.memory_space<hbm>>
      tpu.wait_dma2 semaphore(%run_scoped3A : memref<!tpu.dma_semaphore, #tpu.memory_space<semaphore_mem>>) src(%dma_wait3A_104 : memref<64xi32, #tpu.memory_space<hbm>>) dst(%arg6 : memref<64xi32, #tpu.memory_space<vmem>>)
      tpu.yield
    }) : () -> ()
    %dma_start3A_9 = arith.constant 0 : i32
    %dma_start3A_10 = arith.constant 0 : i32
    %dma_start3A_11 = tpu.memref_slice %arg3[%dma_start3A_9, %dma_start3A_10] : memref<100001x384xf32, #tpu.memory_space<hbm>> -> memref<100001x384xf32, #tpu.memory_space<hbm>>
    tpu.enqueue_indirect_dma source(%dma_start3A_11 : memref<100001x384xf32, #tpu.memory_space<hbm>>) target(%arg9 : memref<64x384xf32, #tpu.memory_space<vmem>>) offsets(%arg6 : memref<64xi32, #tpu.memory_space<vmem>>) semaphore(%arg12 : memref<!tpu.dma_semaphore, #tpu.memory_space<semaphore_mem>>)
    %add3A_12 = arith.constant 128 : i32
    %add3A_13 = arith.addi %mul3A_2, %add3A_12 : i32
    "tpu.region"() ({
      %run_scoped3A = tpu.sem_alloc : memref<!tpu.dma_semaphore, #tpu.memory_space<semaphore_mem>>
      %dma_start3A_101 = tpu.memref_slice %arg2[%add3A_13] : memref<20480xi32, #tpu.memory_space<hbm>> -> memref<64xi32, #tpu.memory_space<hbm>>
      %dma_start3A_102 = tpu.memref_slice %arg2[%add3A_13] : memref<20480xi32, #tpu.memory_space<hbm>> -> memref<64xi32, #tpu.memory_space<hbm>>
      tpu.enqueue_dma source(%dma_start3A_102 : memref<64xi32, #tpu.memory_space<hbm>>) target(%arg7 : memref<64xi32, #tpu.memory_space<vmem>>) target_semaphore(%run_scoped3A : memref<!tpu.dma_semaphore, #tpu.memory_space<semaphore_mem>>)
      %dma_wait3A_103 = tpu.memref_slice %arg2[%add3A_13] : memref<20480xi32, #tpu.memory_space<hbm>> -> memref<64xi32, #tpu.memory_space<hbm>>
      %dma_wait3A_104 = tpu.memref_slice %arg2[%add3A_13] : memref<20480xi32, #tpu.memory_space<hbm>> -> memref<64xi32, #tpu.memory_space<hbm>>
      tpu.wait_dma2 semaphore(%run_scoped3A : memref<!tpu.dma_semaphore, #tpu.memory_space<semaphore_mem>>) src(%dma_wait3A_104 : memref<64xi32, #tpu.memory_space<hbm>>) dst(%arg7 : memref<64xi32, #tpu.memory_space<vmem>>)
      tpu.yield
    }) : () -> ()
    %dma_start3A_14 = arith.constant 0 : i32
    %dma_start3A_15 = arith.constant 0 : i32
    %dma_start3A_16 = tpu.memref_slice %arg3[%dma_start3A_14, %dma_start3A_15] : memref<100001x384xf32, #tpu.memory_space<hbm>> -> memref<100001x384xf32, #tpu.memory_space<hbm>>
    tpu.enqueue_indirect_dma source(%dma_start3A_16 : memref<100001x384xf32, #tpu.memory_space<hbm>>) target(%arg10 : memref<64x384xf32, #tpu.memory_space<vmem>>) offsets(%arg7 : memref<64xi32, #tpu.memory_space<vmem>>) semaphore(%arg13 : memref<!tpu.dma_semaphore, #tpu.memory_space<semaphore_mem>>)
    %dma_wait3A = arith.constant 0 : i32
    %dma_wait3A_17 = arith.constant 0 : i32
    %dma_wait3A_18 = tpu.memref_slice %arg3[%dma_wait3A, %dma_wait3A_17] : memref<100001x384xf32, #tpu.memory_space<hbm>> -> memref<100001x384xf32, #tpu.memory_space<hbm>>
    tpu.wait_indirect_dma semaphore(%arg11 : memref<!tpu.dma_semaphore, #tpu.memory_space<semaphore_mem>>) src(%dma_wait3A_18 : memref<100001x384xf32, #tpu.memory_space<hbm>>) dst(%arg8 : memref<64x384xf32, #tpu.memory_space<vmem>>)
    %add3A_19 = arith.constant 0 : i32
    %add3A_20 = arith.addi %mul3A_2, %add3A_19 : i32
    "tpu.region"() ({
      %run_scoped3A = tpu.sem_alloc : memref<!tpu.dma_semaphore, #tpu.memory_space<semaphore_mem>>
      %dma_start3A_101 = arith.constant 0 : i32
      %dma_start3A_102 = tpu.memref_slice %arg4[%add3A_20, %dma_start3A_101] : memref<20480x384xf32, #tpu.memory_space<hbm>> -> memref<64x384xf32, #tpu.memory_space<hbm>>
      %dma_start3A_103 = arith.constant 0 : i32
      %dma_start3A_104 = tpu.memref_slice %arg4[%add3A_20, %dma_start3A_103] : memref<20480x384xf32, #tpu.memory_space<hbm>> -> memref<64x384xf32, #tpu.memory_space<hbm>>
      tpu.enqueue_dma source(%arg8 : memref<64x384xf32, #tpu.memory_space<vmem>>) target(%dma_start3A_104 : memref<64x384xf32, #tpu.memory_space<hbm>>) target_semaphore(%run_scoped3A : memref<!tpu.dma_semaphore, #tpu.memory_space<semaphore_mem>>)
      %dma_wait3A_105 = arith.constant 0 : i32
      %dma_wait3A_106 = tpu.memref_slice %arg4[%add3A_20, %dma_wait3A_105] : memref<20480x384xf32, #tpu.memory_space<hbm>> -> memref<64x384xf32, #tpu.memory_space<hbm>>
      %dma_wait3A_107 = arith.constant 0 : i32
      %dma_wait3A_108 = tpu.memref_slice %arg4[%add3A_20, %dma_wait3A_107] : memref<20480x384xf32, #tpu.memory_space<hbm>> -> memref<64x384xf32, #tpu.memory_space<hbm>>
      tpu.wait_dma2 semaphore(%run_scoped3A : memref<!tpu.dma_semaphore, #tpu.memory_space<semaphore_mem>>) src(%arg8 : memref<64x384xf32, #tpu.memory_space<vmem>>) dst(%dma_wait3A_108 : memref<64x384xf32, #tpu.memory_space<hbm>>)
      tpu.yield
    }) : () -> ()
    %add3A_21 = arith.constant 192 : i32
    %add3A_22 = arith.addi %mul3A_2, %add3A_21 : i32
    "tpu.region"() ({
      %run_scoped3A = tpu.sem_alloc : memref<!tpu.dma_semaphore, #tpu.memory_space<semaphore_mem>>
      %dma_start3A_101 = tpu.memref_slice %arg2[%add3A_22] : memref<20480xi32, #tpu.memory_space<hbm>> -> memref<64xi32, #tpu.memory_space<hbm>>
      %dma_start3A_102 = tpu.memref_slice %arg2[%add3A_22] : memref<20480xi32, #tpu.memory_space<hbm>> -> memref<64xi32, #tpu.memory_space<hbm>>
      tpu.enqueue_dma source(%dma_start3A_102 : memref<64xi32, #tpu.memory_space<hbm>>) target(%arg5 : memref<64xi32, #tpu.memory_space<vmem>>) target_semaphore(%run_scoped3A : memref<!tpu.dma_semaphore, #tpu.memory_space<semaphore_mem>>)
      %dma_wait3A_103 = tpu.memref_slice %arg2[%add3A_22] : memref<20480xi32, #tpu.memory_space<hbm>> -> memref<64xi32, #tpu.memory_space<hbm>>
      %dma_wait3A_104 = tpu.memref_slice %arg2[%add3A_22] : memref<20480xi32, #tpu.memory_space<hbm>> -> memref<64xi32, #tpu.memory_space<hbm>>
      tpu.wait_dma2 semaphore(%run_scoped3A : memref<!tpu.dma_semaphore, #tpu.memory_space<semaphore_mem>>) src(%dma_wait3A_104 : memref<64xi32, #tpu.memory_space<hbm>>) dst(%arg5 : memref<64xi32, #tpu.memory_space<vmem>>)
      tpu.yield
    }) : () -> ()
    %dma_start3A_23 = arith.constant 0 : i32
    %dma_start3A_24 = arith.constant 0 : i32
    %dma_start3A_25 = tpu.memref_slice %arg3[%dma_start3A_23, %dma_start3A_24] : memref<100001x384xf32, #tpu.memory_space<hbm>> -> memref<100001x384xf32, #tpu.memory_space<hbm>>
    tpu.enqueue_indirect_dma source(%dma_start3A_25 : memref<100001x384xf32, #tpu.memory_space<hbm>>) target(%arg8 : memref<64x384xf32, #tpu.memory_space<vmem>>) offsets(%arg5 : memref<64xi32, #tpu.memory_space<vmem>>) semaphore(%arg11 : memref<!tpu.dma_semaphore, #tpu.memory_space<semaphore_mem>>)
    %dma_wait3A_26 = arith.constant 0 : i32
    %dma_wait3A_27 = arith.constant 0 : i32
    %dma_wait3A_28 = tpu.memref_slice %arg3[%dma_wait3A_26, %dma_wait3A_27] : memref<100001x384xf32, #tpu.memory_space<hbm>> -> memref<100001x384xf32, #tpu.memory_space<hbm>>
    tpu.wait_indirect_dma semaphore(%arg12 : memref<!tpu.dma_semaphore, #tpu.memory_space<semaphore_mem>>) src(%dma_wait3A_28 : memref<100001x384xf32, #tpu.memory_space<hbm>>) dst(%arg9 : memref<64x384xf32, #tpu.memory_space<vmem>>)
    %add3A_29 = arith.constant 64 : i32
    %add3A_30 = arith.addi %mul3A_2, %add3A_29 : i32
    "tpu.region"() ({
      %run_scoped3A = tpu.sem_alloc : memref<!tpu.dma_semaphore, #tpu.memory_space<semaphore_mem>>
      %dma_start3A_101 = arith.constant 0 : i32
      %dma_start3A_102 = tpu.memref_slice %arg4[%add3A_30, %dma_start3A_101] : memref<20480x384xf32, #tpu.memory_space<hbm>> -> memref<64x384xf32, #tpu.memory_space<hbm>>
      %dma_start3A_103 = arith.constant 0 : i32
      %dma_start3A_104 = tpu.memref_slice %arg4[%add3A_30, %dma_start3A_103] : memref<20480x384xf32, #tpu.memory_space<hbm>> -> memref<64x384xf32, #tpu.memory_space<hbm>>
      tpu.enqueue_dma source(%arg9 : memref<64x384xf32, #tpu.memory_space<vmem>>) target(%dma_start3A_104 : memref<64x384xf32, #tpu.memory_space<hbm>>) target_semaphore(%run_scoped3A : memref<!tpu.dma_semaphore, #tpu.memory_space<semaphore_mem>>)
      %dma_wait3A_105 = arith.constant 0 : i32
      %dma_wait3A_106 = tpu.memref_slice %arg4[%add3A_30, %dma_wait3A_105] : memref<20480x384xf32, #tpu.memory_space<hbm>> -> memref<64x384xf32, #tpu.memory_space<hbm>>
      %dma_wait3A_107 = arith.constant 0 : i32
      %dma_wait3A_108 = tpu.memref_slice %arg4[%add3A_30, %dma_wait3A_107] : memref<20480x384xf32, #tpu.memory_space<hbm>> -> memref<64x384xf32, #tpu.memory_space<hbm>>
      tpu.wait_dma2 semaphore(%run_scoped3A : memref<!tpu.dma_semaphore, #tpu.memory_space<semaphore_mem>>) src(%arg9 : memref<64x384xf32, #tpu.memory_space<vmem>>) dst(%dma_wait3A_108 : memref<64x384xf32, #tpu.memory_space<hbm>>)
      tpu.yield
    }) : () -> ()
    %add3A_31 = arith.constant 256 : i32
    %add3A_32 = arith.addi %mul3A_2, %add3A_31 : i32
    "tpu.region"() ({
      %run_scoped3A = tpu.sem_alloc : memref<!tpu.dma_semaphore, #tpu.memory_space<semaphore_mem>>
      %dma_start3A_101 = tpu.memref_slice %arg2[%add3A_32] : memref<20480xi32, #tpu.memory_space<hbm>> -> memref<64xi32, #tpu.memory_space<hbm>>
      %dma_start3A_102 = tpu.memref_slice %arg2[%add3A_32] : memref<20480xi32, #tpu.memory_space<hbm>> -> memref<64xi32, #tpu.memory_space<hbm>>
      tpu.enqueue_dma source(%dma_start3A_102 : memref<64xi32, #tpu.memory_space<hbm>>) target(%arg6 : memref<64xi32, #tpu.memory_space<vmem>>) target_semaphore(%run_scoped3A : memref<!tpu.dma_semaphore, #tpu.memory_space<semaphore_mem>>)
      %dma_wait3A_103 = tpu.memref_slice %arg2[%add3A_32] : memref<20480xi32, #tpu.memory_space<hbm>> -> memref<64xi32, #tpu.memory_space<hbm>>
      %dma_wait3A_104 = tpu.memref_slice %arg2[%add3A_32] : memref<20480xi32, #tpu.memory_space<hbm>> -> memref<64xi32, #tpu.memory_space<hbm>>
      tpu.wait_dma2 semaphore(%run_scoped3A : memref<!tpu.dma_semaphore, #tpu.memory_space<semaphore_mem>>) src(%dma_wait3A_104 : memref<64xi32, #tpu.memory_space<hbm>>) dst(%arg6 : memref<64xi32, #tpu.memory_space<vmem>>)
      tpu.yield
    }) : () -> ()
    %dma_start3A_33 = arith.constant 0 : i32
    %dma_start3A_34 = arith.constant 0 : i32
    %dma_start3A_35 = tpu.memref_slice %arg3[%dma_start3A_33, %dma_start3A_34] : memref<100001x384xf32, #tpu.memory_space<hbm>> -> memref<100001x384xf32, #tpu.memory_space<hbm>>
    tpu.enqueue_indirect_dma source(%dma_start3A_35 : memref<100001x384xf32, #tpu.memory_space<hbm>>) target(%arg9 : memref<64x384xf32, #tpu.memory_space<vmem>>) offsets(%arg6 : memref<64xi32, #tpu.memory_space<vmem>>) semaphore(%arg12 : memref<!tpu.dma_semaphore, #tpu.memory_space<semaphore_mem>>)
    %dma_wait3A_36 = arith.constant 0 : i32
    %dma_wait3A_37 = arith.constant 0 : i32
    %dma_wait3A_38 = tpu.memref_slice %arg3[%dma_wait3A_36, %dma_wait3A_37] : memref<100001x384xf32, #tpu.memory_space<hbm>> -> memref<100001x384xf32, #tpu.memory_space<hbm>>
    tpu.wait_indirect_dma semaphore(%arg13 : memref<!tpu.dma_semaphore, #tpu.memory_space<semaphore_mem>>) src(%dma_wait3A_38 : memref<100001x384xf32, #tpu.memory_space<hbm>>) dst(%arg10 : memref<64x384xf32, #tpu.memory_space<vmem>>)
    %add3A_39 = arith.constant 128 : i32
    %add3A_40 = arith.addi %mul3A_2, %add3A_39 : i32
    "tpu.region"() ({
      %run_scoped3A = tpu.sem_alloc : memref<!tpu.dma_semaphore, #tpu.memory_space<semaphore_mem>>
      %dma_start3A_101 = arith.constant 0 : i32
      %dma_start3A_102 = tpu.memref_slice %arg4[%add3A_40, %dma_start3A_101] : memref<20480x384xf32, #tpu.memory_space<hbm>> -> memref<64x384xf32, #tpu.memory_space<hbm>>
      %dma_start3A_103 = arith.constant 0 : i32
      %dma_start3A_104 = tpu.memref_slice %arg4[%add3A_40, %dma_start3A_103] : memref<20480x384xf32, #tpu.memory_space<hbm>> -> memref<64x384xf32, #tpu.memory_space<hbm>>
      tpu.enqueue_dma source(%arg10 : memref<64x384xf32, #tpu.memory_space<vmem>>) target(%dma_start3A_104 : memref<64x384xf32, #tpu.memory_space<hbm>>) target_semaphore(%run_scoped3A : memref<!tpu.dma_semaphore, #tpu.memory_space<semaphore_mem>>)
      %dma_wait3A_105 = arith.constant 0 : i32
      %dma_wait3A_106 = tpu.memref_slice %arg4[%add3A_40, %dma_wait3A_105] : memref<20480x384xf32, #tpu.memory_space<hbm>> -> memref<64x384xf32, #tpu.memory_space<hbm>>
      %dma_wait3A_107 = arith.constant 0 : i32
      %dma_wait3A_108 = tpu.memref_slice %arg4[%add3A_40, %dma_wait3A_107] : memref<20480x384xf32, #tpu.memory_space<hbm>> -> memref<64x384xf32, #tpu.memory_space<hbm>>
      tpu.wait_dma2 semaphore(%run_scoped3A : memref<!tpu.dma_semaphore, #tpu.memory_space<semaphore_mem>>) src(%arg10 : memref<64x384xf32, #tpu.memory_space<vmem>>) dst(%dma_wait3A_108 : memref<64x384xf32, #tpu.memory_space<hbm>>)
      tpu.yield
    }) : () -> ()
    %add3A_41 = arith.constant 320 : i32
    %add3A_42 = arith.addi %mul3A_2, %add3A_41 : i32
    "tpu.region"() ({
      %run_scoped3A = tpu.sem_alloc : memref<!tpu.dma_semaphore, #tpu.memory_space<semaphore_mem>>
      %dma_start3A_101 = tpu.memref_slice %arg2[%add3A_42] : memref<20480xi32, #tpu.memory_space<hbm>> -> memref<64xi32, #tpu.memory_space<hbm>>
      %dma_start3A_102 = tpu.memref_slice %arg2[%add3A_42] : memref<20480xi32, #tpu.memory_space<hbm>> -> memref<64xi32, #tpu.memory_space<hbm>>
      tpu.enqueue_dma source(%dma_start3A_102 : memref<64xi32, #tpu.memory_space<hbm>>) target(%arg7 : memref<64xi32, #tpu.memory_space<vmem>>) target_semaphore(%run_scoped3A : memref<!tpu.dma_semaphore, #tpu.memory_space<semaphore_mem>>)
      %dma_wait3A_103 = tpu.memref_slice %arg2[%add3A_42] : memref<20480xi32, #tpu.memory_space<hbm>> -> memref<64xi32, #tpu.memory_space<hbm>>
      %dma_wait3A_104 = tpu.memref_slice %arg2[%add3A_42] : memref<20480xi32, #tpu.memory_space<hbm>> -> memref<64xi32, #tpu.memory_space<hbm>>
      tpu.wait_dma2 semaphore(%run_scoped3A : memref<!tpu.dma_semaphore, #tpu.memory_space<semaphore_mem>>) src(%dma_wait3A_104 : memref<64xi32, #tpu.memory_space<hbm>>) dst(%arg7 : memref<64xi32, #tpu.memory_space<vmem>>)
      tpu.yield
    }) : () -> ()
    %dma_start3A_43 = arith.constant 0 : i32
    %dma_start3A_44 = arith.constant 0 : i32
    %dma_start3A_45 = tpu.memref_slice %arg3[%dma_start3A_43, %dma_start3A_44] : memref<100001x384xf32, #tpu.memory_space<hbm>> -> memref<100001x384xf32, #tpu.memory_space<hbm>>
    tpu.enqueue_indirect_dma source(%dma_start3A_45 : memref<100001x384xf32, #tpu.memory_space<hbm>>) target(%arg10 : memref<64x384xf32, #tpu.memory_space<vmem>>) offsets(%arg7 : memref<64xi32, #tpu.memory_space<vmem>>) semaphore(%arg13 : memref<!tpu.dma_semaphore, #tpu.memory_space<semaphore_mem>>)
    %dma_wait3A_46 = arith.constant 0 : i32
    %dma_wait3A_47 = arith.constant 0 : i32
    %dma_wait3A_48 = tpu.memref_slice %arg3[%dma_wait3A_46, %dma_wait3A_47] : memref<100001x384xf32, #tpu.memory_space<hbm>> -> memref<100001x384xf32, #tpu.memory_space<hbm>>
    tpu.wait_indirect_dma semaphore(%arg11 : memref<!tpu.dma_semaphore, #tpu.memory_space<semaphore_mem>>) src(%dma_wait3A_48 : memref<100001x384xf32, #tpu.memory_space<hbm>>) dst(%arg8 : memref<64x384xf32, #tpu.memory_space<vmem>>)
    %add3A_49 = arith.constant 192 : i32
    %add3A_50 = arith.addi %mul3A_2, %add3A_49 : i32
    "tpu.region"() ({
      %run_scoped3A = tpu.sem_alloc : memref<!tpu.dma_semaphore, #tpu.memory_space<semaphore_mem>>
      %dma_start3A_101 = arith.constant 0 : i32
      %dma_start3A_102 = tpu.memref_slice %arg4[%add3A_50, %dma_start3A_101] : memref<20480x384xf32, #tpu.memory_space<hbm>> -> memref<64x384xf32, #tpu.memory_space<hbm>>
      %dma_start3A_103 = arith.constant 0 : i32
      %dma_start3A_104 = tpu.memref_slice %arg4[%add3A_50, %dma_start3A_103] : memref<20480x384xf32, #tpu.memory_space<hbm>> -> memref<64x384xf32, #tpu.memory_space<hbm>>
      tpu.enqueue_dma source(%arg8 : memref<64x384xf32, #tpu.memory_space<vmem>>) target(%dma_start3A_104 : memref<64x384xf32, #tpu.memory_space<hbm>>) target_semaphore(%run_scoped3A : memref<!tpu.dma_semaphore, #tpu.memory_space<semaphore_mem>>)
      %dma_wait3A_105 = arith.constant 0 : i32
      %dma_wait3A_106 = tpu.memref_slice %arg4[%add3A_50, %dma_wait3A_105] : memref<20480x384xf32, #tpu.memory_space<hbm>> -> memref<64x384xf32, #tpu.memory_space<hbm>>
      %dma_wait3A_107 = arith.constant 0 : i32
      %dma_wait3A_108 = tpu.memref_slice %arg4[%add3A_50, %dma_wait3A_107] : memref<20480x384xf32, #tpu.memory_space<hbm>> -> memref<64x384xf32, #tpu.memory_space<hbm>>
      tpu.wait_dma2 semaphore(%run_scoped3A : memref<!tpu.dma_semaphore, #tpu.memory_space<semaphore_mem>>) src(%arg8 : memref<64x384xf32, #tpu.memory_space<vmem>>) dst(%dma_wait3A_108 : memref<64x384xf32, #tpu.memory_space<hbm>>)
      tpu.yield
    }) : () -> ()
    %add3A_51 = arith.constant 384 : i32
    %add3A_52 = arith.addi %mul3A_2, %add3A_51 : i32
    "tpu.region"() ({
      %run_scoped3A = tpu.sem_alloc : memref<!tpu.dma_semaphore, #tpu.memory_space<semaphore_mem>>
      %dma_start3A_101 = tpu.memref_slice %arg2[%add3A_52] : memref<20480xi32, #tpu.memory_space<hbm>> -> memref<64xi32, #tpu.memory_space<hbm>>
      %dma_start3A_102 = tpu.memref_slice %arg2[%add3A_52] : memref<20480xi32, #tpu.memory_space<hbm>> -> memref<64xi32, #tpu.memory_space<hbm>>
      tpu.enqueue_dma source(%dma_start3A_102 : memref<64xi32, #tpu.memory_space<hbm>>) target(%arg5 : memref<64xi32, #tpu.memory_space<vmem>>) target_semaphore(%run_scoped3A : memref<!tpu.dma_semaphore, #tpu.memory_space<semaphore_mem>>)
      %dma_wait3A_103 = tpu.memref_slice %arg2[%add3A_52] : memref<20480xi32, #tpu.memory_space<hbm>> -> memref<64xi32, #tpu.memory_space<hbm>>
      %dma_wait3A_104 = tpu.memref_slice %arg2[%add3A_52] : memref<20480xi32, #tpu.memory_space<hbm>> -> memref<64xi32, #tpu.memory_space<hbm>>
      tpu.wait_dma2 semaphore(%run_scoped3A : memref<!tpu.dma_semaphore, #tpu.memory_space<semaphore_mem>>) src(%dma_wait3A_104 : memref<64xi32, #tpu.memory_space<hbm>>) dst(%arg5 : memref<64xi32, #tpu.memory_space<vmem>>)
      tpu.yield
    }) : () -> ()
    %dma_start3A_53 = arith.constant 0 : i32
    %dma_start3A_54 = arith.constant 0 : i32
    %dma_start3A_55 = tpu.memref_slice %arg3[%dma_start3A_53, %dma_start3A_54] : memref<100001x384xf32, #tpu.memory_space<hbm>> -> memref<100001x384xf32, #tpu.memory_space<hbm>>
    tpu.enqueue_indirect_dma source(%dma_start3A_55 : memref<100001x384xf32, #tpu.memory_space<hbm>>) target(%arg8 : memref<64x384xf32, #tpu.memory_space<vmem>>) offsets(%arg5 : memref<64xi32, #tpu.memory_space<vmem>>) semaphore(%arg11 : memref<!tpu.dma_semaphore, #tpu.memory_space<semaphore_mem>>)
    %dma_wait3A_56 = arith.constant 0 : i32
    %dma_wait3A_57 = arith.constant 0 : i32
    %dma_wait3A_58 = tpu.memref_slice %arg3[%dma_wait3A_56, %dma_wait3A_57] : memref<100001x384xf32, #tpu.memory_space<hbm>> -> memref<100001x384xf32, #tpu.memory_space<hbm>>
    tpu.wait_indirect_dma semaphore(%arg12 : memref<!tpu.dma_semaphore, #tpu.memory_space<semaphore_mem>>) src(%dma_wait3A_58 : memref<100001x384xf32, #tpu.memory_space<hbm>>) dst(%arg9 : memref<64x384xf32, #tpu.memory_space<vmem>>)
    %add3A_59 = arith.constant 256 : i32
    %add3A_60 = arith.addi %mul3A_2, %add3A_59 : i32
    "tpu.region"() ({
      %run_scoped3A = tpu.sem_alloc : memref<!tpu.dma_semaphore, #tpu.memory_space<semaphore_mem>>
      %dma_start3A_101 = arith.constant 0 : i32
      %dma_start3A_102 = tpu.memref_slice %arg4[%add3A_60, %dma_start3A_101] : memref<20480x384xf32, #tpu.memory_space<hbm>> -> memref<64x384xf32, #tpu.memory_space<hbm>>
      %dma_start3A_103 = arith.constant 0 : i32
      %dma_start3A_104 = tpu.memref_slice %arg4[%add3A_60, %dma_start3A_103] : memref<20480x384xf32, #tpu.memory_space<hbm>> -> memref<64x384xf32, #tpu.memory_space<hbm>>
      tpu.enqueue_dma source(%arg9 : memref<64x384xf32, #tpu.memory_space<vmem>>) target(%dma_start3A_104 : memref<64x384xf32, #tpu.memory_space<hbm>>) target_semaphore(%run_scoped3A : memref<!tpu.dma_semaphore, #tpu.memory_space<semaphore_mem>>)
      %dma_wait3A_105 = arith.constant 0 : i32
      %dma_wait3A_106 = tpu.memref_slice %arg4[%add3A_60, %dma_wait3A_105] : memref<20480x384xf32, #tpu.memory_space<hbm>> -> memref<64x384xf32, #tpu.memory_space<hbm>>
      %dma_wait3A_107 = arith.constant 0 : i32
      %dma_wait3A_108 = tpu.memref_slice %arg4[%add3A_60, %dma_wait3A_107] : memref<20480x384xf32, #tpu.memory_space<hbm>> -> memref<64x384xf32, #tpu.memory_space<hbm>>
      tpu.wait_dma2 semaphore(%run_scoped3A : memref<!tpu.dma_semaphore, #tpu.memory_space<semaphore_mem>>) src(%arg9 : memref<64x384xf32, #tpu.memory_space<vmem>>) dst(%dma_wait3A_108 : memref<64x384xf32, #tpu.memory_space<hbm>>)
      tpu.yield
    }) : () -> ()
    %add3A_61 = arith.constant 448 : i32
    %add3A_62 = arith.addi %mul3A_2, %add3A_61 : i32
    "tpu.region"() ({
      %run_scoped3A = tpu.sem_alloc : memref<!tpu.dma_semaphore, #tpu.memory_space<semaphore_mem>>
      %dma_start3A_101 = tpu.memref_slice %arg2[%add3A_62] : memref<20480xi32, #tpu.memory_space<hbm>> -> memref<64xi32, #tpu.memory_space<hbm>>
      %dma_start3A_102 = tpu.memref_slice %arg2[%add3A_62] : memref<20480xi32, #tpu.memory_space<hbm>> -> memref<64xi32, #tpu.memory_space<hbm>>
      tpu.enqueue_dma source(%dma_start3A_102 : memref<64xi32, #tpu.memory_space<hbm>>) target(%arg6 : memref<64xi32, #tpu.memory_space<vmem>>) target_semaphore(%run_scoped3A : memref<!tpu.dma_semaphore, #tpu.memory_space<semaphore_mem>>)
      %dma_wait3A_103 = tpu.memref_slice %arg2[%add3A_62] : memref<20480xi32, #tpu.memory_space<hbm>> -> memref<64xi32, #tpu.memory_space<hbm>>
      %dma_wait3A_104 = tpu.memref_slice %arg2[%add3A_62] : memref<20480xi32, #tpu.memory_space<hbm>> -> memref<64xi32, #tpu.memory_space<hbm>>
      tpu.wait_dma2 semaphore(%run_scoped3A : memref<!tpu.dma_semaphore, #tpu.memory_space<semaphore_mem>>) src(%dma_wait3A_104 : memref<64xi32, #tpu.memory_space<hbm>>) dst(%arg6 : memref<64xi32, #tpu.memory_space<vmem>>)
      tpu.yield
    }) : () -> ()
    %dma_start3A_63 = arith.constant 0 : i32
    %dma_start3A_64 = arith.constant 0 : i32
    %dma_start3A_65 = tpu.memref_slice %arg3[%dma_start3A_63, %dma_start3A_64] : memref<100001x384xf32, #tpu.memory_space<hbm>> -> memref<100001x384xf32, #tpu.memory_space<hbm>>
    tpu.enqueue_indirect_dma source(%dma_start3A_65 : memref<100001x384xf32, #tpu.memory_space<hbm>>) target(%arg9 : memref<64x384xf32, #tpu.memory_space<vmem>>) offsets(%arg6 : memref<64xi32, #tpu.memory_space<vmem>>) semaphore(%arg12 : memref<!tpu.dma_semaphore, #tpu.memory_space<semaphore_mem>>)
    %dma_wait3A_66 = arith.constant 0 : i32
    %dma_wait3A_67 = arith.constant 0 : i32
    %dma_wait3A_68 = tpu.memref_slice %arg3[%dma_wait3A_66, %dma_wait3A_67] : memref<100001x384xf32, #tpu.memory_space<hbm>> -> memref<100001x384xf32, #tpu.memory_space<hbm>>
    tpu.wait_indirect_dma semaphore(%arg13 : memref<!tpu.dma_semaphore, #tpu.memory_space<semaphore_mem>>) src(%dma_wait3A_68 : memref<100001x384xf32, #tpu.memory_space<hbm>>) dst(%arg10 : memref<64x384xf32, #tpu.memory_space<vmem>>)
    %add3A_69 = arith.constant 320 : i32
    %add3A_70 = arith.addi %mul3A_2, %add3A_69 : i32
    "tpu.region"() ({
      %run_scoped3A = tpu.sem_alloc : memref<!tpu.dma_semaphore, #tpu.memory_space<semaphore_mem>>
      %dma_start3A_101 = arith.constant 0 : i32
      %dma_start3A_102 = tpu.memref_slice %arg4[%add3A_70, %dma_start3A_101] : memref<20480x384xf32, #tpu.memory_space<hbm>> -> memref<64x384xf32, #tpu.memory_space<hbm>>
      %dma_start3A_103 = arith.constant 0 : i32
      %dma_start3A_104 = tpu.memref_slice %arg4[%add3A_70, %dma_start3A_103] : memref<20480x384xf32, #tpu.memory_space<hbm>> -> memref<64x384xf32, #tpu.memory_space<hbm>>
      tpu.enqueue_dma source(%arg10 : memref<64x384xf32, #tpu.memory_space<vmem>>) target(%dma_start3A_104 : memref<64x384xf32, #tpu.memory_space<hbm>>) target_semaphore(%run_scoped3A : memref<!tpu.dma_semaphore, #tpu.memory_space<semaphore_mem>>)
      %dma_wait3A_105 = arith.constant 0 : i32
      %dma_wait3A_106 = tpu.memref_slice %arg4[%add3A_70, %dma_wait3A_105] : memref<20480x384xf32, #tpu.memory_space<hbm>> -> memref<64x384xf32, #tpu.memory_space<hbm>>
      %dma_wait3A_107 = arith.constant 0 : i32
      %dma_wait3A_108 = tpu.memref_slice %arg4[%add3A_70, %dma_wait3A_107] : memref<20480x384xf32, #tpu.memory_space<hbm>> -> memref<64x384xf32, #tpu.memory_space<hbm>>
      tpu.wait_dma2 semaphore(%run_scoped3A : memref<!tpu.dma_semaphore, #tpu.memory_space<semaphore_mem>>) src(%arg10 : memref<64x384xf32, #tpu.memory_space<vmem>>) dst(%dma_wait3A_108 : memref<64x384xf32, #tpu.memory_space<hbm>>)
      tpu.yield
    }) : () -> ()
    %add3A_71 = arith.constant 512 : i32
    %add3A_72 = arith.addi %mul3A_2, %add3A_71 : i32
    "tpu.region"() ({
      %run_scoped3A = tpu.sem_alloc : memref<!tpu.dma_semaphore, #tpu.memory_space<semaphore_mem>>
      %dma_start3A_101 = tpu.memref_slice %arg2[%add3A_72] : memref<20480xi32, #tpu.memory_space<hbm>> -> memref<64xi32, #tpu.memory_space<hbm>>
      %dma_start3A_102 = tpu.memref_slice %arg2[%add3A_72] : memref<20480xi32, #tpu.memory_space<hbm>> -> memref<64xi32, #tpu.memory_space<hbm>>
      tpu.enqueue_dma source(%dma_start3A_102 : memref<64xi32, #tpu.memory_space<hbm>>) target(%arg7 : memref<64xi32, #tpu.memory_space<vmem>>) target_semaphore(%run_scoped3A : memref<!tpu.dma_semaphore, #tpu.memory_space<semaphore_mem>>)
      %dma_wait3A_103 = tpu.memref_slice %arg2[%add3A_72] : memref<20480xi32, #tpu.memory_space<hbm>> -> memref<64xi32, #tpu.memory_space<hbm>>
      %dma_wait3A_104 = tpu.memref_slice %arg2[%add3A_72] : memref<20480xi32, #tpu.memory_space<hbm>> -> memref<64xi32, #tpu.memory_space<hbm>>
      tpu.wait_dma2 semaphore(%run_scoped3A : memref<!tpu.dma_semaphore, #tpu.memory_space<semaphore_mem>>) src(%dma_wait3A_104 : memref<64xi32, #tpu.memory_space<hbm>>) dst(%arg7 : memref<64xi32, #tpu.memory_space<vmem>>)
      tpu.yield
    }) : () -> ()
    %dma_start3A_73 = arith.constant 0 : i32
    %dma_start3A_74 = arith.constant 0 : i32
    %dma_start3A_75 = tpu.memref_slice %arg3[%dma_start3A_73, %dma_start3A_74] : memref<100001x384xf32, #tpu.memory_space<hbm>> -> memref<100001x384xf32, #tpu.memory_space<hbm>>
    tpu.enqueue_indirect_dma source(%dma_start3A_75 : memref<100001x384xf32, #tpu.memory_space<hbm>>) target(%arg10 : memref<64x384xf32, #tpu.memory_space<vmem>>) offsets(%arg7 : memref<64xi32, #tpu.memory_space<vmem>>) semaphore(%arg13 : memref<!tpu.dma_semaphore, #tpu.memory_space<semaphore_mem>>)
    %dma_wait3A_76 = arith.constant 0 : i32
    %dma_wait3A_77 = arith.constant 0 : i32
    %dma_wait3A_78 = tpu.memref_slice %arg3[%dma_wait3A_76, %dma_wait3A_77] : memref<100001x384xf32, #tpu.memory_space<hbm>> -> memref<100001x384xf32, #tpu.memory_space<hbm>>
    tpu.wait_indirect_dma semaphore(%arg11 : memref<!tpu.dma_semaphore, #tpu.memory_space<semaphore_mem>>) src(%dma_wait3A_78 : memref<100001x384xf32, #tpu.memory_space<hbm>>) dst(%arg8 : memref<64x384xf32, #tpu.memory_space<vmem>>)
    %add3A_79 = arith.constant 384 : i32
    %add3A_80 = arith.addi %mul3A_2, %add3A_79 : i32
    "tpu.region"() ({
      %run_scoped3A = tpu.sem_alloc : memref<!tpu.dma_semaphore, #tpu.memory_space<semaphore_mem>>
      %dma_start3A_101 = arith.constant 0 : i32
      %dma_start3A_102 = tpu.memref_slice %arg4[%add3A_80, %dma_start3A_101] : memref<20480x384xf32, #tpu.memory_space<hbm>> -> memref<64x384xf32, #tpu.memory_space<hbm>>
      %dma_start3A_103 = arith.constant 0 : i32
      %dma_start3A_104 = tpu.memref_slice %arg4[%add3A_80, %dma_start3A_103] : memref<20480x384xf32, #tpu.memory_space<hbm>> -> memref<64x384xf32, #tpu.memory_space<hbm>>
      tpu.enqueue_dma source(%arg8 : memref<64x384xf32, #tpu.memory_space<vmem>>) target(%dma_start3A_104 : memref<64x384xf32, #tpu.memory_space<hbm>>) target_semaphore(%run_scoped3A : memref<!tpu.dma_semaphore, #tpu.memory_space<semaphore_mem>>)
      %dma_wait3A_105 = arith.constant 0 : i32
      %dma_wait3A_106 = tpu.memref_slice %arg4[%add3A_80, %dma_wait3A_105] : memref<20480x384xf32, #tpu.memory_space<hbm>> -> memref<64x384xf32, #tpu.memory_space<hbm>>
      %dma_wait3A_107 = arith.constant 0 : i32
      %dma_wait3A_108 = tpu.memref_slice %arg4[%add3A_80, %dma_wait3A_107] : memref<20480x384xf32, #tpu.memory_space<hbm>> -> memref<64x384xf32, #tpu.memory_space<hbm>>
      tpu.wait_dma2 semaphore(%run_scoped3A : memref<!tpu.dma_semaphore, #tpu.memory_space<semaphore_mem>>) src(%arg8 : memref<64x384xf32, #tpu.memory_space<vmem>>) dst(%dma_wait3A_108 : memref<64x384xf32, #tpu.memory_space<hbm>>)
      tpu.yield
    }) : () -> ()
    %add3A_81 = arith.constant 576 : i32
    %add3A_82 = arith.addi %mul3A_2, %add3A_81 : i32
    "tpu.region"() ({
      %run_scoped3A = tpu.sem_alloc : memref<!tpu.dma_semaphore, #tpu.memory_space<semaphore_mem>>
      %dma_start3A_101 = tpu.memref_slice %arg2[%add3A_82] : memref<20480xi32, #tpu.memory_space<hbm>> -> memref<64xi32, #tpu.memory_space<hbm>>
      %dma_start3A_102 = tpu.memref_slice %arg2[%add3A_82] : memref<20480xi32, #tpu.memory_space<hbm>> -> memref<64xi32, #tpu.memory_space<hbm>>
      tpu.enqueue_dma source(%dma_start3A_102 : memref<64xi32, #tpu.memory_space<hbm>>) target(%arg5 : memref<64xi32, #tpu.memory_space<vmem>>) target_semaphore(%run_scoped3A : memref<!tpu.dma_semaphore, #tpu.memory_space<semaphore_mem>>)
      %dma_wait3A_103 = tpu.memref_slice %arg2[%add3A_82] : memref<20480xi32, #tpu.memory_space<hbm>> -> memref<64xi32, #tpu.memory_space<hbm>>
      %dma_wait3A_104 = tpu.memref_slice %arg2[%add3A_82] : memref<20480xi32, #tpu.memory_space<hbm>> -> memref<64xi32, #tpu.memory_space<hbm>>
      tpu.wait_dma2 semaphore(%run_scoped3A : memref<!tpu.dma_semaphore, #tpu.memory_space<semaphore_mem>>) src(%dma_wait3A_104 : memref<64xi32, #tpu.memory_space<hbm>>) dst(%arg5 : memref<64xi32, #tpu.memory_space<vmem>>)
      tpu.yield
    }) : () -> ()
    %dma_start3A_83 = arith.constant 0 : i32
    %dma_start3A_84 = arith.constant 0 : i32
    %dma_start3A_85 = tpu.memref_slice %arg3[%dma_start3A_83, %dma_start3A_84] : memref<100001x384xf32, #tpu.memory_space<hbm>> -> memref<100001x384xf32, #tpu.memory_space<hbm>>
    tpu.enqueue_indirect_dma source(%dma_start3A_85 : memref<100001x384xf32, #tpu.memory_space<hbm>>) target(%arg8 : memref<64x384xf32, #tpu.memory_space<vmem>>) offsets(%arg5 : memref<64xi32, #tpu.memory_space<vmem>>) semaphore(%arg11 : memref<!tpu.dma_semaphore, #tpu.memory_space<semaphore_mem>>)
    %dma_wait3A_86 = arith.constant 0 : i32
    %dma_wait3A_87 = arith.constant 0 : i32
    %dma_wait3A_88 = tpu.memref_slice %arg3[%dma_wait3A_86, %dma_wait3A_87] : memref<100001x384xf32, #tpu.memory_space<hbm>> -> memref<100001x384xf32, #tpu.memory_space<hbm>>
    tpu.wait_indirect_dma semaphore(%arg12 : memref<!tpu.dma_semaphore, #tpu.memory_space<semaphore_mem>>) src(%dma_wait3A_88 : memref<100001x384xf32, #tpu.memory_space<hbm>>) dst(%arg9 : memref<64x384xf32, #tpu.memory_space<vmem>>)
    %add3A_89 = arith.constant 448 : i32
    %add3A_90 = arith.addi %mul3A_2, %add3A_89 : i32
    "tpu.region"() ({
      %run_scoped3A = tpu.sem_alloc : memref<!tpu.dma_semaphore, #tpu.memory_space<semaphore_mem>>
      %dma_start3A_101 = arith.constant 0 : i32
      %dma_start3A_102 = tpu.memref_slice %arg4[%add3A_90, %dma_start3A_101] : memref<20480x384xf32, #tpu.memory_space<hbm>> -> memref<64x384xf32, #tpu.memory_space<hbm>>
      %dma_start3A_103 = arith.constant 0 : i32
      %dma_start3A_104 = tpu.memref_slice %arg4[%add3A_90, %dma_start3A_103] : memref<20480x384xf32, #tpu.memory_space<hbm>> -> memref<64x384xf32, #tpu.memory_space<hbm>>
      tpu.enqueue_dma source(%arg9 : memref<64x384xf32, #tpu.memory_space<vmem>>) target(%dma_start3A_104 : memref<64x384xf32, #tpu.memory_space<hbm>>) target_semaphore(%run_scoped3A : memref<!tpu.dma_semaphore, #tpu.memory_space<semaphore_mem>>)
      %dma_wait3A_105 = arith.constant 0 : i32
      %dma_wait3A_106 = tpu.memref_slice %arg4[%add3A_90, %dma_wait3A_105] : memref<20480x384xf32, #tpu.memory_space<hbm>> -> memref<64x384xf32, #tpu.memory_space<hbm>>
      %dma_wait3A_107 = arith.constant 0 : i32
      %dma_wait3A_108 = tpu.memref_slice %arg4[%add3A_90, %dma_wait3A_107] : memref<20480x384xf32, #tpu.memory_space<hbm>> -> memref<64x384xf32, #tpu.memory_space<hbm>>
      tpu.wait_dma2 semaphore(%run_scoped3A : memref<!tpu.dma_semaphore, #tpu.memory_space<semaphore_mem>>) src(%arg9 : memref<64x384xf32, #tpu.memory_space<vmem>>) dst(%dma_wait3A_108 : memref<64x384xf32, #tpu.memory_space<hbm>>)
      tpu.yield
    }) : () -> ()
    %dma_wait3A_91 = arith.constant 0 : i32
    %dma_wait3A_92 = arith.constant 0 : i32
    %dma_wait3A_93 = tpu.memref_slice %arg3[%dma_wait3A_91, %dma_wait3A_92] : memref<100001x384xf32, #tpu.memory_space<hbm>> -> memref<100001x384xf32, #tpu.memory_space<hbm>>
    tpu.wait_indirect_dma semaphore(%arg13 : memref<!tpu.dma_semaphore, #tpu.memory_space<semaphore_mem>>) src(%dma_wait3A_93 : memref<100001x384xf32, #tpu.memory_space<hbm>>) dst(%arg10 : memref<64x384xf32, #tpu.memory_space<vmem>>)
    %add3A_94 = arith.constant 512 : i32
    %add3A_95 = arith.addi %mul3A_2, %add3A_94 : i32
    "tpu.region"() ({
      %run_scoped3A = tpu.sem_alloc : memref<!tpu.dma_semaphore, #tpu.memory_space<semaphore_mem>>
      %dma_start3A_101 = arith.constant 0 : i32
      %dma_start3A_102 = tpu.memref_slice %arg4[%add3A_95, %dma_start3A_101] : memref<20480x384xf32, #tpu.memory_space<hbm>> -> memref<64x384xf32, #tpu.memory_space<hbm>>
      %dma_start3A_103 = arith.constant 0 : i32
      %dma_start3A_104 = tpu.memref_slice %arg4[%add3A_95, %dma_start3A_103] : memref<20480x384xf32, #tpu.memory_space<hbm>> -> memref<64x384xf32, #tpu.memory_space<hbm>>
      tpu.enqueue_dma source(%arg10 : memref<64x384xf32, #tpu.memory_space<vmem>>) target(%dma_start3A_104 : memref<64x384xf32, #tpu.memory_space<hbm>>) target_semaphore(%run_scoped3A : memref<!tpu.dma_semaphore, #tpu.memory_space<semaphore_mem>>)
      %dma_wait3A_105 = arith.constant 0 : i32
      %dma_wait3A_106 = tpu.memref_slice %arg4[%add3A_95, %dma_wait3A_105] : memref<20480x384xf32, #tpu.memory_space<hbm>> -> memref<64x384xf32, #tpu.memory_space<hbm>>
      %dma_wait3A_107 = arith.constant 0 : i32
      %dma_wait3A_108 = tpu.memref_slice %arg4[%add3A_95, %dma_wait3A_107] : memref<20480x384xf32, #tpu.memory_space<hbm>> -> memref<64x384xf32, #tpu.memory_space<hbm>>
      tpu.wait_dma2 semaphore(%run_scoped3A : memref<!tpu.dma_semaphore, #tpu.memory_space<semaphore_mem>>) src(%arg10 : memref<64x384xf32, #tpu.memory_space<vmem>>) dst(%dma_wait3A_108 : memref<64x384xf32, #tpu.memory_space<hbm>>)
      tpu.yield
    }) : () -> ()
    %dma_wait3A_96 = arith.constant 0 : i32
    %dma_wait3A_97 = arith.constant 0 : i32
    %dma_wait3A_98 = tpu.memref_slice %arg3[%dma_wait3A_96, %dma_wait3A_97] : memref<100001x384xf32, #tpu.memory_space<hbm>> -> memref<100001x384xf32, #tpu.memory_space<hbm>>
    tpu.wait_indirect_dma semaphore(%arg11 : memref<!tpu.dma_semaphore, #tpu.memory_space<semaphore_mem>>) src(%dma_wait3A_98 : memref<100001x384xf32, #tpu.memory_space<hbm>>) dst(%arg8 : memref<64x384xf32, #tpu.memory_space<vmem>>)
    %add3A_99 = arith.constant 576 : i32
    %add3A_100 = arith.addi %mul3A_2, %add3A_99 : i32
    "tpu.region"() ({
      %run_scoped3A = tpu.sem_alloc : memref<!tpu.dma_semaphore, #tpu.memory_space<semaphore_mem>>
      %dma_start3A_101 = arith.constant 0 : i32
      %dma_start3A_102 = tpu.memref_slice %arg4[%add3A_100, %dma_start3A_101] : memref<20480x384xf32, #tpu.memory_space<hbm>> -> memref<64x384xf32, #tpu.memory_space<hbm>>
      %dma_start3A_103 = arith.constant 0 : i32
      %dma_start3A_104 = tpu.memref_slice %arg4[%add3A_100, %dma_start3A_103] : memref<20480x384xf32, #tpu.memory_space<hbm>> -> memref<64x384xf32, #tpu.memory_space<hbm>>
      tpu.enqueue_dma source(%arg8 : memref<64x384xf32, #tpu.memory_space<vmem>>) target(%dma_start3A_104 : memref<64x384xf32, #tpu.memory_space<hbm>>) target_semaphore(%run_scoped3A : memref<!tpu.dma_semaphore, #tpu.memory_space<semaphore_mem>>)
      %dma_wait3A_105 = arith.constant 0 : i32
      %dma_wait3A_106 = tpu.memref_slice %arg4[%add3A_100, %dma_wait3A_105] : memref<20480x384xf32, #tpu.memory_space<hbm>> -> memref<64x384xf32, #tpu.memory_space<hbm>>
      %dma_wait3A_107 = arith.constant 0 : i32
      %dma_wait3A_108 = tpu.memref_slice %arg4[%add3A_100, %dma_wait3A_107] : memref<20480x384xf32, #tpu.memory_space<hbm>> -> memref<64x384xf32, #tpu.memory_space<hbm>>
      tpu.wait_dma2 semaphore(%run_scoped3A : memref<!tpu.dma_semaphore, #tpu.memory_space<semaphore_mem>>) src(%arg8 : memref<64x384xf32, #tpu.memory_space<vmem>>) dst(%dma_wait3A_108 : memref<64x384xf32, #tpu.memory_space<hbm>>)
      tpu.yield
    }) : () -> ()
    return
  }
}

module attributes {stable_mosaic.version = 14 : i64} {
  func.func @_tc_char_body(%arg0: i32, %arg1: memref<1280x16xi32, #tpu.memory_space<vmem>>, %arg2: memref<1312x200xbf16, #tpu.memory_space<vmem>>, %arg3: memref<5x200x200xbf16, #tpu.memory_space<vmem>>, %arg4: memref<1x200xf32, #tpu.memory_space<vmem>>, %arg5: memref<1280x200xf32, #tpu.memory_space<vmem>>) attributes {dimension_semantics = [#tpu.dimension_semantics<arbitrary>], iteration_bounds = array<i64: 16>, scalar_prefetch = 0 : i64, scratch_operands = 0 : i64, tpu.core_type = #tpu.core_type<tc>, window_params = [{transform_indices = @transform_0, window_bounds = array<i64: 1280, 16>}, {pipeline_mode = #tpu.pipeline_mode<synchronous>, transform_indices = @transform_1, window_bounds = array<i64: 1312, 200>}, {pipeline_mode = #tpu.pipeline_mode<synchronous>, transform_indices = @transform_2, window_bounds = array<i64: 5, 200, 200>}, {pipeline_mode = #tpu.pipeline_mode<synchronous>, transform_indices = @transform_3, window_bounds = array<i64: 1, 200>}, {transform_indices = @transform_4, window_bounds = array<i64: 1280, 200>}]} {
    %get3A = arith.constant 0 : index
    %get3A_0 = arith.constant 0 : index
    %get3A_1 = vector.load %arg1[%get3A, %get3A_0] : memref<1280x16xi32, #tpu.memory_space<vmem>>, vector<1280x16xi32>
    %get3A_2 = arith.constant 0 : index
    %get3A_3 = arith.constant 0 : index
    %get3A_4 = vector.load %arg2[%get3A_2, %get3A_3] : memref<1312x200xbf16, #tpu.memory_space<vmem>>, vector<1312x200xbf16>
    %slice3A = vector.extract_strided_slice %get3A_1 {offsets = [0, 0], sizes = [1280, 1], strides = [1, 1]} : vector<1280x16xi32> to vector<1280x1xi32>
    %iota3A = tpu.iota {dimensions = array<i32: 1>} : vector<1280x1312xi32>
    %eq3A = vector.broadcast %slice3A : vector<1280x1xi32> to vector<1280x1312xi32>
    %eq3A_5 = arith.cmpi eq, %eq3A, %iota3A : vector<1280x1312xi32>
    %convert_element_type3A = arith.extui %eq3A_5 : vector<1280x1312xi1> to vector<1280x1312xi32>
    %convert_element_type3A_6 = arith.sitofp %convert_element_type3A : vector<1280x1312xi32> to vector<1280x1312xf32>
    %convert_element_type3A_7 = arith.truncf %convert_element_type3A_6 : vector<1280x1312xf32> to vector<1280x1312xbf16>
    %dot_general3A = arith.constant dense<0.000000e+00> : vector<1280x200xf32>
    %dot_general3A_8 = tpu.matmul %convert_element_type3A_7, %get3A_4, %dot_general3A {dimension_numbers = #tpu.dot_dimension_numbers<[1], [0], [0], [1], [0, 0, 1, 1], [], []>, transpose_lhs_hint = false} : vector<1280x1312xbf16>, vector<1312x200xbf16>, vector<1280x200xf32> -> vector<1280x200xf32>
    %convert_element_type3A_9 = arith.truncf %dot_general3A_8 : vector<1280x200xf32> to vector<1280x200xbf16>
    %slice3A_10 = vector.extract_strided_slice %get3A_1 {offsets = [0, 1], sizes = [1280, 1], strides = [1, 1]} : vector<1280x16xi32> to vector<1280x1xi32>
    %iota3A_11 = tpu.iota {dimensions = array<i32: 1>} : vector<1280x1312xi32>
    %eq3A_12 = vector.broadcast %slice3A_10 : vector<1280x1xi32> to vector<1280x1312xi32>
    %eq3A_13 = arith.cmpi eq, %eq3A_12, %iota3A_11 : vector<1280x1312xi32>
    %convert_element_type3A_14 = arith.extui %eq3A_13 : vector<1280x1312xi1> to vector<1280x1312xi32>
    %convert_element_type3A_15 = arith.sitofp %convert_element_type3A_14 : vector<1280x1312xi32> to vector<1280x1312xf32>
    %convert_element_type3A_16 = arith.truncf %convert_element_type3A_15 : vector<1280x1312xf32> to vector<1280x1312xbf16>
    %dot_general3A_17 = arith.constant dense<0.000000e+00> : vector<1280x200xf32>
    %dot_general3A_18 = tpu.matmul %convert_element_type3A_16, %get3A_4, %dot_general3A_17 {dimension_numbers = #tpu.dot_dimension_numbers<[1], [0], [0], [1], [0, 0, 1, 1], [], []>, transpose_lhs_hint = false} : vector<1280x1312xbf16>, vector<1312x200xbf16>, vector<1280x200xf32> -> vector<1280x200xf32>
    %convert_element_type3A_19 = arith.truncf %dot_general3A_18 : vector<1280x200xf32> to vector<1280x200xbf16>
    %slice3A_20 = vector.extract_strided_slice %get3A_1 {offsets = [0, 2], sizes = [1280, 1], strides = [1, 1]} : vector<1280x16xi32> to vector<1280x1xi32>
    %iota3A_21 = tpu.iota {dimensions = array<i32: 1>} : vector<1280x1312xi32>
    %eq3A_22 = vector.broadcast %slice3A_20 : vector<1280x1xi32> to vector<1280x1312xi32>
    %eq3A_23 = arith.cmpi eq, %eq3A_22, %iota3A_21 : vector<1280x1312xi32>
    %convert_element_type3A_24 = arith.extui %eq3A_23 : vector<1280x1312xi1> to vector<1280x1312xi32>
    %convert_element_type3A_25 = arith.sitofp %convert_element_type3A_24 : vector<1280x1312xi32> to vector<1280x1312xf32>
    %convert_element_type3A_26 = arith.truncf %convert_element_type3A_25 : vector<1280x1312xf32> to vector<1280x1312xbf16>
    %dot_general3A_27 = arith.constant dense<0.000000e+00> : vector<1280x200xf32>
    %dot_general3A_28 = tpu.matmul %convert_element_type3A_26, %get3A_4, %dot_general3A_27 {dimension_numbers = #tpu.dot_dimension_numbers<[1], [0], [0], [1], [0, 0, 1, 1], [], []>, transpose_lhs_hint = false} : vector<1280x1312xbf16>, vector<1312x200xbf16>, vector<1280x200xf32> -> vector<1280x200xf32>
    %convert_element_type3A_29 = arith.truncf %dot_general3A_28 : vector<1280x200xf32> to vector<1280x200xbf16>
    %slice3A_30 = vector.extract_strided_slice %get3A_1 {offsets = [0, 3], sizes = [1280, 1], strides = [1, 1]} : vector<1280x16xi32> to vector<1280x1xi32>
    %iota3A_31 = tpu.iota {dimensions = array<i32: 1>} : vector<1280x1312xi32>
    %eq3A_32 = vector.broadcast %slice3A_30 : vector<1280x1xi32> to vector<1280x1312xi32>
    %eq3A_33 = arith.cmpi eq, %eq3A_32, %iota3A_31 : vector<1280x1312xi32>
    %convert_element_type3A_34 = arith.extui %eq3A_33 : vector<1280x1312xi1> to vector<1280x1312xi32>
    %convert_element_type3A_35 = arith.sitofp %convert_element_type3A_34 : vector<1280x1312xi32> to vector<1280x1312xf32>
    %convert_element_type3A_36 = arith.truncf %convert_element_type3A_35 : vector<1280x1312xf32> to vector<1280x1312xbf16>
    %dot_general3A_37 = arith.constant dense<0.000000e+00> : vector<1280x200xf32>
    %dot_general3A_38 = tpu.matmul %convert_element_type3A_36, %get3A_4, %dot_general3A_37 {dimension_numbers = #tpu.dot_dimension_numbers<[1], [0], [0], [1], [0, 0, 1, 1], [], []>, transpose_lhs_hint = false} : vector<1280x1312xbf16>, vector<1312x200xbf16>, vector<1280x200xf32> -> vector<1280x200xf32>
    %convert_element_type3A_39 = arith.truncf %dot_general3A_38 : vector<1280x200xf32> to vector<1280x200xbf16>
    %slice3A_40 = vector.extract_strided_slice %get3A_1 {offsets = [0, 4], sizes = [1280, 1], strides = [1, 1]} : vector<1280x16xi32> to vector<1280x1xi32>
    %iota3A_41 = tpu.iota {dimensions = array<i32: 1>} : vector<1280x1312xi32>
    %eq3A_42 = vector.broadcast %slice3A_40 : vector<1280x1xi32> to vector<1280x1312xi32>
    %eq3A_43 = arith.cmpi eq, %eq3A_42, %iota3A_41 : vector<1280x1312xi32>
    %convert_element_type3A_44 = arith.extui %eq3A_43 : vector<1280x1312xi1> to vector<1280x1312xi32>
    %convert_element_type3A_45 = arith.sitofp %convert_element_type3A_44 : vector<1280x1312xi32> to vector<1280x1312xf32>
    %convert_element_type3A_46 = arith.truncf %convert_element_type3A_45 : vector<1280x1312xf32> to vector<1280x1312xbf16>
    %dot_general3A_47 = arith.constant dense<0.000000e+00> : vector<1280x200xf32>
    %dot_general3A_48 = tpu.matmul %convert_element_type3A_46, %get3A_4, %dot_general3A_47 {dimension_numbers = #tpu.dot_dimension_numbers<[1], [0], [0], [1], [0, 0, 1, 1], [], []>, transpose_lhs_hint = false} : vector<1280x1312xbf16>, vector<1312x200xbf16>, vector<1280x200xf32> -> vector<1280x200xf32>
    %convert_element_type3A_49 = arith.truncf %dot_general3A_48 : vector<1280x200xf32> to vector<1280x200xbf16>
    %slice3A_50 = vector.extract_strided_slice %get3A_1 {offsets = [0, 5], sizes = [1280, 1], strides = [1, 1]} : vector<1280x16xi32> to vector<1280x1xi32>
    %iota3A_51 = tpu.iota {dimensions = array<i32: 1>} : vector<1280x1312xi32>
    %eq3A_52 = vector.broadcast %slice3A_50 : vector<1280x1xi32> to vector<1280x1312xi32>
    %eq3A_53 = arith.cmpi eq, %eq3A_52, %iota3A_51 : vector<1280x1312xi32>
    %convert_element_type3A_54 = arith.extui %eq3A_53 : vector<1280x1312xi1> to vector<1280x1312xi32>
    %convert_element_type3A_55 = arith.sitofp %convert_element_type3A_54 : vector<1280x1312xi32> to vector<1280x1312xf32>
    %convert_element_type3A_56 = arith.truncf %convert_element_type3A_55 : vector<1280x1312xf32> to vector<1280x1312xbf16>
    %dot_general3A_57 = arith.constant dense<0.000000e+00> : vector<1280x200xf32>
    %dot_general3A_58 = tpu.matmul %convert_element_type3A_56, %get3A_4, %dot_general3A_57 {dimension_numbers = #tpu.dot_dimension_numbers<[1], [0], [0], [1], [0, 0, 1, 1], [], []>, transpose_lhs_hint = false} : vector<1280x1312xbf16>, vector<1312x200xbf16>, vector<1280x200xf32> -> vector<1280x200xf32>
    %convert_element_type3A_59 = arith.truncf %dot_general3A_58 : vector<1280x200xf32> to vector<1280x200xbf16>
    %slice3A_60 = vector.extract_strided_slice %get3A_1 {offsets = [0, 6], sizes = [1280, 1], strides = [1, 1]} : vector<1280x16xi32> to vector<1280x1xi32>
    %iota3A_61 = tpu.iota {dimensions = array<i32: 1>} : vector<1280x1312xi32>
    %eq3A_62 = vector.broadcast %slice3A_60 : vector<1280x1xi32> to vector<1280x1312xi32>
    %eq3A_63 = arith.cmpi eq, %eq3A_62, %iota3A_61 : vector<1280x1312xi32>
    %convert_element_type3A_64 = arith.extui %eq3A_63 : vector<1280x1312xi1> to vector<1280x1312xi32>
    %convert_element_type3A_65 = arith.sitofp %convert_element_type3A_64 : vector<1280x1312xi32> to vector<1280x1312xf32>
    %convert_element_type3A_66 = arith.truncf %convert_element_type3A_65 : vector<1280x1312xf32> to vector<1280x1312xbf16>
    %dot_general3A_67 = arith.constant dense<0.000000e+00> : vector<1280x200xf32>
    %dot_general3A_68 = tpu.matmul %convert_element_type3A_66, %get3A_4, %dot_general3A_67 {dimension_numbers = #tpu.dot_dimension_numbers<[1], [0], [0], [1], [0, 0, 1, 1], [], []>, transpose_lhs_hint = false} : vector<1280x1312xbf16>, vector<1312x200xbf16>, vector<1280x200xf32> -> vector<1280x200xf32>
    %convert_element_type3A_69 = arith.truncf %dot_general3A_68 : vector<1280x200xf32> to vector<1280x200xbf16>
    %slice3A_70 = vector.extract_strided_slice %get3A_1 {offsets = [0, 7], sizes = [1280, 1], strides = [1, 1]} : vector<1280x16xi32> to vector<1280x1xi32>
    %iota3A_71 = tpu.iota {dimensions = array<i32: 1>} : vector<1280x1312xi32>
    %eq3A_72 = vector.broadcast %slice3A_70 : vector<1280x1xi32> to vector<1280x1312xi32>
    %eq3A_73 = arith.cmpi eq, %eq3A_72, %iota3A_71 : vector<1280x1312xi32>
    %convert_element_type3A_74 = arith.extui %eq3A_73 : vector<1280x1312xi1> to vector<1280x1312xi32>
    %convert_element_type3A_75 = arith.sitofp %convert_element_type3A_74 : vector<1280x1312xi32> to vector<1280x1312xf32>
    %convert_element_type3A_76 = arith.truncf %convert_element_type3A_75 : vector<1280x1312xf32> to vector<1280x1312xbf16>
    %dot_general3A_77 = arith.constant dense<0.000000e+00> : vector<1280x200xf32>
    %dot_general3A_78 = tpu.matmul %convert_element_type3A_76, %get3A_4, %dot_general3A_77 {dimension_numbers = #tpu.dot_dimension_numbers<[1], [0], [0], [1], [0, 0, 1, 1], [], []>, transpose_lhs_hint = false} : vector<1280x1312xbf16>, vector<1312x200xbf16>, vector<1280x200xf32> -> vector<1280x200xf32>
    %convert_element_type3A_79 = arith.truncf %dot_general3A_78 : vector<1280x200xf32> to vector<1280x200xbf16>
    %slice3A_80 = vector.extract_strided_slice %get3A_1 {offsets = [0, 8], sizes = [1280, 1], strides = [1, 1]} : vector<1280x16xi32> to vector<1280x1xi32>
    %iota3A_81 = tpu.iota {dimensions = array<i32: 1>} : vector<1280x1312xi32>
    %eq3A_82 = vector.broadcast %slice3A_80 : vector<1280x1xi32> to vector<1280x1312xi32>
    %eq3A_83 = arith.cmpi eq, %eq3A_82, %iota3A_81 : vector<1280x1312xi32>
    %convert_element_type3A_84 = arith.extui %eq3A_83 : vector<1280x1312xi1> to vector<1280x1312xi32>
    %convert_element_type3A_85 = arith.sitofp %convert_element_type3A_84 : vector<1280x1312xi32> to vector<1280x1312xf32>
    %convert_element_type3A_86 = arith.truncf %convert_element_type3A_85 : vector<1280x1312xf32> to vector<1280x1312xbf16>
    %dot_general3A_87 = arith.constant dense<0.000000e+00> : vector<1280x200xf32>
    %dot_general3A_88 = tpu.matmul %convert_element_type3A_86, %get3A_4, %dot_general3A_87 {dimension_numbers = #tpu.dot_dimension_numbers<[1], [0], [0], [1], [0, 0, 1, 1], [], []>, transpose_lhs_hint = false} : vector<1280x1312xbf16>, vector<1312x200xbf16>, vector<1280x200xf32> -> vector<1280x200xf32>
    %convert_element_type3A_89 = arith.truncf %dot_general3A_88 : vector<1280x200xf32> to vector<1280x200xbf16>
    %slice3A_90 = vector.extract_strided_slice %get3A_1 {offsets = [0, 9], sizes = [1280, 1], strides = [1, 1]} : vector<1280x16xi32> to vector<1280x1xi32>
    %iota3A_91 = tpu.iota {dimensions = array<i32: 1>} : vector<1280x1312xi32>
    %eq3A_92 = vector.broadcast %slice3A_90 : vector<1280x1xi32> to vector<1280x1312xi32>
    %eq3A_93 = arith.cmpi eq, %eq3A_92, %iota3A_91 : vector<1280x1312xi32>
    %convert_element_type3A_94 = arith.extui %eq3A_93 : vector<1280x1312xi1> to vector<1280x1312xi32>
    %convert_element_type3A_95 = arith.sitofp %convert_element_type3A_94 : vector<1280x1312xi32> to vector<1280x1312xf32>
    %convert_element_type3A_96 = arith.truncf %convert_element_type3A_95 : vector<1280x1312xf32> to vector<1280x1312xbf16>
    %dot_general3A_97 = arith.constant dense<0.000000e+00> : vector<1280x200xf32>
    %dot_general3A_98 = tpu.matmul %convert_element_type3A_96, %get3A_4, %dot_general3A_97 {dimension_numbers = #tpu.dot_dimension_numbers<[1], [0], [0], [1], [0, 0, 1, 1], [], []>, transpose_lhs_hint = false} : vector<1280x1312xbf16>, vector<1312x200xbf16>, vector<1280x200xf32> -> vector<1280x200xf32>
    %convert_element_type3A_99 = arith.truncf %dot_general3A_98 : vector<1280x200xf32> to vector<1280x200xbf16>
    %slice3A_100 = vector.extract_strided_slice %get3A_1 {offsets = [0, 10], sizes = [1280, 1], strides = [1, 1]} : vector<1280x16xi32> to vector<1280x1xi32>
    %iota3A_101 = tpu.iota {dimensions = array<i32: 1>} : vector<1280x1312xi32>
    %eq3A_102 = vector.broadcast %slice3A_100 : vector<1280x1xi32> to vector<1280x1312xi32>
    %eq3A_103 = arith.cmpi eq, %eq3A_102, %iota3A_101 : vector<1280x1312xi32>
    %convert_element_type3A_104 = arith.extui %eq3A_103 : vector<1280x1312xi1> to vector<1280x1312xi32>
    %convert_element_type3A_105 = arith.sitofp %convert_element_type3A_104 : vector<1280x1312xi32> to vector<1280x1312xf32>
    %convert_element_type3A_106 = arith.truncf %convert_element_type3A_105 : vector<1280x1312xf32> to vector<1280x1312xbf16>
    %dot_general3A_107 = arith.constant dense<0.000000e+00> : vector<1280x200xf32>
    %dot_general3A_108 = tpu.matmul %convert_element_type3A_106, %get3A_4, %dot_general3A_107 {dimension_numbers = #tpu.dot_dimension_numbers<[1], [0], [0], [1], [0, 0, 1, 1], [], []>, transpose_lhs_hint = false} : vector<1280x1312xbf16>, vector<1312x200xbf16>, vector<1280x200xf32> -> vector<1280x200xf32>
    %convert_element_type3A_109 = arith.truncf %dot_general3A_108 : vector<1280x200xf32> to vector<1280x200xbf16>
    %slice3A_110 = vector.extract_strided_slice %get3A_1 {offsets = [0, 11], sizes = [1280, 1], strides = [1, 1]} : vector<1280x16xi32> to vector<1280x1xi32>
    %iota3A_111 = tpu.iota {dimensions = array<i32: 1>} : vector<1280x1312xi32>
    %eq3A_112 = vector.broadcast %slice3A_110 : vector<1280x1xi32> to vector<1280x1312xi32>
    %eq3A_113 = arith.cmpi eq, %eq3A_112, %iota3A_111 : vector<1280x1312xi32>
    %convert_element_type3A_114 = arith.extui %eq3A_113 : vector<1280x1312xi1> to vector<1280x1312xi32>
    %convert_element_type3A_115 = arith.sitofp %convert_element_type3A_114 : vector<1280x1312xi32> to vector<1280x1312xf32>
    %convert_element_type3A_116 = arith.truncf %convert_element_type3A_115 : vector<1280x1312xf32> to vector<1280x1312xbf16>
    %dot_general3A_117 = arith.constant dense<0.000000e+00> : vector<1280x200xf32>
    %dot_general3A_118 = tpu.matmul %convert_element_type3A_116, %get3A_4, %dot_general3A_117 {dimension_numbers = #tpu.dot_dimension_numbers<[1], [0], [0], [1], [0, 0, 1, 1], [], []>, transpose_lhs_hint = false} : vector<1280x1312xbf16>, vector<1312x200xbf16>, vector<1280x200xf32> -> vector<1280x200xf32>
    %convert_element_type3A_119 = arith.truncf %dot_general3A_118 : vector<1280x200xf32> to vector<1280x200xbf16>
    %slice3A_120 = vector.extract_strided_slice %get3A_1 {offsets = [0, 12], sizes = [1280, 1], strides = [1, 1]} : vector<1280x16xi32> to vector<1280x1xi32>
    %iota3A_121 = tpu.iota {dimensions = array<i32: 1>} : vector<1280x1312xi32>
    %eq3A_122 = vector.broadcast %slice3A_120 : vector<1280x1xi32> to vector<1280x1312xi32>
    %eq3A_123 = arith.cmpi eq, %eq3A_122, %iota3A_121 : vector<1280x1312xi32>
    %convert_element_type3A_124 = arith.extui %eq3A_123 : vector<1280x1312xi1> to vector<1280x1312xi32>
    %convert_element_type3A_125 = arith.sitofp %convert_element_type3A_124 : vector<1280x1312xi32> to vector<1280x1312xf32>
    %convert_element_type3A_126 = arith.truncf %convert_element_type3A_125 : vector<1280x1312xf32> to vector<1280x1312xbf16>
    %dot_general3A_127 = arith.constant dense<0.000000e+00> : vector<1280x200xf32>
    %dot_general3A_128 = tpu.matmul %convert_element_type3A_126, %get3A_4, %dot_general3A_127 {dimension_numbers = #tpu.dot_dimension_numbers<[1], [0], [0], [1], [0, 0, 1, 1], [], []>, transpose_lhs_hint = false} : vector<1280x1312xbf16>, vector<1312x200xbf16>, vector<1280x200xf32> -> vector<1280x200xf32>
    %convert_element_type3A_129 = arith.truncf %dot_general3A_128 : vector<1280x200xf32> to vector<1280x200xbf16>
    %slice3A_130 = vector.extract_strided_slice %get3A_1 {offsets = [0, 13], sizes = [1280, 1], strides = [1, 1]} : vector<1280x16xi32> to vector<1280x1xi32>
    %iota3A_131 = tpu.iota {dimensions = array<i32: 1>} : vector<1280x1312xi32>
    %eq3A_132 = vector.broadcast %slice3A_130 : vector<1280x1xi32> to vector<1280x1312xi32>
    %eq3A_133 = arith.cmpi eq, %eq3A_132, %iota3A_131 : vector<1280x1312xi32>
    %convert_element_type3A_134 = arith.extui %eq3A_133 : vector<1280x1312xi1> to vector<1280x1312xi32>
    %convert_element_type3A_135 = arith.sitofp %convert_element_type3A_134 : vector<1280x1312xi32> to vector<1280x1312xf32>
    %convert_element_type3A_136 = arith.truncf %convert_element_type3A_135 : vector<1280x1312xf32> to vector<1280x1312xbf16>
    %dot_general3A_137 = arith.constant dense<0.000000e+00> : vector<1280x200xf32>
    %dot_general3A_138 = tpu.matmul %convert_element_type3A_136, %get3A_4, %dot_general3A_137 {dimension_numbers = #tpu.dot_dimension_numbers<[1], [0], [0], [1], [0, 0, 1, 1], [], []>, transpose_lhs_hint = false} : vector<1280x1312xbf16>, vector<1312x200xbf16>, vector<1280x200xf32> -> vector<1280x200xf32>
    %convert_element_type3A_139 = arith.truncf %dot_general3A_138 : vector<1280x200xf32> to vector<1280x200xbf16>
    %slice3A_140 = vector.extract_strided_slice %get3A_1 {offsets = [0, 14], sizes = [1280, 1], strides = [1, 1]} : vector<1280x16xi32> to vector<1280x1xi32>
    %iota3A_141 = tpu.iota {dimensions = array<i32: 1>} : vector<1280x1312xi32>
    %eq3A_142 = vector.broadcast %slice3A_140 : vector<1280x1xi32> to vector<1280x1312xi32>
    %eq3A_143 = arith.cmpi eq, %eq3A_142, %iota3A_141 : vector<1280x1312xi32>
    %convert_element_type3A_144 = arith.extui %eq3A_143 : vector<1280x1312xi1> to vector<1280x1312xi32>
    %convert_element_type3A_145 = arith.sitofp %convert_element_type3A_144 : vector<1280x1312xi32> to vector<1280x1312xf32>
    %convert_element_type3A_146 = arith.truncf %convert_element_type3A_145 : vector<1280x1312xf32> to vector<1280x1312xbf16>
    %dot_general3A_147 = arith.constant dense<0.000000e+00> : vector<1280x200xf32>
    %dot_general3A_148 = tpu.matmul %convert_element_type3A_146, %get3A_4, %dot_general3A_147 {dimension_numbers = #tpu.dot_dimension_numbers<[1], [0], [0], [1], [0, 0, 1, 1], [], []>, transpose_lhs_hint = false} : vector<1280x1312xbf16>, vector<1312x200xbf16>, vector<1280x200xf32> -> vector<1280x200xf32>
    %convert_element_type3A_149 = arith.truncf %dot_general3A_148 : vector<1280x200xf32> to vector<1280x200xbf16>
    %slice3A_150 = vector.extract_strided_slice %get3A_1 {offsets = [0, 15], sizes = [1280, 1], strides = [1, 1]} : vector<1280x16xi32> to vector<1280x1xi32>
    %iota3A_151 = tpu.iota {dimensions = array<i32: 1>} : vector<1280x1312xi32>
    %eq3A_152 = vector.broadcast %slice3A_150 : vector<1280x1xi32> to vector<1280x1312xi32>
    %eq3A_153 = arith.cmpi eq, %eq3A_152, %iota3A_151 : vector<1280x1312xi32>
    %convert_element_type3A_154 = arith.extui %eq3A_153 : vector<1280x1312xi1> to vector<1280x1312xi32>
    %convert_element_type3A_155 = arith.sitofp %convert_element_type3A_154 : vector<1280x1312xi32> to vector<1280x1312xf32>
    %convert_element_type3A_156 = arith.truncf %convert_element_type3A_155 : vector<1280x1312xf32> to vector<1280x1312xbf16>
    %dot_general3A_157 = arith.constant dense<0.000000e+00> : vector<1280x200xf32>
    %dot_general3A_158 = tpu.matmul %convert_element_type3A_156, %get3A_4, %dot_general3A_157 {dimension_numbers = #tpu.dot_dimension_numbers<[1], [0], [0], [1], [0, 0, 1, 1], [], []>, transpose_lhs_hint = false} : vector<1280x1312xbf16>, vector<1312x200xbf16>, vector<1280x200xf32> -> vector<1280x200xf32>
    %convert_element_type3A_159 = arith.truncf %dot_general3A_158 : vector<1280x200xf32> to vector<1280x200xbf16>
    %get3A_160 = arith.constant 0 : index
    %get3A_161 = arith.constant 0 : index
    %get3A_162 = arith.constant 0 : index
    %get3A_163 = vector.load %arg3[%get3A_160, %get3A_161, %get3A_162] : memref<5x200x200xbf16, #tpu.memory_space<vmem>>, vector<5x200x200xbf16>
    %slice3A_164 = vector.extract_strided_slice %get3A_163 {offsets = [2, 0, 0], sizes = [1, 200, 200], strides = [1, 1, 1]} : vector<5x200x200xbf16> to vector<1x200x200xbf16>
    %squeeze3A = vector.shape_cast %slice3A_164 : vector<1x200x200xbf16> to vector<200x200xbf16>
    %dot_general3A_165 = arith.constant dense<0.000000e+00> : vector<1280x200xf32>
    %dot_general3A_166 = tpu.matmul %convert_element_type3A_9, %squeeze3A, %dot_general3A_165 {dimension_numbers = #tpu.dot_dimension_numbers<[1], [0], [0], [1], [0, 0, 1, 1], [], []>, transpose_lhs_hint = false} : vector<1280x200xbf16>, vector<200x200xbf16>, vector<1280x200xf32> -> vector<1280x200xf32>
    %slice3A_167 = vector.extract_strided_slice %get3A_163 {offsets = [3, 0, 0], sizes = [1, 200, 200], strides = [1, 1, 1]} : vector<5x200x200xbf16> to vector<1x200x200xbf16>
    %squeeze3A_168 = vector.shape_cast %slice3A_167 : vector<1x200x200xbf16> to vector<200x200xbf16>
    %dot_general3A_169 = arith.constant dense<0.000000e+00> : vector<1280x200xf32>
    %dot_general3A_170 = tpu.matmul %convert_element_type3A_19, %squeeze3A_168, %dot_general3A_169 {dimension_numbers = #tpu.dot_dimension_numbers<[1], [0], [0], [1], [0, 0, 1, 1], [], []>, transpose_lhs_hint = false} : vector<1280x200xbf16>, vector<200x200xbf16>, vector<1280x200xf32> -> vector<1280x200xf32>
    %add3A = arith.addf %dot_general3A_166, %dot_general3A_170 : vector<1280x200xf32>
    %slice3A_171 = vector.extract_strided_slice %get3A_163 {offsets = [4, 0, 0], sizes = [1, 200, 200], strides = [1, 1, 1]} : vector<5x200x200xbf16> to vector<1x200x200xbf16>
    %squeeze3A_172 = vector.shape_cast %slice3A_171 : vector<1x200x200xbf16> to vector<200x200xbf16>
    %dot_general3A_173 = arith.constant dense<0.000000e+00> : vector<1280x200xf32>
    %dot_general3A_174 = tpu.matmul %convert_element_type3A_29, %squeeze3A_172, %dot_general3A_173 {dimension_numbers = #tpu.dot_dimension_numbers<[1], [0], [0], [1], [0, 0, 1, 1], [], []>, transpose_lhs_hint = false} : vector<1280x200xbf16>, vector<200x200xbf16>, vector<1280x200xf32> -> vector<1280x200xf32>
    %add3A_175 = arith.addf %add3A, %dot_general3A_174 : vector<1280x200xf32>
    %slice3A_176 = vector.extract_strided_slice %get3A_163 {offsets = [1, 0, 0], sizes = [1, 200, 200], strides = [1, 1, 1]} : vector<5x200x200xbf16> to vector<1x200x200xbf16>
    %squeeze3A_177 = vector.shape_cast %slice3A_176 : vector<1x200x200xbf16> to vector<200x200xbf16>
    %dot_general3A_178 = arith.constant dense<0.000000e+00> : vector<1280x200xf32>
    %dot_general3A_179 = tpu.matmul %convert_element_type3A_9, %squeeze3A_177, %dot_general3A_178 {dimension_numbers = #tpu.dot_dimension_numbers<[1], [0], [0], [1], [0, 0, 1, 1], [], []>, transpose_lhs_hint = false} : vector<1280x200xbf16>, vector<200x200xbf16>, vector<1280x200xf32> -> vector<1280x200xf32>
    %slice3A_180 = vector.extract_strided_slice %get3A_163 {offsets = [2, 0, 0], sizes = [1, 200, 200], strides = [1, 1, 1]} : vector<5x200x200xbf16> to vector<1x200x200xbf16>
    %squeeze3A_181 = vector.shape_cast %slice3A_180 : vector<1x200x200xbf16> to vector<200x200xbf16>
    %dot_general3A_182 = arith.constant dense<0.000000e+00> : vector<1280x200xf32>
    %dot_general3A_183 = tpu.matmul %convert_element_type3A_19, %squeeze3A_181, %dot_general3A_182 {dimension_numbers = #tpu.dot_dimension_numbers<[1], [0], [0], [1], [0, 0, 1, 1], [], []>, transpose_lhs_hint = false} : vector<1280x200xbf16>, vector<200x200xbf16>, vector<1280x200xf32> -> vector<1280x200xf32>
    %add3A_184 = arith.addf %dot_general3A_179, %dot_general3A_183 : vector<1280x200xf32>
    %slice3A_185 = vector.extract_strided_slice %get3A_163 {offsets = [3, 0, 0], sizes = [1, 200, 200], strides = [1, 1, 1]} : vector<5x200x200xbf16> to vector<1x200x200xbf16>
    %squeeze3A_186 = vector.shape_cast %slice3A_185 : vector<1x200x200xbf16> to vector<200x200xbf16>
    %dot_general3A_187 = arith.constant dense<0.000000e+00> : vector<1280x200xf32>
    %dot_general3A_188 = tpu.matmul %convert_element_type3A_29, %squeeze3A_186, %dot_general3A_187 {dimension_numbers = #tpu.dot_dimension_numbers<[1], [0], [0], [1], [0, 0, 1, 1], [], []>, transpose_lhs_hint = false} : vector<1280x200xbf16>, vector<200x200xbf16>, vector<1280x200xf32> -> vector<1280x200xf32>
    %add3A_189 = arith.addf %add3A_184, %dot_general3A_188 : vector<1280x200xf32>
    %slice3A_190 = vector.extract_strided_slice %get3A_163 {offsets = [4, 0, 0], sizes = [1, 200, 200], strides = [1, 1, 1]} : vector<5x200x200xbf16> to vector<1x200x200xbf16>
    %squeeze3A_191 = vector.shape_cast %slice3A_190 : vector<1x200x200xbf16> to vector<200x200xbf16>
    %dot_general3A_192 = arith.constant dense<0.000000e+00> : vector<1280x200xf32>
    %dot_general3A_193 = tpu.matmul %convert_element_type3A_39, %squeeze3A_191, %dot_general3A_192 {dimension_numbers = #tpu.dot_dimension_numbers<[1], [0], [0], [1], [0, 0, 1, 1], [], []>, transpose_lhs_hint = false} : vector<1280x200xbf16>, vector<200x200xbf16>, vector<1280x200xf32> -> vector<1280x200xf32>
    %add3A_194 = arith.addf %add3A_189, %dot_general3A_193 : vector<1280x200xf32>
    %max3A = arith.maximumf %add3A_175, %add3A_194 : vector<1280x200xf32>
    %slice3A_195 = vector.extract_strided_slice %get3A_163 {offsets = [0, 0, 0], sizes = [1, 200, 200], strides = [1, 1, 1]} : vector<5x200x200xbf16> to vector<1x200x200xbf16>
    %squeeze3A_196 = vector.shape_cast %slice3A_195 : vector<1x200x200xbf16> to vector<200x200xbf16>
    %dot_general3A_197 = arith.constant dense<0.000000e+00> : vector<1280x200xf32>
    %dot_general3A_198 = tpu.matmul %convert_element_type3A_9, %squeeze3A_196, %dot_general3A_197 {dimension_numbers = #tpu.dot_dimension_numbers<[1], [0], [0], [1], [0, 0, 1, 1], [], []>, transpose_lhs_hint = false} : vector<1280x200xbf16>, vector<200x200xbf16>, vector<1280x200xf32> -> vector<1280x200xf32>
    %slice3A_199 = vector.extract_strided_slice %get3A_163 {offsets = [1, 0, 0], sizes = [1, 200, 200], strides = [1, 1, 1]} : vector<5x200x200xbf16> to vector<1x200x200xbf16>
    %squeeze3A_200 = vector.shape_cast %slice3A_199 : vector<1x200x200xbf16> to vector<200x200xbf16>
    %dot_general3A_201 = arith.constant dense<0.000000e+00> : vector<1280x200xf32>
    %dot_general3A_202 = tpu.matmul %convert_element_type3A_19, %squeeze3A_200, %dot_general3A_201 {dimension_numbers = #tpu.dot_dimension_numbers<[1], [0], [0], [1], [0, 0, 1, 1], [], []>, transpose_lhs_hint = false} : vector<1280x200xbf16>, vector<200x200xbf16>, vector<1280x200xf32> -> vector<1280x200xf32>
    %add3A_203 = arith.addf %dot_general3A_198, %dot_general3A_202 : vector<1280x200xf32>
    %slice3A_204 = vector.extract_strided_slice %get3A_163 {offsets = [2, 0, 0], sizes = [1, 200, 200], strides = [1, 1, 1]} : vector<5x200x200xbf16> to vector<1x200x200xbf16>
    %squeeze3A_205 = vector.shape_cast %slice3A_204 : vector<1x200x200xbf16> to vector<200x200xbf16>
    %dot_general3A_206 = arith.constant dense<0.000000e+00> : vector<1280x200xf32>
    %dot_general3A_207 = tpu.matmul %convert_element_type3A_29, %squeeze3A_205, %dot_general3A_206 {dimension_numbers = #tpu.dot_dimension_numbers<[1], [0], [0], [1], [0, 0, 1, 1], [], []>, transpose_lhs_hint = false} : vector<1280x200xbf16>, vector<200x200xbf16>, vector<1280x200xf32> -> vector<1280x200xf32>
    %add3A_208 = arith.addf %add3A_203, %dot_general3A_207 : vector<1280x200xf32>
    %slice3A_209 = vector.extract_strided_slice %get3A_163 {offsets = [3, 0, 0], sizes = [1, 200, 200], strides = [1, 1, 1]} : vector<5x200x200xbf16> to vector<1x200x200xbf16>
    %squeeze3A_210 = vector.shape_cast %slice3A_209 : vector<1x200x200xbf16> to vector<200x200xbf16>
    %dot_general3A_211 = arith.constant dense<0.000000e+00> : vector<1280x200xf32>
    %dot_general3A_212 = tpu.matmul %convert_element_type3A_39, %squeeze3A_210, %dot_general3A_211 {dimension_numbers = #tpu.dot_dimension_numbers<[1], [0], [0], [1], [0, 0, 1, 1], [], []>, transpose_lhs_hint = false} : vector<1280x200xbf16>, vector<200x200xbf16>, vector<1280x200xf32> -> vector<1280x200xf32>
    %add3A_213 = arith.addf %add3A_208, %dot_general3A_212 : vector<1280x200xf32>
    %slice3A_214 = vector.extract_strided_slice %get3A_163 {offsets = [4, 0, 0], sizes = [1, 200, 200], strides = [1, 1, 1]} : vector<5x200x200xbf16> to vector<1x200x200xbf16>
    %squeeze3A_215 = vector.shape_cast %slice3A_214 : vector<1x200x200xbf16> to vector<200x200xbf16>
    %dot_general3A_216 = arith.constant dense<0.000000e+00> : vector<1280x200xf32>
    %dot_general3A_217 = tpu.matmul %convert_element_type3A_49, %squeeze3A_215, %dot_general3A_216 {dimension_numbers = #tpu.dot_dimension_numbers<[1], [0], [0], [1], [0, 0, 1, 1], [], []>, transpose_lhs_hint = false} : vector<1280x200xbf16>, vector<200x200xbf16>, vector<1280x200xf32> -> vector<1280x200xf32>
    %add3A_218 = arith.addf %add3A_213, %dot_general3A_217 : vector<1280x200xf32>
    %max3A_219 = arith.maximumf %max3A, %add3A_218 : vector<1280x200xf32>
    %slice3A_220 = vector.extract_strided_slice %get3A_163 {offsets = [0, 0, 0], sizes = [1, 200, 200], strides = [1, 1, 1]} : vector<5x200x200xbf16> to vector<1x200x200xbf16>
    %squeeze3A_221 = vector.shape_cast %slice3A_220 : vector<1x200x200xbf16> to vector<200x200xbf16>
    %dot_general3A_222 = arith.constant dense<0.000000e+00> : vector<1280x200xf32>
    %dot_general3A_223 = tpu.matmul %convert_element_type3A_19, %squeeze3A_221, %dot_general3A_222 {dimension_numbers = #tpu.dot_dimension_numbers<[1], [0], [0], [1], [0, 0, 1, 1], [], []>, transpose_lhs_hint = false} : vector<1280x200xbf16>, vector<200x200xbf16>, vector<1280x200xf32> -> vector<1280x200xf32>
    %slice3A_224 = vector.extract_strided_slice %get3A_163 {offsets = [1, 0, 0], sizes = [1, 200, 200], strides = [1, 1, 1]} : vector<5x200x200xbf16> to vector<1x200x200xbf16>
    %squeeze3A_225 = vector.shape_cast %slice3A_224 : vector<1x200x200xbf16> to vector<200x200xbf16>
    %dot_general3A_226 = arith.constant dense<0.000000e+00> : vector<1280x200xf32>
    %dot_general3A_227 = tpu.matmul %convert_element_type3A_29, %squeeze3A_225, %dot_general3A_226 {dimension_numbers = #tpu.dot_dimension_numbers<[1], [0], [0], [1], [0, 0, 1, 1], [], []>, transpose_lhs_hint = false} : vector<1280x200xbf16>, vector<200x200xbf16>, vector<1280x200xf32> -> vector<1280x200xf32>
    %add3A_228 = arith.addf %dot_general3A_223, %dot_general3A_227 : vector<1280x200xf32>
    %slice3A_229 = vector.extract_strided_slice %get3A_163 {offsets = [2, 0, 0], sizes = [1, 200, 200], strides = [1, 1, 1]} : vector<5x200x200xbf16> to vector<1x200x200xbf16>
    %squeeze3A_230 = vector.shape_cast %slice3A_229 : vector<1x200x200xbf16> to vector<200x200xbf16>
    %dot_general3A_231 = arith.constant dense<0.000000e+00> : vector<1280x200xf32>
    %dot_general3A_232 = tpu.matmul %convert_element_type3A_39, %squeeze3A_230, %dot_general3A_231 {dimension_numbers = #tpu.dot_dimension_numbers<[1], [0], [0], [1], [0, 0, 1, 1], [], []>, transpose_lhs_hint = false} : vector<1280x200xbf16>, vector<200x200xbf16>, vector<1280x200xf32> -> vector<1280x200xf32>
    %add3A_233 = arith.addf %add3A_228, %dot_general3A_232 : vector<1280x200xf32>
    %slice3A_234 = vector.extract_strided_slice %get3A_163 {offsets = [3, 0, 0], sizes = [1, 200, 200], strides = [1, 1, 1]} : vector<5x200x200xbf16> to vector<1x200x200xbf16>
    %squeeze3A_235 = vector.shape_cast %slice3A_234 : vector<1x200x200xbf16> to vector<200x200xbf16>
    %dot_general3A_236 = arith.constant dense<0.000000e+00> : vector<1280x200xf32>
    %dot_general3A_237 = tpu.matmul %convert_element_type3A_49, %squeeze3A_235, %dot_general3A_236 {dimension_numbers = #tpu.dot_dimension_numbers<[1], [0], [0], [1], [0, 0, 1, 1], [], []>, transpose_lhs_hint = false} : vector<1280x200xbf16>, vector<200x200xbf16>, vector<1280x200xf32> -> vector<1280x200xf32>
    %add3A_238 = arith.addf %add3A_233, %dot_general3A_237 : vector<1280x200xf32>
    %slice3A_239 = vector.extract_strided_slice %get3A_163 {offsets = [4, 0, 0], sizes = [1, 200, 200], strides = [1, 1, 1]} : vector<5x200x200xbf16> to vector<1x200x200xbf16>
    %squeeze3A_240 = vector.shape_cast %slice3A_239 : vector<1x200x200xbf16> to vector<200x200xbf16>
    %dot_general3A_241 = arith.constant dense<0.000000e+00> : vector<1280x200xf32>
    %dot_general3A_242 = tpu.matmul %convert_element_type3A_59, %squeeze3A_240, %dot_general3A_241 {dimension_numbers = #tpu.dot_dimension_numbers<[1], [0], [0], [1], [0, 0, 1, 1], [], []>, transpose_lhs_hint = false} : vector<1280x200xbf16>, vector<200x200xbf16>, vector<1280x200xf32> -> vector<1280x200xf32>
    %add3A_243 = arith.addf %add3A_238, %dot_general3A_242 : vector<1280x200xf32>
    %max3A_244 = arith.maximumf %max3A_219, %add3A_243 : vector<1280x200xf32>
    %slice3A_245 = vector.extract_strided_slice %get3A_163 {offsets = [0, 0, 0], sizes = [1, 200, 200], strides = [1, 1, 1]} : vector<5x200x200xbf16> to vector<1x200x200xbf16>
    %squeeze3A_246 = vector.shape_cast %slice3A_245 : vector<1x200x200xbf16> to vector<200x200xbf16>
    %dot_general3A_247 = arith.constant dense<0.000000e+00> : vector<1280x200xf32>
    %dot_general3A_248 = tpu.matmul %convert_element_type3A_29, %squeeze3A_246, %dot_general3A_247 {dimension_numbers = #tpu.dot_dimension_numbers<[1], [0], [0], [1], [0, 0, 1, 1], [], []>, transpose_lhs_hint = false} : vector<1280x200xbf16>, vector<200x200xbf16>, vector<1280x200xf32> -> vector<1280x200xf32>
    %slice3A_249 = vector.extract_strided_slice %get3A_163 {offsets = [1, 0, 0], sizes = [1, 200, 200], strides = [1, 1, 1]} : vector<5x200x200xbf16> to vector<1x200x200xbf16>
    %squeeze3A_250 = vector.shape_cast %slice3A_249 : vector<1x200x200xbf16> to vector<200x200xbf16>
    %dot_general3A_251 = arith.constant dense<0.000000e+00> : vector<1280x200xf32>
    %dot_general3A_252 = tpu.matmul %convert_element_type3A_39, %squeeze3A_250, %dot_general3A_251 {dimension_numbers = #tpu.dot_dimension_numbers<[1], [0], [0], [1], [0, 0, 1, 1], [], []>, transpose_lhs_hint = false} : vector<1280x200xbf16>, vector<200x200xbf16>, vector<1280x200xf32> -> vector<1280x200xf32>
    %add3A_253 = arith.addf %dot_general3A_248, %dot_general3A_252 : vector<1280x200xf32>
    %slice3A_254 = vector.extract_strided_slice %get3A_163 {offsets = [2, 0, 0], sizes = [1, 200, 200], strides = [1, 1, 1]} : vector<5x200x200xbf16> to vector<1x200x200xbf16>
    %squeeze3A_255 = vector.shape_cast %slice3A_254 : vector<1x200x200xbf16> to vector<200x200xbf16>
    %dot_general3A_256 = arith.constant dense<0.000000e+00> : vector<1280x200xf32>
    %dot_general3A_257 = tpu.matmul %convert_element_type3A_49, %squeeze3A_255, %dot_general3A_256 {dimension_numbers = #tpu.dot_dimension_numbers<[1], [0], [0], [1], [0, 0, 1, 1], [], []>, transpose_lhs_hint = false} : vector<1280x200xbf16>, vector<200x200xbf16>, vector<1280x200xf32> -> vector<1280x200xf32>
    %add3A_258 = arith.addf %add3A_253, %dot_general3A_257 : vector<1280x200xf32>
    %slice3A_259 = vector.extract_strided_slice %get3A_163 {offsets = [3, 0, 0], sizes = [1, 200, 200], strides = [1, 1, 1]} : vector<5x200x200xbf16> to vector<1x200x200xbf16>
    %squeeze3A_260 = vector.shape_cast %slice3A_259 : vector<1x200x200xbf16> to vector<200x200xbf16>
    %dot_general3A_261 = arith.constant dense<0.000000e+00> : vector<1280x200xf32>
    %dot_general3A_262 = tpu.matmul %convert_element_type3A_59, %squeeze3A_260, %dot_general3A_261 {dimension_numbers = #tpu.dot_dimension_numbers<[1], [0], [0], [1], [0, 0, 1, 1], [], []>, transpose_lhs_hint = false} : vector<1280x200xbf16>, vector<200x200xbf16>, vector<1280x200xf32> -> vector<1280x200xf32>
    %add3A_263 = arith.addf %add3A_258, %dot_general3A_262 : vector<1280x200xf32>
    %slice3A_264 = vector.extract_strided_slice %get3A_163 {offsets = [4, 0, 0], sizes = [1, 200, 200], strides = [1, 1, 1]} : vector<5x200x200xbf16> to vector<1x200x200xbf16>
    %squeeze3A_265 = vector.shape_cast %slice3A_264 : vector<1x200x200xbf16> to vector<200x200xbf16>
    %dot_general3A_266 = arith.constant dense<0.000000e+00> : vector<1280x200xf32>
    %dot_general3A_267 = tpu.matmul %convert_element_type3A_69, %squeeze3A_265, %dot_general3A_266 {dimension_numbers = #tpu.dot_dimension_numbers<[1], [0], [0], [1], [0, 0, 1, 1], [], []>, transpose_lhs_hint = false} : vector<1280x200xbf16>, vector<200x200xbf16>, vector<1280x200xf32> -> vector<1280x200xf32>
    %add3A_268 = arith.addf %add3A_263, %dot_general3A_267 : vector<1280x200xf32>
    %max3A_269 = arith.maximumf %max3A_244, %add3A_268 : vector<1280x200xf32>
    %slice3A_270 = vector.extract_strided_slice %get3A_163 {offsets = [0, 0, 0], sizes = [1, 200, 200], strides = [1, 1, 1]} : vector<5x200x200xbf16> to vector<1x200x200xbf16>
    %squeeze3A_271 = vector.shape_cast %slice3A_270 : vector<1x200x200xbf16> to vector<200x200xbf16>
    %dot_general3A_272 = arith.constant dense<0.000000e+00> : vector<1280x200xf32>
    %dot_general3A_273 = tpu.matmul %convert_element_type3A_39, %squeeze3A_271, %dot_general3A_272 {dimension_numbers = #tpu.dot_dimension_numbers<[1], [0], [0], [1], [0, 0, 1, 1], [], []>, transpose_lhs_hint = false} : vector<1280x200xbf16>, vector<200x200xbf16>, vector<1280x200xf32> -> vector<1280x200xf32>
    %slice3A_274 = vector.extract_strided_slice %get3A_163 {offsets = [1, 0, 0], sizes = [1, 200, 200], strides = [1, 1, 1]} : vector<5x200x200xbf16> to vector<1x200x200xbf16>
    %squeeze3A_275 = vector.shape_cast %slice3A_274 : vector<1x200x200xbf16> to vector<200x200xbf16>
    %dot_general3A_276 = arith.constant dense<0.000000e+00> : vector<1280x200xf32>
    %dot_general3A_277 = tpu.matmul %convert_element_type3A_49, %squeeze3A_275, %dot_general3A_276 {dimension_numbers = #tpu.dot_dimension_numbers<[1], [0], [0], [1], [0, 0, 1, 1], [], []>, transpose_lhs_hint = false} : vector<1280x200xbf16>, vector<200x200xbf16>, vector<1280x200xf32> -> vector<1280x200xf32>
    %add3A_278 = arith.addf %dot_general3A_273, %dot_general3A_277 : vector<1280x200xf32>
    %slice3A_279 = vector.extract_strided_slice %get3A_163 {offsets = [2, 0, 0], sizes = [1, 200, 200], strides = [1, 1, 1]} : vector<5x200x200xbf16> to vector<1x200x200xbf16>
    %squeeze3A_280 = vector.shape_cast %slice3A_279 : vector<1x200x200xbf16> to vector<200x200xbf16>
    %dot_general3A_281 = arith.constant dense<0.000000e+00> : vector<1280x200xf32>
    %dot_general3A_282 = tpu.matmul %convert_element_type3A_59, %squeeze3A_280, %dot_general3A_281 {dimension_numbers = #tpu.dot_dimension_numbers<[1], [0], [0], [1], [0, 0, 1, 1], [], []>, transpose_lhs_hint = false} : vector<1280x200xbf16>, vector<200x200xbf16>, vector<1280x200xf32> -> vector<1280x200xf32>
    %add3A_283 = arith.addf %add3A_278, %dot_general3A_282 : vector<1280x200xf32>
    %slice3A_284 = vector.extract_strided_slice %get3A_163 {offsets = [3, 0, 0], sizes = [1, 200, 200], strides = [1, 1, 1]} : vector<5x200x200xbf16> to vector<1x200x200xbf16>
    %squeeze3A_285 = vector.shape_cast %slice3A_284 : vector<1x200x200xbf16> to vector<200x200xbf16>
    %dot_general3A_286 = arith.constant dense<0.000000e+00> : vector<1280x200xf32>
    %dot_general3A_287 = tpu.matmul %convert_element_type3A_69, %squeeze3A_285, %dot_general3A_286 {dimension_numbers = #tpu.dot_dimension_numbers<[1], [0], [0], [1], [0, 0, 1, 1], [], []>, transpose_lhs_hint = false} : vector<1280x200xbf16>, vector<200x200xbf16>, vector<1280x200xf32> -> vector<1280x200xf32>
    %add3A_288 = arith.addf %add3A_283, %dot_general3A_287 : vector<1280x200xf32>
    %slice3A_289 = vector.extract_strided_slice %get3A_163 {offsets = [4, 0, 0], sizes = [1, 200, 200], strides = [1, 1, 1]} : vector<5x200x200xbf16> to vector<1x200x200xbf16>
    %squeeze3A_290 = vector.shape_cast %slice3A_289 : vector<1x200x200xbf16> to vector<200x200xbf16>
    %dot_general3A_291 = arith.constant dense<0.000000e+00> : vector<1280x200xf32>
    %dot_general3A_292 = tpu.matmul %convert_element_type3A_79, %squeeze3A_290, %dot_general3A_291 {dimension_numbers = #tpu.dot_dimension_numbers<[1], [0], [0], [1], [0, 0, 1, 1], [], []>, transpose_lhs_hint = false} : vector<1280x200xbf16>, vector<200x200xbf16>, vector<1280x200xf32> -> vector<1280x200xf32>
    %add3A_293 = arith.addf %add3A_288, %dot_general3A_292 : vector<1280x200xf32>
    %max3A_294 = arith.maximumf %max3A_269, %add3A_293 : vector<1280x200xf32>
    %slice3A_295 = vector.extract_strided_slice %get3A_163 {offsets = [0, 0, 0], sizes = [1, 200, 200], strides = [1, 1, 1]} : vector<5x200x200xbf16> to vector<1x200x200xbf16>
    %squeeze3A_296 = vector.shape_cast %slice3A_295 : vector<1x200x200xbf16> to vector<200x200xbf16>
    %dot_general3A_297 = arith.constant dense<0.000000e+00> : vector<1280x200xf32>
    %dot_general3A_298 = tpu.matmul %convert_element_type3A_49, %squeeze3A_296, %dot_general3A_297 {dimension_numbers = #tpu.dot_dimension_numbers<[1], [0], [0], [1], [0, 0, 1, 1], [], []>, transpose_lhs_hint = false} : vector<1280x200xbf16>, vector<200x200xbf16>, vector<1280x200xf32> -> vector<1280x200xf32>
    %slice3A_299 = vector.extract_strided_slice %get3A_163 {offsets = [1, 0, 0], sizes = [1, 200, 200], strides = [1, 1, 1]} : vector<5x200x200xbf16> to vector<1x200x200xbf16>
    %squeeze3A_300 = vector.shape_cast %slice3A_299 : vector<1x200x200xbf16> to vector<200x200xbf16>
    %dot_general3A_301 = arith.constant dense<0.000000e+00> : vector<1280x200xf32>
    %dot_general3A_302 = tpu.matmul %convert_element_type3A_59, %squeeze3A_300, %dot_general3A_301 {dimension_numbers = #tpu.dot_dimension_numbers<[1], [0], [0], [1], [0, 0, 1, 1], [], []>, transpose_lhs_hint = false} : vector<1280x200xbf16>, vector<200x200xbf16>, vector<1280x200xf32> -> vector<1280x200xf32>
    %add3A_303 = arith.addf %dot_general3A_298, %dot_general3A_302 : vector<1280x200xf32>
    %slice3A_304 = vector.extract_strided_slice %get3A_163 {offsets = [2, 0, 0], sizes = [1, 200, 200], strides = [1, 1, 1]} : vector<5x200x200xbf16> to vector<1x200x200xbf16>
    %squeeze3A_305 = vector.shape_cast %slice3A_304 : vector<1x200x200xbf16> to vector<200x200xbf16>
    %dot_general3A_306 = arith.constant dense<0.000000e+00> : vector<1280x200xf32>
    %dot_general3A_307 = tpu.matmul %convert_element_type3A_69, %squeeze3A_305, %dot_general3A_306 {dimension_numbers = #tpu.dot_dimension_numbers<[1], [0], [0], [1], [0, 0, 1, 1], [], []>, transpose_lhs_hint = false} : vector<1280x200xbf16>, vector<200x200xbf16>, vector<1280x200xf32> -> vector<1280x200xf32>
    %add3A_308 = arith.addf %add3A_303, %dot_general3A_307 : vector<1280x200xf32>
    %slice3A_309 = vector.extract_strided_slice %get3A_163 {offsets = [3, 0, 0], sizes = [1, 200, 200], strides = [1, 1, 1]} : vector<5x200x200xbf16> to vector<1x200x200xbf16>
    %squeeze3A_310 = vector.shape_cast %slice3A_309 : vector<1x200x200xbf16> to vector<200x200xbf16>
    %dot_general3A_311 = arith.constant dense<0.000000e+00> : vector<1280x200xf32>
    %dot_general3A_312 = tpu.matmul %convert_element_type3A_79, %squeeze3A_310, %dot_general3A_311 {dimension_numbers = #tpu.dot_dimension_numbers<[1], [0], [0], [1], [0, 0, 1, 1], [], []>, transpose_lhs_hint = false} : vector<1280x200xbf16>, vector<200x200xbf16>, vector<1280x200xf32> -> vector<1280x200xf32>
    %add3A_313 = arith.addf %add3A_308, %dot_general3A_312 : vector<1280x200xf32>
    %slice3A_314 = vector.extract_strided_slice %get3A_163 {offsets = [4, 0, 0], sizes = [1, 200, 200], strides = [1, 1, 1]} : vector<5x200x200xbf16> to vector<1x200x200xbf16>
    %squeeze3A_315 = vector.shape_cast %slice3A_314 : vector<1x200x200xbf16> to vector<200x200xbf16>
    %dot_general3A_316 = arith.constant dense<0.000000e+00> : vector<1280x200xf32>
    %dot_general3A_317 = tpu.matmul %convert_element_type3A_89, %squeeze3A_315, %dot_general3A_316 {dimension_numbers = #tpu.dot_dimension_numbers<[1], [0], [0], [1], [0, 0, 1, 1], [], []>, transpose_lhs_hint = false} : vector<1280x200xbf16>, vector<200x200xbf16>, vector<1280x200xf32> -> vector<1280x200xf32>
    %add3A_318 = arith.addf %add3A_313, %dot_general3A_317 : vector<1280x200xf32>
    %max3A_319 = arith.maximumf %max3A_294, %add3A_318 : vector<1280x200xf32>
    %slice3A_320 = vector.extract_strided_slice %get3A_163 {offsets = [0, 0, 0], sizes = [1, 200, 200], strides = [1, 1, 1]} : vector<5x200x200xbf16> to vector<1x200x200xbf16>
    %squeeze3A_321 = vector.shape_cast %slice3A_320 : vector<1x200x200xbf16> to vector<200x200xbf16>
    %dot_general3A_322 = arith.constant dense<0.000000e+00> : vector<1280x200xf32>
    %dot_general3A_323 = tpu.matmul %convert_element_type3A_59, %squeeze3A_321, %dot_general3A_322 {dimension_numbers = #tpu.dot_dimension_numbers<[1], [0], [0], [1], [0, 0, 1, 1], [], []>, transpose_lhs_hint = false} : vector<1280x200xbf16>, vector<200x200xbf16>, vector<1280x200xf32> -> vector<1280x200xf32>
    %slice3A_324 = vector.extract_strided_slice %get3A_163 {offsets = [1, 0, 0], sizes = [1, 200, 200], strides = [1, 1, 1]} : vector<5x200x200xbf16> to vector<1x200x200xbf16>
    %squeeze3A_325 = vector.shape_cast %slice3A_324 : vector<1x200x200xbf16> to vector<200x200xbf16>
    %dot_general3A_326 = arith.constant dense<0.000000e+00> : vector<1280x200xf32>
    %dot_general3A_327 = tpu.matmul %convert_element_type3A_69, %squeeze3A_325, %dot_general3A_326 {dimension_numbers = #tpu.dot_dimension_numbers<[1], [0], [0], [1], [0, 0, 1, 1], [], []>, transpose_lhs_hint = false} : vector<1280x200xbf16>, vector<200x200xbf16>, vector<1280x200xf32> -> vector<1280x200xf32>
    %add3A_328 = arith.addf %dot_general3A_323, %dot_general3A_327 : vector<1280x200xf32>
    %slice3A_329 = vector.extract_strided_slice %get3A_163 {offsets = [2, 0, 0], sizes = [1, 200, 200], strides = [1, 1, 1]} : vector<5x200x200xbf16> to vector<1x200x200xbf16>
    %squeeze3A_330 = vector.shape_cast %slice3A_329 : vector<1x200x200xbf16> to vector<200x200xbf16>
    %dot_general3A_331 = arith.constant dense<0.000000e+00> : vector<1280x200xf32>
    %dot_general3A_332 = tpu.matmul %convert_element_type3A_79, %squeeze3A_330, %dot_general3A_331 {dimension_numbers = #tpu.dot_dimension_numbers<[1], [0], [0], [1], [0, 0, 1, 1], [], []>, transpose_lhs_hint = false} : vector<1280x200xbf16>, vector<200x200xbf16>, vector<1280x200xf32> -> vector<1280x200xf32>
    %add3A_333 = arith.addf %add3A_328, %dot_general3A_332 : vector<1280x200xf32>
    %slice3A_334 = vector.extract_strided_slice %get3A_163 {offsets = [3, 0, 0], sizes = [1, 200, 200], strides = [1, 1, 1]} : vector<5x200x200xbf16> to vector<1x200x200xbf16>
    %squeeze3A_335 = vector.shape_cast %slice3A_334 : vector<1x200x200xbf16> to vector<200x200xbf16>
    %dot_general3A_336 = arith.constant dense<0.000000e+00> : vector<1280x200xf32>
    %dot_general3A_337 = tpu.matmul %convert_element_type3A_89, %squeeze3A_335, %dot_general3A_336 {dimension_numbers = #tpu.dot_dimension_numbers<[1], [0], [0], [1], [0, 0, 1, 1], [], []>, transpose_lhs_hint = false} : vector<1280x200xbf16>, vector<200x200xbf16>, vector<1280x200xf32> -> vector<1280x200xf32>
    %add3A_338 = arith.addf %add3A_333, %dot_general3A_337 : vector<1280x200xf32>
    %slice3A_339 = vector.extract_strided_slice %get3A_163 {offsets = [4, 0, 0], sizes = [1, 200, 200], strides = [1, 1, 1]} : vector<5x200x200xbf16> to vector<1x200x200xbf16>
    %squeeze3A_340 = vector.shape_cast %slice3A_339 : vector<1x200x200xbf16> to vector<200x200xbf16>
    %dot_general3A_341 = arith.constant dense<0.000000e+00> : vector<1280x200xf32>
    %dot_general3A_342 = tpu.matmul %convert_element_type3A_99, %squeeze3A_340, %dot_general3A_341 {dimension_numbers = #tpu.dot_dimension_numbers<[1], [0], [0], [1], [0, 0, 1, 1], [], []>, transpose_lhs_hint = false} : vector<1280x200xbf16>, vector<200x200xbf16>, vector<1280x200xf32> -> vector<1280x200xf32>
    %add3A_343 = arith.addf %add3A_338, %dot_general3A_342 : vector<1280x200xf32>
    %max3A_344 = arith.maximumf %max3A_319, %add3A_343 : vector<1280x200xf32>
    %slice3A_345 = vector.extract_strided_slice %get3A_163 {offsets = [0, 0, 0], sizes = [1, 200, 200], strides = [1, 1, 1]} : vector<5x200x200xbf16> to vector<1x200x200xbf16>
    %squeeze3A_346 = vector.shape_cast %slice3A_345 : vector<1x200x200xbf16> to vector<200x200xbf16>
    %dot_general3A_347 = arith.constant dense<0.000000e+00> : vector<1280x200xf32>
    %dot_general3A_348 = tpu.matmul %convert_element_type3A_69, %squeeze3A_346, %dot_general3A_347 {dimension_numbers = #tpu.dot_dimension_numbers<[1], [0], [0], [1], [0, 0, 1, 1], [], []>, transpose_lhs_hint = false} : vector<1280x200xbf16>, vector<200x200xbf16>, vector<1280x200xf32> -> vector<1280x200xf32>
    %slice3A_349 = vector.extract_strided_slice %get3A_163 {offsets = [1, 0, 0], sizes = [1, 200, 200], strides = [1, 1, 1]} : vector<5x200x200xbf16> to vector<1x200x200xbf16>
    %squeeze3A_350 = vector.shape_cast %slice3A_349 : vector<1x200x200xbf16> to vector<200x200xbf16>
    %dot_general3A_351 = arith.constant dense<0.000000e+00> : vector<1280x200xf32>
    %dot_general3A_352 = tpu.matmul %convert_element_type3A_79, %squeeze3A_350, %dot_general3A_351 {dimension_numbers = #tpu.dot_dimension_numbers<[1], [0], [0], [1], [0, 0, 1, 1], [], []>, transpose_lhs_hint = false} : vector<1280x200xbf16>, vector<200x200xbf16>, vector<1280x200xf32> -> vector<1280x200xf32>
    %add3A_353 = arith.addf %dot_general3A_348, %dot_general3A_352 : vector<1280x200xf32>
    %slice3A_354 = vector.extract_strided_slice %get3A_163 {offsets = [2, 0, 0], sizes = [1, 200, 200], strides = [1, 1, 1]} : vector<5x200x200xbf16> to vector<1x200x200xbf16>
    %squeeze3A_355 = vector.shape_cast %slice3A_354 : vector<1x200x200xbf16> to vector<200x200xbf16>
    %dot_general3A_356 = arith.constant dense<0.000000e+00> : vector<1280x200xf32>
    %dot_general3A_357 = tpu.matmul %convert_element_type3A_89, %squeeze3A_355, %dot_general3A_356 {dimension_numbers = #tpu.dot_dimension_numbers<[1], [0], [0], [1], [0, 0, 1, 1], [], []>, transpose_lhs_hint = false} : vector<1280x200xbf16>, vector<200x200xbf16>, vector<1280x200xf32> -> vector<1280x200xf32>
    %add3A_358 = arith.addf %add3A_353, %dot_general3A_357 : vector<1280x200xf32>
    %slice3A_359 = vector.extract_strided_slice %get3A_163 {offsets = [3, 0, 0], sizes = [1, 200, 200], strides = [1, 1, 1]} : vector<5x200x200xbf16> to vector<1x200x200xbf16>
    %squeeze3A_360 = vector.shape_cast %slice3A_359 : vector<1x200x200xbf16> to vector<200x200xbf16>
    %dot_general3A_361 = arith.constant dense<0.000000e+00> : vector<1280x200xf32>
    %dot_general3A_362 = tpu.matmul %convert_element_type3A_99, %squeeze3A_360, %dot_general3A_361 {dimension_numbers = #tpu.dot_dimension_numbers<[1], [0], [0], [1], [0, 0, 1, 1], [], []>, transpose_lhs_hint = false} : vector<1280x200xbf16>, vector<200x200xbf16>, vector<1280x200xf32> -> vector<1280x200xf32>
    %add3A_363 = arith.addf %add3A_358, %dot_general3A_362 : vector<1280x200xf32>
    %slice3A_364 = vector.extract_strided_slice %get3A_163 {offsets = [4, 0, 0], sizes = [1, 200, 200], strides = [1, 1, 1]} : vector<5x200x200xbf16> to vector<1x200x200xbf16>
    %squeeze3A_365 = vector.shape_cast %slice3A_364 : vector<1x200x200xbf16> to vector<200x200xbf16>
    %dot_general3A_366 = arith.constant dense<0.000000e+00> : vector<1280x200xf32>
    %dot_general3A_367 = tpu.matmul %convert_element_type3A_109, %squeeze3A_365, %dot_general3A_366 {dimension_numbers = #tpu.dot_dimension_numbers<[1], [0], [0], [1], [0, 0, 1, 1], [], []>, transpose_lhs_hint = false} : vector<1280x200xbf16>, vector<200x200xbf16>, vector<1280x200xf32> -> vector<1280x200xf32>
    %add3A_368 = arith.addf %add3A_363, %dot_general3A_367 : vector<1280x200xf32>
    %max3A_369 = arith.maximumf %max3A_344, %add3A_368 : vector<1280x200xf32>
    %slice3A_370 = vector.extract_strided_slice %get3A_163 {offsets = [0, 0, 0], sizes = [1, 200, 200], strides = [1, 1, 1]} : vector<5x200x200xbf16> to vector<1x200x200xbf16>
    %squeeze3A_371 = vector.shape_cast %slice3A_370 : vector<1x200x200xbf16> to vector<200x200xbf16>
    %dot_general3A_372 = arith.constant dense<0.000000e+00> : vector<1280x200xf32>
    %dot_general3A_373 = tpu.matmul %convert_element_type3A_79, %squeeze3A_371, %dot_general3A_372 {dimension_numbers = #tpu.dot_dimension_numbers<[1], [0], [0], [1], [0, 0, 1, 1], [], []>, transpose_lhs_hint = false} : vector<1280x200xbf16>, vector<200x200xbf16>, vector<1280x200xf32> -> vector<1280x200xf32>
    %slice3A_374 = vector.extract_strided_slice %get3A_163 {offsets = [1, 0, 0], sizes = [1, 200, 200], strides = [1, 1, 1]} : vector<5x200x200xbf16> to vector<1x200x200xbf16>
    %squeeze3A_375 = vector.shape_cast %slice3A_374 : vector<1x200x200xbf16> to vector<200x200xbf16>
    %dot_general3A_376 = arith.constant dense<0.000000e+00> : vector<1280x200xf32>
    %dot_general3A_377 = tpu.matmul %convert_element_type3A_89, %squeeze3A_375, %dot_general3A_376 {dimension_numbers = #tpu.dot_dimension_numbers<[1], [0], [0], [1], [0, 0, 1, 1], [], []>, transpose_lhs_hint = false} : vector<1280x200xbf16>, vector<200x200xbf16>, vector<1280x200xf32> -> vector<1280x200xf32>
    %add3A_378 = arith.addf %dot_general3A_373, %dot_general3A_377 : vector<1280x200xf32>
    %slice3A_379 = vector.extract_strided_slice %get3A_163 {offsets = [2, 0, 0], sizes = [1, 200, 200], strides = [1, 1, 1]} : vector<5x200x200xbf16> to vector<1x200x200xbf16>
    %squeeze3A_380 = vector.shape_cast %slice3A_379 : vector<1x200x200xbf16> to vector<200x200xbf16>
    %dot_general3A_381 = arith.constant dense<0.000000e+00> : vector<1280x200xf32>
    %dot_general3A_382 = tpu.matmul %convert_element_type3A_99, %squeeze3A_380, %dot_general3A_381 {dimension_numbers = #tpu.dot_dimension_numbers<[1], [0], [0], [1], [0, 0, 1, 1], [], []>, transpose_lhs_hint = false} : vector<1280x200xbf16>, vector<200x200xbf16>, vector<1280x200xf32> -> vector<1280x200xf32>
    %add3A_383 = arith.addf %add3A_378, %dot_general3A_382 : vector<1280x200xf32>
    %slice3A_384 = vector.extract_strided_slice %get3A_163 {offsets = [3, 0, 0], sizes = [1, 200, 200], strides = [1, 1, 1]} : vector<5x200x200xbf16> to vector<1x200x200xbf16>
    %squeeze3A_385 = vector.shape_cast %slice3A_384 : vector<1x200x200xbf16> to vector<200x200xbf16>
    %dot_general3A_386 = arith.constant dense<0.000000e+00> : vector<1280x200xf32>
    %dot_general3A_387 = tpu.matmul %convert_element_type3A_109, %squeeze3A_385, %dot_general3A_386 {dimension_numbers = #tpu.dot_dimension_numbers<[1], [0], [0], [1], [0, 0, 1, 1], [], []>, transpose_lhs_hint = false} : vector<1280x200xbf16>, vector<200x200xbf16>, vector<1280x200xf32> -> vector<1280x200xf32>
    %add3A_388 = arith.addf %add3A_383, %dot_general3A_387 : vector<1280x200xf32>
    %slice3A_389 = vector.extract_strided_slice %get3A_163 {offsets = [4, 0, 0], sizes = [1, 200, 200], strides = [1, 1, 1]} : vector<5x200x200xbf16> to vector<1x200x200xbf16>
    %squeeze3A_390 = vector.shape_cast %slice3A_389 : vector<1x200x200xbf16> to vector<200x200xbf16>
    %dot_general3A_391 = arith.constant dense<0.000000e+00> : vector<1280x200xf32>
    %dot_general3A_392 = tpu.matmul %convert_element_type3A_119, %squeeze3A_390, %dot_general3A_391 {dimension_numbers = #tpu.dot_dimension_numbers<[1], [0], [0], [1], [0, 0, 1, 1], [], []>, transpose_lhs_hint = false} : vector<1280x200xbf16>, vector<200x200xbf16>, vector<1280x200xf32> -> vector<1280x200xf32>
    %add3A_393 = arith.addf %add3A_388, %dot_general3A_392 : vector<1280x200xf32>
    %max3A_394 = arith.maximumf %max3A_369, %add3A_393 : vector<1280x200xf32>
    %slice3A_395 = vector.extract_strided_slice %get3A_163 {offsets = [0, 0, 0], sizes = [1, 200, 200], strides = [1, 1, 1]} : vector<5x200x200xbf16> to vector<1x200x200xbf16>
    %squeeze3A_396 = vector.shape_cast %slice3A_395 : vector<1x200x200xbf16> to vector<200x200xbf16>
    %dot_general3A_397 = arith.constant dense<0.000000e+00> : vector<1280x200xf32>
    %dot_general3A_398 = tpu.matmul %convert_element_type3A_89, %squeeze3A_396, %dot_general3A_397 {dimension_numbers = #tpu.dot_dimension_numbers<[1], [0], [0], [1], [0, 0, 1, 1], [], []>, transpose_lhs_hint = false} : vector<1280x200xbf16>, vector<200x200xbf16>, vector<1280x200xf32> -> vector<1280x200xf32>
    %slice3A_399 = vector.extract_strided_slice %get3A_163 {offsets = [1, 0, 0], sizes = [1, 200, 200], strides = [1, 1, 1]} : vector<5x200x200xbf16> to vector<1x200x200xbf16>
    %squeeze3A_400 = vector.shape_cast %slice3A_399 : vector<1x200x200xbf16> to vector<200x200xbf16>
    %dot_general3A_401 = arith.constant dense<0.000000e+00> : vector<1280x200xf32>
    %dot_general3A_402 = tpu.matmul %convert_element_type3A_99, %squeeze3A_400, %dot_general3A_401 {dimension_numbers = #tpu.dot_dimension_numbers<[1], [0], [0], [1], [0, 0, 1, 1], [], []>, transpose_lhs_hint = false} : vector<1280x200xbf16>, vector<200x200xbf16>, vector<1280x200xf32> -> vector<1280x200xf32>
    %add3A_403 = arith.addf %dot_general3A_398, %dot_general3A_402 : vector<1280x200xf32>
    %slice3A_404 = vector.extract_strided_slice %get3A_163 {offsets = [2, 0, 0], sizes = [1, 200, 200], strides = [1, 1, 1]} : vector<5x200x200xbf16> to vector<1x200x200xbf16>
    %squeeze3A_405 = vector.shape_cast %slice3A_404 : vector<1x200x200xbf16> to vector<200x200xbf16>
    %dot_general3A_406 = arith.constant dense<0.000000e+00> : vector<1280x200xf32>
    %dot_general3A_407 = tpu.matmul %convert_element_type3A_109, %squeeze3A_405, %dot_general3A_406 {dimension_numbers = #tpu.dot_dimension_numbers<[1], [0], [0], [1], [0, 0, 1, 1], [], []>, transpose_lhs_hint = false} : vector<1280x200xbf16>, vector<200x200xbf16>, vector<1280x200xf32> -> vector<1280x200xf32>
    %add3A_408 = arith.addf %add3A_403, %dot_general3A_407 : vector<1280x200xf32>
    %slice3A_409 = vector.extract_strided_slice %get3A_163 {offsets = [3, 0, 0], sizes = [1, 200, 200], strides = [1, 1, 1]} : vector<5x200x200xbf16> to vector<1x200x200xbf16>
    %squeeze3A_410 = vector.shape_cast %slice3A_409 : vector<1x200x200xbf16> to vector<200x200xbf16>
    %dot_general3A_411 = arith.constant dense<0.000000e+00> : vector<1280x200xf32>
    %dot_general3A_412 = tpu.matmul %convert_element_type3A_119, %squeeze3A_410, %dot_general3A_411 {dimension_numbers = #tpu.dot_dimension_numbers<[1], [0], [0], [1], [0, 0, 1, 1], [], []>, transpose_lhs_hint = false} : vector<1280x200xbf16>, vector<200x200xbf16>, vector<1280x200xf32> -> vector<1280x200xf32>
    %add3A_413 = arith.addf %add3A_408, %dot_general3A_412 : vector<1280x200xf32>
    %slice3A_414 = vector.extract_strided_slice %get3A_163 {offsets = [4, 0, 0], sizes = [1, 200, 200], strides = [1, 1, 1]} : vector<5x200x200xbf16> to vector<1x200x200xbf16>
    %squeeze3A_415 = vector.shape_cast %slice3A_414 : vector<1x200x200xbf16> to vector<200x200xbf16>
    %dot_general3A_416 = arith.constant dense<0.000000e+00> : vector<1280x200xf32>
    %dot_general3A_417 = tpu.matmul %convert_element_type3A_129, %squeeze3A_415, %dot_general3A_416 {dimension_numbers = #tpu.dot_dimension_numbers<[1], [0], [0], [1], [0, 0, 1, 1], [], []>, transpose_lhs_hint = false} : vector<1280x200xbf16>, vector<200x200xbf16>, vector<1280x200xf32> -> vector<1280x200xf32>
    %add3A_418 = arith.addf %add3A_413, %dot_general3A_417 : vector<1280x200xf32>
    %max3A_419 = arith.maximumf %max3A_394, %add3A_418 : vector<1280x200xf32>
    %slice3A_420 = vector.extract_strided_slice %get3A_163 {offsets = [0, 0, 0], sizes = [1, 200, 200], strides = [1, 1, 1]} : vector<5x200x200xbf16> to vector<1x200x200xbf16>
    %squeeze3A_421 = vector.shape_cast %slice3A_420 : vector<1x200x200xbf16> to vector<200x200xbf16>
    %dot_general3A_422 = arith.constant dense<0.000000e+00> : vector<1280x200xf32>
    %dot_general3A_423 = tpu.matmul %convert_element_type3A_99, %squeeze3A_421, %dot_general3A_422 {dimension_numbers = #tpu.dot_dimension_numbers<[1], [0], [0], [1], [0, 0, 1, 1], [], []>, transpose_lhs_hint = false} : vector<1280x200xbf16>, vector<200x200xbf16>, vector<1280x200xf32> -> vector<1280x200xf32>
    %slice3A_424 = vector.extract_strided_slice %get3A_163 {offsets = [1, 0, 0], sizes = [1, 200, 200], strides = [1, 1, 1]} : vector<5x200x200xbf16> to vector<1x200x200xbf16>
    %squeeze3A_425 = vector.shape_cast %slice3A_424 : vector<1x200x200xbf16> to vector<200x200xbf16>
    %dot_general3A_426 = arith.constant dense<0.000000e+00> : vector<1280x200xf32>
    %dot_general3A_427 = tpu.matmul %convert_element_type3A_109, %squeeze3A_425, %dot_general3A_426 {dimension_numbers = #tpu.dot_dimension_numbers<[1], [0], [0], [1], [0, 0, 1, 1], [], []>, transpose_lhs_hint = false} : vector<1280x200xbf16>, vector<200x200xbf16>, vector<1280x200xf32> -> vector<1280x200xf32>
    %add3A_428 = arith.addf %dot_general3A_423, %dot_general3A_427 : vector<1280x200xf32>
    %slice3A_429 = vector.extract_strided_slice %get3A_163 {offsets = [2, 0, 0], sizes = [1, 200, 200], strides = [1, 1, 1]} : vector<5x200x200xbf16> to vector<1x200x200xbf16>
    %squeeze3A_430 = vector.shape_cast %slice3A_429 : vector<1x200x200xbf16> to vector<200x200xbf16>
    %dot_general3A_431 = arith.constant dense<0.000000e+00> : vector<1280x200xf32>
    %dot_general3A_432 = tpu.matmul %convert_element_type3A_119, %squeeze3A_430, %dot_general3A_431 {dimension_numbers = #tpu.dot_dimension_numbers<[1], [0], [0], [1], [0, 0, 1, 1], [], []>, transpose_lhs_hint = false} : vector<1280x200xbf16>, vector<200x200xbf16>, vector<1280x200xf32> -> vector<1280x200xf32>
    %add3A_433 = arith.addf %add3A_428, %dot_general3A_432 : vector<1280x200xf32>
    %slice3A_434 = vector.extract_strided_slice %get3A_163 {offsets = [3, 0, 0], sizes = [1, 200, 200], strides = [1, 1, 1]} : vector<5x200x200xbf16> to vector<1x200x200xbf16>
    %squeeze3A_435 = vector.shape_cast %slice3A_434 : vector<1x200x200xbf16> to vector<200x200xbf16>
    %dot_general3A_436 = arith.constant dense<0.000000e+00> : vector<1280x200xf32>
    %dot_general3A_437 = tpu.matmul %convert_element_type3A_129, %squeeze3A_435, %dot_general3A_436 {dimension_numbers = #tpu.dot_dimension_numbers<[1], [0], [0], [1], [0, 0, 1, 1], [], []>, transpose_lhs_hint = false} : vector<1280x200xbf16>, vector<200x200xbf16>, vector<1280x200xf32> -> vector<1280x200xf32>
    %add3A_438 = arith.addf %add3A_433, %dot_general3A_437 : vector<1280x200xf32>
    %slice3A_439 = vector.extract_strided_slice %get3A_163 {offsets = [4, 0, 0], sizes = [1, 200, 200], strides = [1, 1, 1]} : vector<5x200x200xbf16> to vector<1x200x200xbf16>
    %squeeze3A_440 = vector.shape_cast %slice3A_439 : vector<1x200x200xbf16> to vector<200x200xbf16>
    %dot_general3A_441 = arith.constant dense<0.000000e+00> : vector<1280x200xf32>
    %dot_general3A_442 = tpu.matmul %convert_element_type3A_139, %squeeze3A_440, %dot_general3A_441 {dimension_numbers = #tpu.dot_dimension_numbers<[1], [0], [0], [1], [0, 0, 1, 1], [], []>, transpose_lhs_hint = false} : vector<1280x200xbf16>, vector<200x200xbf16>, vector<1280x200xf32> -> vector<1280x200xf32>
    %add3A_443 = arith.addf %add3A_438, %dot_general3A_442 : vector<1280x200xf32>
    %max3A_444 = arith.maximumf %max3A_419, %add3A_443 : vector<1280x200xf32>
    %slice3A_445 = vector.extract_strided_slice %get3A_163 {offsets = [0, 0, 0], sizes = [1, 200, 200], strides = [1, 1, 1]} : vector<5x200x200xbf16> to vector<1x200x200xbf16>
    %squeeze3A_446 = vector.shape_cast %slice3A_445 : vector<1x200x200xbf16> to vector<200x200xbf16>
    %dot_general3A_447 = arith.constant dense<0.000000e+00> : vector<1280x200xf32>
    %dot_general3A_448 = tpu.matmul %convert_element_type3A_109, %squeeze3A_446, %dot_general3A_447 {dimension_numbers = #tpu.dot_dimension_numbers<[1], [0], [0], [1], [0, 0, 1, 1], [], []>, transpose_lhs_hint = false} : vector<1280x200xbf16>, vector<200x200xbf16>, vector<1280x200xf32> -> vector<1280x200xf32>
    %slice3A_449 = vector.extract_strided_slice %get3A_163 {offsets = [1, 0, 0], sizes = [1, 200, 200], strides = [1, 1, 1]} : vector<5x200x200xbf16> to vector<1x200x200xbf16>
    %squeeze3A_450 = vector.shape_cast %slice3A_449 : vector<1x200x200xbf16> to vector<200x200xbf16>
    %dot_general3A_451 = arith.constant dense<0.000000e+00> : vector<1280x200xf32>
    %dot_general3A_452 = tpu.matmul %convert_element_type3A_119, %squeeze3A_450, %dot_general3A_451 {dimension_numbers = #tpu.dot_dimension_numbers<[1], [0], [0], [1], [0, 0, 1, 1], [], []>, transpose_lhs_hint = false} : vector<1280x200xbf16>, vector<200x200xbf16>, vector<1280x200xf32> -> vector<1280x200xf32>
    %add3A_453 = arith.addf %dot_general3A_448, %dot_general3A_452 : vector<1280x200xf32>
    %slice3A_454 = vector.extract_strided_slice %get3A_163 {offsets = [2, 0, 0], sizes = [1, 200, 200], strides = [1, 1, 1]} : vector<5x200x200xbf16> to vector<1x200x200xbf16>
    %squeeze3A_455 = vector.shape_cast %slice3A_454 : vector<1x200x200xbf16> to vector<200x200xbf16>
    %dot_general3A_456 = arith.constant dense<0.000000e+00> : vector<1280x200xf32>
    %dot_general3A_457 = tpu.matmul %convert_element_type3A_129, %squeeze3A_455, %dot_general3A_456 {dimension_numbers = #tpu.dot_dimension_numbers<[1], [0], [0], [1], [0, 0, 1, 1], [], []>, transpose_lhs_hint = false} : vector<1280x200xbf16>, vector<200x200xbf16>, vector<1280x200xf32> -> vector<1280x200xf32>
    %add3A_458 = arith.addf %add3A_453, %dot_general3A_457 : vector<1280x200xf32>
    %slice3A_459 = vector.extract_strided_slice %get3A_163 {offsets = [3, 0, 0], sizes = [1, 200, 200], strides = [1, 1, 1]} : vector<5x200x200xbf16> to vector<1x200x200xbf16>
    %squeeze3A_460 = vector.shape_cast %slice3A_459 : vector<1x200x200xbf16> to vector<200x200xbf16>
    %dot_general3A_461 = arith.constant dense<0.000000e+00> : vector<1280x200xf32>
    %dot_general3A_462 = tpu.matmul %convert_element_type3A_139, %squeeze3A_460, %dot_general3A_461 {dimension_numbers = #tpu.dot_dimension_numbers<[1], [0], [0], [1], [0, 0, 1, 1], [], []>, transpose_lhs_hint = false} : vector<1280x200xbf16>, vector<200x200xbf16>, vector<1280x200xf32> -> vector<1280x200xf32>
    %add3A_463 = arith.addf %add3A_458, %dot_general3A_462 : vector<1280x200xf32>
    %slice3A_464 = vector.extract_strided_slice %get3A_163 {offsets = [4, 0, 0], sizes = [1, 200, 200], strides = [1, 1, 1]} : vector<5x200x200xbf16> to vector<1x200x200xbf16>
    %squeeze3A_465 = vector.shape_cast %slice3A_464 : vector<1x200x200xbf16> to vector<200x200xbf16>
    %dot_general3A_466 = arith.constant dense<0.000000e+00> : vector<1280x200xf32>
    %dot_general3A_467 = tpu.matmul %convert_element_type3A_149, %squeeze3A_465, %dot_general3A_466 {dimension_numbers = #tpu.dot_dimension_numbers<[1], [0], [0], [1], [0, 0, 1, 1], [], []>, transpose_lhs_hint = false} : vector<1280x200xbf16>, vector<200x200xbf16>, vector<1280x200xf32> -> vector<1280x200xf32>
    %add3A_468 = arith.addf %add3A_463, %dot_general3A_467 : vector<1280x200xf32>
    %max3A_469 = arith.maximumf %max3A_444, %add3A_468 : vector<1280x200xf32>
    %slice3A_470 = vector.extract_strided_slice %get3A_163 {offsets = [0, 0, 0], sizes = [1, 200, 200], strides = [1, 1, 1]} : vector<5x200x200xbf16> to vector<1x200x200xbf16>
    %squeeze3A_471 = vector.shape_cast %slice3A_470 : vector<1x200x200xbf16> to vector<200x200xbf16>
    %dot_general3A_472 = arith.constant dense<0.000000e+00> : vector<1280x200xf32>
    %dot_general3A_473 = tpu.matmul %convert_element_type3A_119, %squeeze3A_471, %dot_general3A_472 {dimension_numbers = #tpu.dot_dimension_numbers<[1], [0], [0], [1], [0, 0, 1, 1], [], []>, transpose_lhs_hint = false} : vector<1280x200xbf16>, vector<200x200xbf16>, vector<1280x200xf32> -> vector<1280x200xf32>
    %slice3A_474 = vector.extract_strided_slice %get3A_163 {offsets = [1, 0, 0], sizes = [1, 200, 200], strides = [1, 1, 1]} : vector<5x200x200xbf16> to vector<1x200x200xbf16>
    %squeeze3A_475 = vector.shape_cast %slice3A_474 : vector<1x200x200xbf16> to vector<200x200xbf16>
    %dot_general3A_476 = arith.constant dense<0.000000e+00> : vector<1280x200xf32>
    %dot_general3A_477 = tpu.matmul %convert_element_type3A_129, %squeeze3A_475, %dot_general3A_476 {dimension_numbers = #tpu.dot_dimension_numbers<[1], [0], [0], [1], [0, 0, 1, 1], [], []>, transpose_lhs_hint = false} : vector<1280x200xbf16>, vector<200x200xbf16>, vector<1280x200xf32> -> vector<1280x200xf32>
    %add3A_478 = arith.addf %dot_general3A_473, %dot_general3A_477 : vector<1280x200xf32>
    %slice3A_479 = vector.extract_strided_slice %get3A_163 {offsets = [2, 0, 0], sizes = [1, 200, 200], strides = [1, 1, 1]} : vector<5x200x200xbf16> to vector<1x200x200xbf16>
    %squeeze3A_480 = vector.shape_cast %slice3A_479 : vector<1x200x200xbf16> to vector<200x200xbf16>
    %dot_general3A_481 = arith.constant dense<0.000000e+00> : vector<1280x200xf32>
    %dot_general3A_482 = tpu.matmul %convert_element_type3A_139, %squeeze3A_480, %dot_general3A_481 {dimension_numbers = #tpu.dot_dimension_numbers<[1], [0], [0], [1], [0, 0, 1, 1], [], []>, transpose_lhs_hint = false} : vector<1280x200xbf16>, vector<200x200xbf16>, vector<1280x200xf32> -> vector<1280x200xf32>
    %add3A_483 = arith.addf %add3A_478, %dot_general3A_482 : vector<1280x200xf32>
    %slice3A_484 = vector.extract_strided_slice %get3A_163 {offsets = [3, 0, 0], sizes = [1, 200, 200], strides = [1, 1, 1]} : vector<5x200x200xbf16> to vector<1x200x200xbf16>
    %squeeze3A_485 = vector.shape_cast %slice3A_484 : vector<1x200x200xbf16> to vector<200x200xbf16>
    %dot_general3A_486 = arith.constant dense<0.000000e+00> : vector<1280x200xf32>
    %dot_general3A_487 = tpu.matmul %convert_element_type3A_149, %squeeze3A_485, %dot_general3A_486 {dimension_numbers = #tpu.dot_dimension_numbers<[1], [0], [0], [1], [0, 0, 1, 1], [], []>, transpose_lhs_hint = false} : vector<1280x200xbf16>, vector<200x200xbf16>, vector<1280x200xf32> -> vector<1280x200xf32>
    %add3A_488 = arith.addf %add3A_483, %dot_general3A_487 : vector<1280x200xf32>
    %slice3A_489 = vector.extract_strided_slice %get3A_163 {offsets = [4, 0, 0], sizes = [1, 200, 200], strides = [1, 1, 1]} : vector<5x200x200xbf16> to vector<1x200x200xbf16>
    %squeeze3A_490 = vector.shape_cast %slice3A_489 : vector<1x200x200xbf16> to vector<200x200xbf16>
    %dot_general3A_491 = arith.constant dense<0.000000e+00> : vector<1280x200xf32>
    %dot_general3A_492 = tpu.matmul %convert_element_type3A_159, %squeeze3A_490, %dot_general3A_491 {dimension_numbers = #tpu.dot_dimension_numbers<[1], [0], [0], [1], [0, 0, 1, 1], [], []>, transpose_lhs_hint = false} : vector<1280x200xbf16>, vector<200x200xbf16>, vector<1280x200xf32> -> vector<1280x200xf32>
    %add3A_493 = arith.addf %add3A_488, %dot_general3A_492 : vector<1280x200xf32>
    %max3A_494 = arith.maximumf %max3A_469, %add3A_493 : vector<1280x200xf32>
    %slice3A_495 = vector.extract_strided_slice %get3A_163 {offsets = [0, 0, 0], sizes = [1, 200, 200], strides = [1, 1, 1]} : vector<5x200x200xbf16> to vector<1x200x200xbf16>
    %squeeze3A_496 = vector.shape_cast %slice3A_495 : vector<1x200x200xbf16> to vector<200x200xbf16>
    %dot_general3A_497 = arith.constant dense<0.000000e+00> : vector<1280x200xf32>
    %dot_general3A_498 = tpu.matmul %convert_element_type3A_129, %squeeze3A_496, %dot_general3A_497 {dimension_numbers = #tpu.dot_dimension_numbers<[1], [0], [0], [1], [0, 0, 1, 1], [], []>, transpose_lhs_hint = false} : vector<1280x200xbf16>, vector<200x200xbf16>, vector<1280x200xf32> -> vector<1280x200xf32>
    %slice3A_499 = vector.extract_strided_slice %get3A_163 {offsets = [1, 0, 0], sizes = [1, 200, 200], strides = [1, 1, 1]} : vector<5x200x200xbf16> to vector<1x200x200xbf16>
    %squeeze3A_500 = vector.shape_cast %slice3A_499 : vector<1x200x200xbf16> to vector<200x200xbf16>
    %dot_general3A_501 = arith.constant dense<0.000000e+00> : vector<1280x200xf32>
    %dot_general3A_502 = tpu.matmul %convert_element_type3A_139, %squeeze3A_500, %dot_general3A_501 {dimension_numbers = #tpu.dot_dimension_numbers<[1], [0], [0], [1], [0, 0, 1, 1], [], []>, transpose_lhs_hint = false} : vector<1280x200xbf16>, vector<200x200xbf16>, vector<1280x200xf32> -> vector<1280x200xf32>
    %add3A_503 = arith.addf %dot_general3A_498, %dot_general3A_502 : vector<1280x200xf32>
    %slice3A_504 = vector.extract_strided_slice %get3A_163 {offsets = [2, 0, 0], sizes = [1, 200, 200], strides = [1, 1, 1]} : vector<5x200x200xbf16> to vector<1x200x200xbf16>
    %squeeze3A_505 = vector.shape_cast %slice3A_504 : vector<1x200x200xbf16> to vector<200x200xbf16>
    %dot_general3A_506 = arith.constant dense<0.000000e+00> : vector<1280x200xf32>
    %dot_general3A_507 = tpu.matmul %convert_element_type3A_149, %squeeze3A_505, %dot_general3A_506 {dimension_numbers = #tpu.dot_dimension_numbers<[1], [0], [0], [1], [0, 0, 1, 1], [], []>, transpose_lhs_hint = false} : vector<1280x200xbf16>, vector<200x200xbf16>, vector<1280x200xf32> -> vector<1280x200xf32>
    %add3A_508 = arith.addf %add3A_503, %dot_general3A_507 : vector<1280x200xf32>
    %slice3A_509 = vector.extract_strided_slice %get3A_163 {offsets = [3, 0, 0], sizes = [1, 200, 200], strides = [1, 1, 1]} : vector<5x200x200xbf16> to vector<1x200x200xbf16>
    %squeeze3A_510 = vector.shape_cast %slice3A_509 : vector<1x200x200xbf16> to vector<200x200xbf16>
    %dot_general3A_511 = arith.constant dense<0.000000e+00> : vector<1280x200xf32>
    %dot_general3A_512 = tpu.matmul %convert_element_type3A_159, %squeeze3A_510, %dot_general3A_511 {dimension_numbers = #tpu.dot_dimension_numbers<[1], [0], [0], [1], [0, 0, 1, 1], [], []>, transpose_lhs_hint = false} : vector<1280x200xbf16>, vector<200x200xbf16>, vector<1280x200xf32> -> vector<1280x200xf32>
    %add3A_513 = arith.addf %add3A_508, %dot_general3A_512 : vector<1280x200xf32>
    %max3A_514 = arith.maximumf %max3A_494, %add3A_513 : vector<1280x200xf32>
    %slice3A_515 = vector.extract_strided_slice %get3A_163 {offsets = [0, 0, 0], sizes = [1, 200, 200], strides = [1, 1, 1]} : vector<5x200x200xbf16> to vector<1x200x200xbf16>
    %squeeze3A_516 = vector.shape_cast %slice3A_515 : vector<1x200x200xbf16> to vector<200x200xbf16>
    %dot_general3A_517 = arith.constant dense<0.000000e+00> : vector<1280x200xf32>
    %dot_general3A_518 = tpu.matmul %convert_element_type3A_139, %squeeze3A_516, %dot_general3A_517 {dimension_numbers = #tpu.dot_dimension_numbers<[1], [0], [0], [1], [0, 0, 1, 1], [], []>, transpose_lhs_hint = false} : vector<1280x200xbf16>, vector<200x200xbf16>, vector<1280x200xf32> -> vector<1280x200xf32>
    %slice3A_519 = vector.extract_strided_slice %get3A_163 {offsets = [1, 0, 0], sizes = [1, 200, 200], strides = [1, 1, 1]} : vector<5x200x200xbf16> to vector<1x200x200xbf16>
    %squeeze3A_520 = vector.shape_cast %slice3A_519 : vector<1x200x200xbf16> to vector<200x200xbf16>
    %dot_general3A_521 = arith.constant dense<0.000000e+00> : vector<1280x200xf32>
    %dot_general3A_522 = tpu.matmul %convert_element_type3A_149, %squeeze3A_520, %dot_general3A_521 {dimension_numbers = #tpu.dot_dimension_numbers<[1], [0], [0], [1], [0, 0, 1, 1], [], []>, transpose_lhs_hint = false} : vector<1280x200xbf16>, vector<200x200xbf16>, vector<1280x200xf32> -> vector<1280x200xf32>
    %add3A_523 = arith.addf %dot_general3A_518, %dot_general3A_522 : vector<1280x200xf32>
    %slice3A_524 = vector.extract_strided_slice %get3A_163 {offsets = [2, 0, 0], sizes = [1, 200, 200], strides = [1, 1, 1]} : vector<5x200x200xbf16> to vector<1x200x200xbf16>
    %squeeze3A_525 = vector.shape_cast %slice3A_524 : vector<1x200x200xbf16> to vector<200x200xbf16>
    %dot_general3A_526 = arith.constant dense<0.000000e+00> : vector<1280x200xf32>
    %dot_general3A_527 = tpu.matmul %convert_element_type3A_159, %squeeze3A_525, %dot_general3A_526 {dimension_numbers = #tpu.dot_dimension_numbers<[1], [0], [0], [1], [0, 0, 1, 1], [], []>, transpose_lhs_hint = false} : vector<1280x200xbf16>, vector<200x200xbf16>, vector<1280x200xf32> -> vector<1280x200xf32>
    %add3A_528 = arith.addf %add3A_523, %dot_general3A_527 : vector<1280x200xf32>
    %max3A_529 = arith.maximumf %max3A_514, %add3A_528 : vector<1280x200xf32>
    %get3A_530 = arith.constant 0 : index
    %get3A_531 = arith.constant 0 : index
    %get3A_532 = vector.load %arg4[%get3A_530, %get3A_531] : memref<1x200xf32, #tpu.memory_space<vmem>>, vector<1x200xf32>
    %add3A_533 = vector.broadcast %get3A_532 : vector<1x200xf32> to vector<1280x200xf32>
    %add3A_534 = arith.addf %max3A_529, %add3A_533 : vector<1280x200xf32>
    %max3A_535 = arith.constant 0.000000e+00 : f32
    %max3A_536 = vector.broadcast %max3A_535 : f32 to vector<1280x200xf32>
    %max3A_537 = arith.maximumf %add3A_534, %max3A_536 : vector<1280x200xf32>
    %swap3A = arith.constant 0 : index
    %swap3A_538 = arith.constant 0 : index
    %swap3A_539 = vector.load %arg5[%swap3A, %swap3A_538] : memref<1280x200xf32, #tpu.memory_space<vmem>>, vector<1280x200xf32>
    tpu.vector_store %arg5[%swap3A, %swap3A_538], %max3A_537 {strides = array<i32>} : memref<1280x200xf32, #tpu.memory_space<vmem>>, vector<1280x200xf32>,
    return
  }
  func.func @transform_0(%arg0: i32) -> (i32, i32) {
    %c0_i32 = arith.constant 0 : i32
    %c0_i32_0 = arith.constant 0 : i32
    return %arg0, %c0_i32 : i32, i32
  }
  func.func @transform_1(%arg0: i32) -> (i32, i32) {
    %c0_i32 = arith.constant 0 : i32
    %c0_i32_0 = arith.constant 0 : i32
    %c0_i32_1 = arith.constant 0 : i32
    return %c0_i32, %c0_i32_0 : i32, i32
  }
  func.func @transform_2(%arg0: i32) -> (i32, i32, i32) {
    %c0_i32 = arith.constant 0 : i32
    %c0_i32_0 = arith.constant 0 : i32
    %c0_i32_1 = arith.constant 0 : i32
    %c0_i32_2 = arith.constant 0 : i32
    return %c0_i32, %c0_i32_0, %c0_i32_1 : i32, i32, i32
  }
  func.func @transform_3(%arg0: i32) -> (i32, i32) {
    %c0_i32 = arith.constant 0 : i32
    %c0_i32_0 = arith.constant 0 : i32
    %c0_i32_1 = arith.constant 0 : i32
    return %c0_i32, %c0_i32_0 : i32, i32
  }
  func.func @transform_4(%arg0: i32) -> (i32, i32) {
    %c0_i32 = arith.constant 0 : i32
    %c0_i32_0 = arith.constant 0 : i32
    return %arg0, %c0_i32 : i32, i32
  }
}

module attributes {stable_mosaic.version = 14 : i64} {
  func.func @_tc_mix_body(%arg0: i32, %arg1: memref<1280x384xf32, #tpu.memory_space<vmem>>, %arg2: memref<1280x1xi32, #tpu.memory_space<vmem>>, %arg3: memref<1280x200xf32, #tpu.memory_space<vmem>>, %arg4: memref<1008x300xbf16, #tpu.memory_space<vmem>>, %arg5: memref<500x500xbf16, #tpu.memory_space<vmem>>, %arg6: memref<1x500xf32, #tpu.memory_space<vmem>>, %arg7: memref<500x500xbf16, #tpu.memory_space<vmem>>, %arg8: memref<1x500xf32, #tpu.memory_space<vmem>>, %arg9: memref<500x500xbf16, #tpu.memory_space<vmem>>, %arg10: memref<1x500xf32, #tpu.memory_space<vmem>>, %arg11: memref<500x500xbf16, #tpu.memory_space<vmem>>, %arg12: memref<1x500xf32, #tpu.memory_space<vmem>>, %arg13: memref<64x20x500xf32, #tpu.memory_space<vmem>>) attributes {dimension_semantics = [#tpu.dimension_semantics<arbitrary>], iteration_bounds = array<i64: 16>, scalar_prefetch = 0 : i64, scratch_operands = 0 : i64, tpu.core_type = #tpu.core_type<tc>, window_params = [{transform_indices = @transform_0, window_bounds = array<i64: 1280, 384>}, {transform_indices = @transform_1, window_bounds = array<i64: 1280, 1>}, {transform_indices = @transform_2, window_bounds = array<i64: 1280, 200>}, {pipeline_mode = #tpu.pipeline_mode<synchronous>, transform_indices = @transform_3, window_bounds = array<i64: 1008, 300>}, {pipeline_mode = #tpu.pipeline_mode<synchronous>, transform_indices = @transform_4, window_bounds = array<i64: 500, 500>}, {pipeline_mode = #tpu.pipeline_mode<synchronous>, transform_indices = @transform_5, window_bounds = array<i64: 1, 500>}, {pipeline_mode = #tpu.pipeline_mode<synchronous>, transform_indices = @transform_6, window_bounds = array<i64: 500, 500>}, {pipeline_mode = #tpu.pipeline_mode<synchronous>, transform_indices = @transform_7, window_bounds = array<i64: 1, 500>}, {pipeline_mode = #tpu.pipeline_mode<synchronous>, transform_indices = @transform_8, window_bounds = array<i64: 500, 500>}, {pipeline_mode = #tpu.pipeline_mode<synchronous>, transform_indices = @transform_9, window_bounds = array<i64: 1, 500>}, {pipeline_mode = #tpu.pipeline_mode<synchronous>, transform_indices = @transform_10, window_bounds = array<i64: 500, 500>}, {pipeline_mode = #tpu.pipeline_mode<synchronous>, transform_indices = @transform_11, window_bounds = array<i64: 1, 500>}, {transform_indices = @transform_12, window_bounds = array<i64: 64, 20, 500>}]} {
    %get3A = arith.constant 0 : index
    %get3A_0 = arith.constant 0 : index
    %get3A_1 = vector.load %arg2[%get3A, %get3A_0] : memref<1280x1xi32, #tpu.memory_space<vmem>>, vector<1280x1xi32>
    %gt3A = arith.constant 99000 : i32
    %gt3A_2 = vector.broadcast %gt3A : i32 to vector<1280x1xi32>
    %gt3A_3 = arith.cmpi sgt, %get3A_1, %gt3A_2 : vector<1280x1xi32>
    %convert_element_type3A = arith.extui %gt3A_3 : vector<1280x1xi1> to vector<1280x1xi32>
    %convert_element_type3A_4 = arith.sitofp %convert_element_type3A : vector<1280x1xi32> to vector<1280x1xf32>
    %sub3A = arith.constant 99000 : i32
    %sub3A_5 = vector.broadcast %sub3A : i32 to vector<1280x1xi32>
    %sub3A_6 = arith.subi %get3A_1, %sub3A_5 : vector<1280x1xi32>
    %jit3A = arith.constant 0 : i32
    %jit3A_7 = arith.constant 1000 : i32
    %max3A = vector.broadcast %jit3A : i32 to vector<1280x1xi32>
    %max3A_8 = arith.maxsi %max3A, %sub3A_6 : vector<1280x1xi32>
    %min3A = vector.broadcast %jit3A_7 : i32 to vector<1280x1xi32>
    %min3A_9 = arith.minsi %min3A, %max3A_8 : vector<1280x1xi32>
    %iota3A = tpu.iota {dimensions = array<i32: 1>} : vector<1280x1008xi32>
    %eq3A = vector.broadcast %min3A_9 : vector<1280x1xi32> to vector<1280x1008xi32>
    %eq3A_10 = arith.cmpi eq, %eq3A, %iota3A : vector<1280x1008xi32>
    %convert_element_type3A_11 = arith.extui %eq3A_10 : vector<1280x1008xi1> to vector<1280x1008xi32>
    %convert_element_type3A_12 = arith.sitofp %convert_element_type3A_11 : vector<1280x1008xi32> to vector<1280x1008xf32>
    %convert_element_type3A_13 = arith.truncf %convert_element_type3A_12 : vector<1280x1008xf32> to vector<1280x1008xbf16>
    %get3A_14 = arith.constant 0 : index
    %get3A_15 = arith.constant 0 : index
    %get3A_16 = vector.load %arg4[%get3A_14, %get3A_15] : memref<1008x300xbf16, #tpu.memory_space<vmem>>, vector<1008x300xbf16>
    %dot_general3A = arith.constant dense<0.000000e+00> : vector<1280x300xf32>
    %dot_general3A_17 = tpu.matmul %convert_element_type3A_13, %get3A_16, %dot_general3A {dimension_numbers = #tpu.dot_dimension_numbers<[1], [0], [0], [1], [0, 0, 1, 1], [], []>, transpose_lhs_hint = false} : vector<1280x1008xbf16>, vector<1008x300xbf16>, vector<1280x300xf32> -> vector<1280x300xf32>
    %get3A_18 = arith.constant 0 : index
    %get3A_19 = arith.constant 0 : index
    %get3A_20 = vector.load %arg1[%get3A_18, %get3A_19] : memref<1280x384xf32, #tpu.memory_space<vmem>>, vector<1280x384xf32>
    %slice3A = vector.extract_strided_slice %get3A_20 {offsets = [0, 0], sizes = [1280, 300], strides = [1, 1]} : vector<1280x384xf32> to vector<1280x300xf32>
    %max3A_21 = arith.constant 0.000000e+00 : f32
    %max3A_22 = vector.broadcast %max3A_21 : f32 to vector<1280x300xf32>
    %max3A_23 = arith.maximumf %dot_general3A_17, %max3A_22 : vector<1280x300xf32>
    %mul3A = vector.broadcast %convert_element_type3A_4 : vector<1280x1xf32> to vector<1280x300xf32>
    %mul3A_24 = arith.mulf %max3A_23, %mul3A : vector<1280x300xf32>
    %add3A = arith.addf %slice3A, %mul3A_24 : vector<1280x300xf32>
    %get3A_25 = arith.constant 0 : index
    %get3A_26 = arith.constant 0 : index
    %get3A_27 = vector.load %arg3[%get3A_25, %get3A_26] : memref<1280x200xf32, #tpu.memory_space<vmem>>, vector<1280x200xf32>
    %concatenate3A = tpu.concatenate %add3A, %get3A_27 in 1 : vector<1280x300xf32>, vector<1280x200xf32> -> vector<1280x500xf32>
    %convert_element_type3A_28 = arith.truncf %concatenate3A : vector<1280x500xf32> to vector<1280x500xbf16>
    %get3A_29 = arith.constant 0 : index
    %get3A_30 = arith.constant 0 : index
    %get3A_31 = vector.load %arg5[%get3A_29, %get3A_30] : memref<500x500xbf16, #tpu.memory_space<vmem>>, vector<500x500xbf16>
    %dot_general3A_32 = arith.constant dense<0.000000e+00> : vector<1280x500xf32>
    %dot_general3A_33 = tpu.matmul %convert_element_type3A_28, %get3A_31, %dot_general3A_32 {dimension_numbers = #tpu.dot_dimension_numbers<[1], [0], [0], [1], [0, 0, 1, 1], [], []>, transpose_lhs_hint = false} : vector<1280x500xbf16>, vector<500x500xbf16>, vector<1280x500xf32> -> vector<1280x500xf32>
    %get3A_34 = arith.constant 0 : index
    %get3A_35 = arith.constant 0 : index
    %get3A_36 = vector.load %arg6[%get3A_34, %get3A_35] : memref<1x500xf32, #tpu.memory_space<vmem>>, vector<1x500xf32>
    %add3A_37 = vector.broadcast %get3A_36 : vector<1x500xf32> to vector<1280x500xf32>
    %add3A_38 = arith.addf %dot_general3A_33, %add3A_37 : vector<1280x500xf32>
    %logistic3A = arith.negf %add3A_38 : vector<1280x500xf32>
    %logistic3A_39 = math.exp %logistic3A : vector<1280x500xf32>
    %logistic3A_40 = arith.constant 1.000000e+00 : f32
    %logistic3A_41 = vector.broadcast %logistic3A_40 : f32 to vector<1280x500xf32>
    %logistic3A_42 = arith.addf %logistic3A_41, %logistic3A_39 : vector<1280x500xf32>
    %logistic3A_43 = arith.divf %logistic3A_41, %logistic3A_42 : vector<1280x500xf32>
    %get3A_44 = arith.constant 0 : index
    %get3A_45 = arith.constant 0 : index
    %get3A_46 = vector.load %arg7[%get3A_44, %get3A_45] : memref<500x500xbf16, #tpu.memory_space<vmem>>, vector<500x500xbf16>
    %dot_general3A_47 = arith.constant dense<0.000000e+00> : vector<1280x500xf32>
    %dot_general3A_48 = tpu.matmul %convert_element_type3A_28, %get3A_46, %dot_general3A_47 {dimension_numbers = #tpu.dot_dimension_numbers<[1], [0], [0], [1], [0, 0, 1, 1], [], []>, transpose_lhs_hint = false} : vector<1280x500xbf16>, vector<500x500xbf16>, vector<1280x500xf32> -> vector<1280x500xf32>
    %get3A_49 = arith.constant 0 : index
    %get3A_50 = arith.constant 0 : index
    %get3A_51 = vector.load %arg8[%get3A_49, %get3A_50] : memref<1x500xf32, #tpu.memory_space<vmem>>, vector<1x500xf32>
    %add3A_52 = vector.broadcast %get3A_51 : vector<1x500xf32> to vector<1280x500xf32>
    %add3A_53 = arith.addf %dot_general3A_48, %add3A_52 : vector<1280x500xf32>
    %max3A_54 = arith.constant 0.000000e+00 : f32
    %max3A_55 = vector.broadcast %max3A_54 : f32 to vector<1280x500xf32>
    %max3A_56 = arith.maximumf %add3A_53, %max3A_55 : vector<1280x500xf32>
    %mul3A_57 = arith.mulf %logistic3A_43, %max3A_56 : vector<1280x500xf32>
    %sub3A_58 = arith.constant 1.000000e+00 : f32
    %sub3A_59 = vector.broadcast %sub3A_58 : f32 to vector<1280x500xf32>
    %sub3A_60 = arith.subf %sub3A_59, %logistic3A_43 : vector<1280x500xf32>
    %mul3A_61 = arith.mulf %sub3A_60, %concatenate3A : vector<1280x500xf32>
    %add3A_62 = arith.addf %mul3A_57, %mul3A_61 : vector<1280x500xf32>
    %convert_element_type3A_63 = arith.truncf %add3A_62 : vector<1280x500xf32> to vector<1280x500xbf16>
    %get3A_64 = arith.constant 0 : index
    %get3A_65 = arith.constant 0 : index
    %get3A_66 = vector.load %arg9[%get3A_64, %get3A_65] : memref<500x500xbf16, #tpu.memory_space<vmem>>, vector<500x500xbf16>
    %dot_general3A_67 = arith.constant dense<0.000000e+00> : vector<1280x500xf32>
    %dot_general3A_68 = tpu.matmul %convert_element_type3A_63, %get3A_66, %dot_general3A_67 {dimension_numbers = #tpu.dot_dimension_numbers<[1], [0], [0], [1], [0, 0, 1, 1], [], []>, transpose_lhs_hint = false} : vector<1280x500xbf16>, vector<500x500xbf16>, vector<1280x500xf32> -> vector<1280x500xf32>
    %get3A_69 = arith.constant 0 : index
    %get3A_70 = arith.constant 0 : index
    %get3A_71 = vector.load %arg10[%get3A_69, %get3A_70] : memref<1x500xf32, #tpu.memory_space<vmem>>, vector<1x500xf32>
    %add3A_72 = vector.broadcast %get3A_71 : vector<1x500xf32> to vector<1280x500xf32>
    %add3A_73 = arith.addf %dot_general3A_68, %add3A_72 : vector<1280x500xf32>
    %logistic3A_74 = arith.negf %add3A_73 : vector<1280x500xf32>
    %logistic3A_75 = math.exp %logistic3A_74 : vector<1280x500xf32>
    %logistic3A_76 = arith.constant 1.000000e+00 : f32
    %logistic3A_77 = vector.broadcast %logistic3A_76 : f32 to vector<1280x500xf32>
    %logistic3A_78 = arith.addf %logistic3A_77, %logistic3A_75 : vector<1280x500xf32>
    %logistic3A_79 = arith.divf %logistic3A_77, %logistic3A_78 : vector<1280x500xf32>
    %get3A_80 = arith.constant 0 : index
    %get3A_81 = arith.constant 0 : index
    %get3A_82 = vector.load %arg11[%get3A_80, %get3A_81] : memref<500x500xbf16, #tpu.memory_space<vmem>>, vector<500x500xbf16>
    %dot_general3A_83 = arith.constant dense<0.000000e+00> : vector<1280x500xf32>
    %dot_general3A_84 = tpu.matmul %convert_element_type3A_63, %get3A_82, %dot_general3A_83 {dimension_numbers = #tpu.dot_dimension_numbers<[1], [0], [0], [1], [0, 0, 1, 1], [], []>, transpose_lhs_hint = false} : vector<1280x500xbf16>, vector<500x500xbf16>, vector<1280x500xf32> -> vector<1280x500xf32>
    %get3A_85 = arith.constant 0 : index
    %get3A_86 = arith.constant 0 : index
    %get3A_87 = vector.load %arg12[%get3A_85, %get3A_86] : memref<1x500xf32, #tpu.memory_space<vmem>>, vector<1x500xf32>
    %add3A_88 = vector.broadcast %get3A_87 : vector<1x500xf32> to vector<1280x500xf32>
    %add3A_89 = arith.addf %dot_general3A_84, %add3A_88 : vector<1280x500xf32>
    %max3A_90 = arith.constant 0.000000e+00 : f32
    %max3A_91 = vector.broadcast %max3A_90 : f32 to vector<1280x500xf32>
    %max3A_92 = arith.maximumf %add3A_89, %max3A_91 : vector<1280x500xf32>
    %mul3A_93 = arith.mulf %logistic3A_79, %max3A_92 : vector<1280x500xf32>
    %sub3A_94 = arith.constant 1.000000e+00 : f32
    %sub3A_95 = vector.broadcast %sub3A_94 : f32 to vector<1280x500xf32>
    %sub3A_96 = arith.subf %sub3A_95, %logistic3A_79 : vector<1280x500xf32>
    %mul3A_97 = arith.mulf %sub3A_96, %add3A_62 : vector<1280x500xf32>
    %add3A_98 = arith.addf %mul3A_93, %mul3A_97 : vector<1280x500xf32>
    %reshape3A = vector.shape_cast %add3A_98 : vector<1280x500xf32> to vector<64x20x500xf32>
    %swap3A = arith.constant 0 : index
    %swap3A_99 = arith.constant 0 : index
    %swap3A_100 = arith.constant 0 : index
    %swap3A_101 = vector.load %arg13[%swap3A, %swap3A_99, %swap3A_100] : memref<64x20x500xf32, #tpu.memory_space<vmem>>, vector<64x20x500xf32>
    tpu.vector_store %arg13[%swap3A, %swap3A_99, %swap3A_100], %reshape3A {strides = array<i32>} : memref<64x20x500xf32, #tpu.memory_space<vmem>>, vector<64x20x500xf32>,
    return
  }
  func.func @transform_0(%arg0: i32) -> (i32, i32) {
    %c0_i32 = arith.constant 0 : i32
    %c0_i32_0 = arith.constant 0 : i32
    return %arg0, %c0_i32 : i32, i32
  }
  func.func @transform_1(%arg0: i32) -> (i32, i32) {
    %c0_i32 = arith.constant 0 : i32
    %c0_i32_0 = arith.constant 0 : i32
    return %arg0, %c0_i32 : i32, i32
  }
  func.func @transform_2(%arg0: i32) -> (i32, i32) {
    %c0_i32 = arith.constant 0 : i32
    %c0_i32_0 = arith.constant 0 : i32
    return %arg0, %c0_i32 : i32, i32
  }
  func.func @transform_3(%arg0: i32) -> (i32, i32) {
    %c0_i32 = arith.constant 0 : i32
    %c0_i32_0 = arith.constant 0 : i32
    %c0_i32_1 = arith.constant 0 : i32
    return %c0_i32, %c0_i32_0 : i32, i32
  }
  func.func @transform_4(%arg0: i32) -> (i32, i32) {
    %c0_i32 = arith.constant 0 : i32
    %c0_i32_0 = arith.constant 0 : i32
    %c0_i32_1 = arith.constant 0 : i32
    return %c0_i32, %c0_i32_0 : i32, i32
  }
  func.func @transform_5(%arg0: i32) -> (i32, i32) {
    %c0_i32 = arith.constant 0 : i32
    %c0_i32_0 = arith.constant 0 : i32
    %c0_i32_1 = arith.constant 0 : i32
    return %c0_i32, %c0_i32_0 : i32, i32
  }
  func.func @transform_6(%arg0: i32) -> (i32, i32) {
    %c0_i32 = arith.constant 0 : i32
    %c0_i32_0 = arith.constant 0 : i32
    %c0_i32_1 = arith.constant 0 : i32
    return %c0_i32, %c0_i32_0 : i32, i32
  }
  func.func @transform_7(%arg0: i32) -> (i32, i32) {
    %c0_i32 = arith.constant 0 : i32
    %c0_i32_0 = arith.constant 0 : i32
    %c0_i32_1 = arith.constant 0 : i32
    return %c0_i32, %c0_i32_0 : i32, i32
  }
  func.func @transform_8(%arg0: i32) -> (i32, i32) {
    %c0_i32 = arith.constant 0 : i32
    %c0_i32_0 = arith.constant 0 : i32
    %c0_i32_1 = arith.constant 0 : i32
    return %c0_i32, %c0_i32_0 : i32, i32
  }
  func.func @transform_9(%arg0: i32) -> (i32, i32) {
    %c0_i32 = arith.constant 0 : i32
    %c0_i32_0 = arith.constant 0 : i32
    %c0_i32_1 = arith.constant 0 : i32
    return %c0_i32, %c0_i32_0 : i32, i32
  }
  func.func @transform_10(%arg0: i32) -> (i32, i32) {
    %c0_i32 = arith.constant 0 : i32
    %c0_i32_0 = arith.constant 0 : i32
    %c0_i32_1 = arith.constant 0 : i32
    return %c0_i32, %c0_i32_0 : i32, i32
  }
  func.func @transform_11(%arg0: i32) -> (i32, i32) {
    %c0_i32 = arith.constant 0 : i32
    %c0_i32_0 = arith.constant 0 : i32
    %c0_i32_1 = arith.constant 0 : i32
    return %c0_i32, %c0_i32_0 : i32, i32
  }
  func.func @transform_12(%arg0: i32) -> (i32, i32, i32) {
    %c0_i32 = arith.constant 0 : i32
    %c0_i32_0 = arith.constant 0 : i32
    %c0_i32_1 = arith.constant 0 : i32
    return %arg0, %c0_i32, %c0_i32_0 : i32, i32, i32
  }
}

</mosaic_0001>

<sc_bundles>
// kernel: kernel.5.cloned.1.call-start
scs
__scs_entry_jumppad:
0x0: {  	(pc) =	sbr.rel $0x88, $3  }
0x1: {  	(tag) =	ssettag $0x0;
	lr =	simm.s32 $0x1  }
0x2: {  	[smem:$0x3F92] =	sst lr;
	_ =	strace $0xD0000000  }
0x3: {  	_ = 	snop  }
0x4: {  	_ = 	snop  }
0x5: {  	_ = 	snop  }
0x6: {  	_ = 	snop  }
0x7: {  	_ = 	snop  }
__scs_overlays_trampoline_lowered:
0x8: {  	[smem:$0x3FA1] =	sst s0  }
0x9: {  	[smem:$0x3FA2] =	sst s1  }
0xa: {  	[smem:$0x3FA3] =	sst s2  }
0xb: {  	[smem:$0x3FA4] =	sst s3  }
0xc: {  	[smem:$0x3FA5] =	sst s4  }
0xd: {  	[smem:$0x3FA6] =	sst s5  }
0xe: {  	[smem:$0x3FA7] =	sst s6  }
0xf: {  	[smem:$0x3FA8] =	sst s7  }
0x10: {  	[smem:$0x3FA9] =	sst s8  }
0x11: {  	[smem:$0x3FAA] =	sst s9;
	s0 =	simm.s32 @!p0 $0x0  }
0x12: {  	s1 =	sld [smem:$0x3F90];
	s0 =	simm.s32 @p0 $0x1  }
0x13: {  	[smem:$0x3FAB] =	sst s0;
	s0 =	simm.s32 @!p1 $0x0  }
0x14: {  	s2 =	sld [smem:$0x3F8F];
	s0 =	simm.s32 @p1 $0x1  }
0x15: {  	[smem:$0x3FAC] =	sst s0;
	s0 =	simm.s32 @!p2 $0x0  }
0x16: {  	s3 =	sld [smem:$0x3FDB];
	s0 =	simm.s32 @p2 $0x1  }
0x17: {  	s4 =	simm.s32 $0x1BF5;
	[smem:$0x3FAE] =	sst s0  }
0x18: {  	s0 =	sld [smem:$0x3F91];
	_ =	swait.ge [sflag:s4], $0x0  }
0x19: {  	s7 =	sld [smem:$0x3F92]  }
0x1a: {  	s8 =	sadd.s32 $0xFFFFE003, lr  }
0x1b: {  	s9 =	sadd.s32 $0xFFFFFEF7, lr;
	s5 =	simm.s32 $0xFFFFFFFF;
	p2 =	slt.u32 s8, $0xFFFFF086  }
0x1c: {  	p1 =	slt.u32 s9, $0xF7A;
	s5 =	simm.s32 @!p2 $0x0  }
0x1d: {  	s5 =	simm.s32 @p1 $0x1;
	p0 =	seq.s32 s7, s2  }
0x1e: {  	s7 =	smul.u32 @!p0 $0xF7A, s2;
	p2 =	seq.s32 @!p0 s5, $0x0  }
0x1f: {  	s9 =	smul.u32 $0xF7A, s1;
	s8 =	simm.s32 @!p0 $0x1BF5;
	p2 =	por !p2, p0  }
0x20: {  	[sflag:s8] =	ssyncset.s32 @!p0 $0xFFFFF086;
	s6 =	sadd.s32 @!p0 s3, s7;
	s7 =	simm.s32 @!p0 $0x108  }
0x21: {  	s3 =	sadd.s32 s3, s9;
	s6 =	sadd.s32 @!p0 $0x88, s6;
	s7 =	simm.s32 @p2 $0x1082  }
0x22: {  	[simem:s7], [sflag:s8] =	dma.local @!p0 [hbm:s6], $0xF7A  }
0x23: {  	s9 =	sor.u32 $0xD0000000, s2;
	s6 =	simm.s32 $0x108;
	_ =	swait.ge @!p0 [sflag:s8], $0x0  }
0x24: {  	s3 =	sadd.s32 $0x88, s3;
	s6 =	simm.s32 @!p1 $0x1082;
	[sflag:s4] =	ssyncset.s32 $0xFFFFF086  }
0x25: {  	[simem:s6], [sflag:s4] =	dma.local [hbm:s3], $0xF7A  }
0x26: {  	[smem:$0x3F92] =	sst s1;
	(tag) =	ssettag s2;
	_ =	strace s9  }
0x27: {  	s1 =	sld [smem:$0x3FA2]  }
0x28: {  	s2 =	sld [smem:$0x3FA3]  }
0x29: {  	s4 =	sld [smem:$0x3FA5]  }
0x2a: {  	p0 =	seq.s32 s5, $0x0;
	s5 =	sld [smem:$0x3FA6]  }
0x2b: {  	s6 =	sld [smem:$0x3FA7]  }
0x2c: {  	s7 =	sld [smem:$0x3FA8]  }
0x2d: {  	s3 =	simm.s32 $0x108;
	s8 =	sld [smem:$0x3FA9]  }
0x2e: {  	s3 =	simm.s32 @!p0 $0x1082;
	s9 =	sld [smem:$0x3FAA]  }
0x2f: {  	lr =	sadd.s32 s0, s3;
	s0 =	sld [smem:$0x3FA1]  }
0x30: {  	s3 =	sld [smem:$0x3FA4]  }
0x31: {  	[smem:$0x3FAD] =	sst s10  }
0x32: {  	s10 =	sld [smem:$0x3FAB];
	_ =	sdelay $0x3  }
0x33: {  	p0 =	seq.s32 s10, $0x1;
	s10 =	sld [smem:$0x3FAD];
	_ =	sdelay $0x3  }
0x34: {  	[smem:$0x3FAD] =	sst s10  }
0x35: {  	s10 =	sld [smem:$0x3FAC];
	_ =	sdelay $0x3  }
0x36: {  	p1 =	seq.s32 s10, $0x1;
	s10 =	sld [smem:$0x3FAD];
	_ =	sdelay $0x3  }
0x37: {  	[smem:$0x3FAD] =	sst s10  }
0x38: {  	s10 =	sld [smem:$0x3FAE]  }
0x39: {  	_ = 	snop;
	(pc) =	sbr.ind lr, $3  }
0x3a: {  	_ = 	snop  }
0x3b: {  	_ = 	snop  }
0x3c: {  	p2 =	seq.s32 s10, $0x1;
	s10 =	sld [smem:$0x3FAD]  }
0x3d: {  	_ =	shalt  }
0x3e: {  	_ =	shalt  }
0x3f: {  	_ =	shalt  }
0x40: {  	_ =	shalt  }
0x41: {  	_ =	shalt  }
0x42: {  	_ =	shalt  }
0x43: {  	_ =	shalt  }
0x44: {  	_ =	shalt  }
0x45: {  	_ =	shalt  }
0x46: {  	_ =	shalt  }
0x47: {  	_ =	shalt  }
0x48: {  	_ =	shalt  }
0x49: {  	_ =	shalt  }
0x4a: {  	_ =	shalt  }
0x4b: {  	_ =	shalt  }
0x4c: {  	_ =	shalt  }
0x4d: {  	_ =	shalt  }
0x4e: {  	_ =	shalt  }
0x4f: {  	_ =	shalt  }
0x50: {  	_ =	shalt  }
0x51: {  	_ =	shalt  }
0x52: {  	_ =	shalt  }
0x53: {  	_ =	shalt  }
0x54: {  	_ =	shalt  }
0x55: {  	_ =	shalt  }
0x56: {  	_ =	shalt  }
0x57: {  	_ =	shalt  }
0x58: {  	_ =	shalt  }
0x59: {  	_ =	shalt  }
0x5a: {  	_ =	shalt  }
0x5b: {  	_ =	shalt  }
0x5c: {  	_ =	shalt  }
0x5d: {  	_ =	shalt  }
0x5e: {  	_ =	shalt  }
0x5f: {  	_ =	shalt  }
0x60: {  	_ =	shalt  }
0x61: {  	_ =	shalt  }
0x62: {  	_ =	shalt  }
0x63: {  	_ =	shalt  }
0x64: {  	_ =	shalt  }
0x65: {  	_ =	shalt  }
0x66: {  	_ =	shalt  }
0x67: {  	_ =	shalt  }
0x68: {  	_ =	shalt  }
0x69: {  	_ =	shalt  }
0x6a: {  	_ =	shalt  }
0x6b: {  	_ =	shalt  }
0x6c: {  	_ =	shalt  }
0x6d: {  	_ =	shalt  }
0x6e: {  	_ =	shalt  }
0x6f: {  	_ =	shalt  }
0x70: {  	_ =	shalt  }
0x71: {  	_ =	shalt  }
0x72: {  	_ =	shalt  }
0x73: {  	_ =	shalt  }
0x74: {  	_ =	shalt  }
0x75: {  	_ =	shalt  }
0x76: {  	_ =	shalt  }
0x77: {  	_ =	shalt  }
0x78: {  	_ =	shalt  }
0x79: {  	_ =	shalt  }
0x7a: {  	_ =	shalt  }
0x7b: {  	_ =	shalt  }
0x7c: {  	_ =	shalt  }
0x7d: {  	_ =	shalt  }
0x7e: {  	_ =	shalt  }
0x7f: {  	_ =	shalt  }
0x80: {  	_ =	shalt  }
0x81: {  	_ =	shalt  }
0x82: {  	_ =	shalt  }
0x83: {  	_ =	shalt  }
0x84: {  	_ =	shalt  }
0x85: {  	_ =	shalt  }
0x86: {  	_ =	shalt  }
0x87: {  	_ =	shalt  }
.Lfunc_end0:
.L_simem_size_0:
called_computation_lowered:
.L_overlay_start_0:
0x88: {  	s2 =	sld [smem:$0x3FD9]  }
0x89: {  	s3 =	sld [smem:$0x3FFE];
	_ =	sdelay $0x1  }
0x8a: {  	s1 =	srdreg.scid  }
0x8b: {  	s0 =	sand.u32 $0x1, s1  }
0x8c: {  	s17 =	sshll.u32 s0, $0xA;
	s2 =	sadd.s32 s3, s2  }
0x8d: {  	s2 =	sadd.s32 s2, s17  }
0x8e: {  	[smem:$0x3FB9] =	sst s2  }
0x8f: {  	_ = 	snop  }
0x90: {  	s2 =	sld [smem:$0x3FD0];
	(tm) =	ssettm $0x1  }
0x91: {  	s18 =	sld [smem:$0x3FFB];
	_ =	sdelay $0x3  }
0x92: {  	_ =	strace s18  }
0x93: {  	s3 =	sld [smem:$0x3FFC];
	_ =	sdelay $0x3  }
0x94: {  	_ =	strace s3  }
0x95: {  	s3 =	sld [smem:$0x3FFD];
	_ =	sdelay $0x3  }
0x96: {  	_ =	strace s3  }
0x97: {  	_ =	strace $0x8FFFFFFF  }
0x98: {  	s19 =	sld [smem:$0x3FDB];
	_ =	sdelay $0x1  }
0x99: {  	s4 =	simm.s32 $_scs_section_size  }
0x9a: {  	s5 =	simm.s32 $_size__tile_overlayer_lowered;
	s6 =	simm.s32 $_tile_overlayer_lowered  }
0x9b: {  	s22 =	simm.s32 $0x1BFF;
	s21 =	sshll.u32 s6, $0x1;
	s3 =	sadd.s32 s4, s19  }
0x9c: {  	s7 =	simm.s32 $0x0;
	s20 =	sshll.u32 s5, $0x1;
	s5 =	sadd.s32 s21, s3  }
0x9d: {  	[timem:s7], [sflag:s22] =	dma.local [hbm:s5], s20  }
0x9e: {  	_ =	swait.ge [sflag:s22], s20  }
0x9f: {  	s4 =	ssub.s32 $0x0, s20;
	[sflag:s22] =	ssyncset.done $0x0  }
0xa0: {  	[sflag:s22] =	ssyncadd.s32 s4;
	_ =	sdelay $0x1  }
0xa1: {  	s23 =	simm.s32 $0x1B8B  }
0xa2: {  	_ =	swait.ge [sflag:s23], $0x1  }
0xa3: {  	[sflag:s23] =	ssyncset.done $0x0  }
0xa4: {  	s25 =	simm.s32 $0x1B8E;
	s24 =	sld [smem:$0x3FFE];
	[sflag:s23] =	ssyncadd.s32 $0xFFFFFFFF  }
0xa5: {  	s26 =	simm.s32 $execute0_lowered;
	[smem:$0x3FD2] =	sst s25  }
0xa6: {  	s5 =	sshll.u32 s26, $0x1;
	_ =	strace $0x80000046;
	[dreg:$0x1] =	wrdreg $0xFFFFFFFF  }
0xa7: {  	s28 =	simm.s32 $_size_execute0_lowered;
	s3 =	sadd.s32 s3, s5;
	[dreg:$0x0] =	wrdreg $0x0  }
0xa8: {  	s5 =	sshll.u32 s28, $0x1;
	[dreg:$0x2] =	wrdreg s3  }
0xa9: {  	[dreg:$0x3] =	wrdreg s5  }
0xaa: {  	[dreg:$0x4] =	wrdreg $0xC0  }
0xab: {  	_ =	task [dreg:s7], $0x5FFFF  }
0xac: {  	[dreg:$0x1] =	wrdreg $0xFFFFFFFF  }
0xad: {  	[dreg:$0x0] =	wrdreg $0x60  }
0xae: {  	[dreg:$0x2] =	wrdreg s24  }
0xaf: {  	[dreg:$0x3] =	wrdreg s2  }
0xb0: {  	[dreg:$0x4] =	wrdreg $0x9  }
0xb1: {  	_ =	task.clear_ibuf [dreg:s7], $0x5FFFF;
	_ =	strace $0x90000046  }
0xb2: {  	s29 =	simm.s32 $0x9;
	_ =	strace $0x80000048  }
0xb3: {  	_ =	swait.ge [sflag:s29], $0x1  }
0xb4: {  	[sflag:s29] =	ssyncadd.s32 $0xFFFFFFFF  }
0xb5: {  	_ =	strace $0x90000048  }
0xb6: {  	_ =	sfence  }
0xb7: {  	s30 =	sld [smem:$0x0];
	_ =	sdelay $0x2  }
0xb8: {  	s31 =	sshll.u32 s1, $0xD;
	s1 =	sshrl.u32 s1, $0x2  }
0xb9: {  	s3 =	sand.u32 $0x4000, s31;
	s1 =	sadd.s32 s1, s30  }
0xba: {  	s0 =	sor.u32 s3, s0;
	s1 =	sshll.u32 s1, $0x11  }
0xbb: {  	s0 =	sor.u32 s1, s0  }
0xbc: {  	s0 =	sadd.s32 $0x8F2B, s0  }
0xbd: {  	[sflag:s0] =	ssyncadd.remote.s32 $0x1  }
0xbe: {  	_ =	sfence.sel $0xFFFF  }
0xbf: {  	[dreg:$0x0] =	wrdreg $0xFFFFFFFF;
	(pc) =	sbr.abs _section_cstart, $3  }
0xc0: {  	[dreg:$0x1] =	wrdreg $0xFFFFFFFF  }
0xc1: {  	_ =	task.clear_ibuf [dreg:s7], $0x2FFFF;
	_ =	strace $0x9FFFFFFF  }
0xc2: {  	(tm) =	ssettm $0x7FFFFFFF  }
0xc3: {  	_ =	shalt  }
tec
execute0_lowered:
.L_overlay_start_1:
0x0: {  	(tag) =	ssettag $0x1  }
0x1: {  	s0 =	srdreg.scid;
	s1 =	stileid.u32  }
0x2: {  	s0 =	sand.u32 $0x1, s0;
	s1 =	sshll.u32 s1, $0x1  }
0x3: {  	s1 =	sor.u32 s0, s1  }
0x4: {  	s3 =	rddreg [dreg:$0x0];
	s1 =	smul.u32 $0x280, s1  }
0x5: {  	s4 =	rddreg [dreg:$0x1]  }
0x6: {  	s2 =	simm.s32 $0x0;
	s5 =	sadd.s32 $0x6200, s3;
	s1 =	sshrl.u32 s1, $0x3  }
0x7: {  	[smem:$0x7FF] =	sst s2;
	s6 =	sor.u32 $0x8, s1;
	s7 =	sadd.s32 s5, s1  }
0x8: {  	_ =	strace $0x80000047;
	s5 =	sadd.s32 s5, s6;
	[dreg:$0x15] =	wrdreg s7  }
0x9: {  	s9 =	sadd.s32 $0x10, s7;
	[dreg:$0x3] =	wrdreg s5  }
0xa: {  	s10 =	sadd.s32 $0x18, s7;
	[dreg:$0x4] =	wrdreg s9  }
0xb: {  	s13 =	sadd.s32 $0x20, s7;
	[dreg:$0x5] =	wrdreg s10  }
0xc: {  	s15 =	sadd.s32 $0x28, s7;
	[dreg:$0x7] =	wrdreg s13  }
0xd: {  	s8 =	simm.s32 $0x4;
	s17 =	sadd.s32 $0x30, s7;
	[dreg:$0x9] =	wrdreg s15  }
0xe: {  	s28 =	simm.s32 $0x3;
	s19 =	sadd.s32 $0x38, s7;
	[dreg:$0xb] =	wrdreg s17  }
0xf: {  	s1 =	smul.u32 $0x180, s1;
	s21 =	sadd.s32 $0x40, s7;
	[dreg:$0xd] =	wrdreg s19  }
0x10: {  	s6 =	smul.u32 $0x180, s6;
	s23 =	sadd.s32 $0x48, s7;
	[dreg:$0xf] =	wrdreg s21  }
0x11: {  	s30 =	simm.s32 $0x80;
	s12 =	sadd.s32 s4, s1;
	[dreg:$0x11] =	wrdreg s23  }
0x12: {  	s31 =	simm.s32 $0x6980;
	s11 =	sadd.s32 s4, s6;
	[dreg:$0x16] =	wrdreg s12  }
0x13: {  	s0 =	ssub.s32 $0x2, s0;
	s14 =	sadd.s32 $0x1800, s12;
	[dreg:$0x6] =	wrdreg s11  }
0x14: {  	s25 =	sshrl.u32 s0, $0x1;
	s16 =	sadd.s32 $0x2400, s12;
	[dreg:$0x8] =	wrdreg s14  }
0x15: {  	s0 =	ssub.s32 s0, s25;
	s18 =	sadd.s32 $0x3000, s12;
	[dreg:$0xa] =	wrdreg s16  }
0x16: {  	s25 =	simm.s32 $0x2;
	s20 =	sadd.s32 $0x3C00, s12;
	[dreg:$0xc] =	wrdreg s18  }
0x17: {  	s7 =	smax.u32 s0, $0x1;
	s22 =	sadd.s32 $0x4800, s12;
	[dreg:$0xe] =	wrdreg s20  }
0x18: {  	s5 =	sadd.s32 $0x49AC00, s3;
	s24 =	sadd.s32 $0x5400, s12;
	[dreg:$0x10] =	wrdreg s22  }
0x19: {  	v2 =	vlaneseq.u32;
	s26 =	sadd.s32 $0x6000, s12;
	s29 =	sadd.s32 $0x6C00, s12;
	[dreg:$0x12] =	wrdreg s24  }
0x1a: {  	vm0 =	vmmov $0xffff;
	vm1 =	vmmov $0xff;
	v1 =	vshrl.u32 v2, $0x3;
	s6 =	sadd.s32 $0x49AD00, s3;
	s3 =	simm.s32 $0x1;
	[dreg:$0x13] =	wrdreg s26  }
0x1b: {  	v0 =	vand.u32 $0x7, v2;
	v2 =	vor.u32 $0x8, v2;
	v1 =	vmul.u32 $0x8, v1;
	s4 =	simm.s32 $0x6180;
	[dreg:$0x14] =	wrdreg s29;
	s20 =	simm.s32 $0x180  }
.LBB2_1:
0x1c: {  	s29 =	rddreg [dreg:$0x15]  }
0x1d: {  	[tilespmem:s2], [sflag:$0x4] =	stream.linear.gather [hbm4b:s29+s2], $0x40, $0x38;
	[tilespmem:$0x12180] =	vst v63  }
0x1e: {  	_ =	swait.ge [sflag:s8], $0x40  }
0x1f: {  	[sflag:s8] =	ssyncset.done $0x0  }
0x20: {  	[sflag:s8] =	ssyncadd.s32 $0xFFFFFFC0  }
0x21: {  	v3 =	vld [tilespmem:$0x0];
	_ =	sdelay $0x4  }
0x22: {  	v4 =	vshrl.u32 v3, $0x3  }
0x23: {  	v4 =	vmul.u32 $0x18, v4  }
0x24: {  	v3 =	vand.u32 $0x7, v3  }
0x25: {  	v3 =	vor.u32 v3, v4  }
0x26: {  	v4 =	vperm.xlane v3, v0;
	_ =	sdelay $0x1  }
0x27: {  	v4 =	vadd.s32 v1, v4;
	_ =	sdelay $0x1  }
0x28: {  	v3 =	vperm.xlane v3, v2;
	_ =	sdelay $0x1  }
0x29: {  	v3 =	vadd.s32 v1, v3  }
0x2a: {  	[tilespmem:s20], [sflag:$0x1] =	stream.indirect_vreg.gather [hbm4b:s5+s2], $0x80, v4, vm0, $0xb8;
	[tilespmem:$0x12180] =	vst v63  }
0x2b: {  	s0 =	simm.s32 $0x980  }
0x2c: {  	[tilespmem:s0], [sflag:$0x1] =	stream.indirect_vreg.gather [hbm4b:s6+s2], $0x80, v4, vm1, $0xb8;
	[tilespmem:$0x12180] =	vst v63  }
0x2d: {  	s14 =	simm.s32 $0xD80  }
0x2e: {  	[tilespmem:s14], [sflag:$0x1] =	stream.indirect_vreg.gather [hbm4b:s5+s2], $0x80, v3, vm0, $0xb8;
	[tilespmem:$0x12180] =	vst v63  }
0x2f: {  	s15 =	simm.s32 $0x1580  }
0x30: {  	[tilespmem:s15], [sflag:$0x1] =	stream.indirect_vreg.gather [hbm4b:s6+s2], $0x80, v3, vm1, $0xb8;
	[tilespmem:$0x12180] =	vst v63  }
0x31: {  	v3 =	vld [tilespmem:$0x10];
	_ =	sdelay $0x4  }
0x32: {  	v25 =	vshrl.u32 v3, $0x3  }
0x33: {  	v4 =	vmul.u32 $0x18, v25  }
0x34: {  	v3 =	vand.u32 $0x7, v3  }
0x35: {  	v3 =	vor.u32 v3, v4  }
0x36: {  	v4 =	vperm.xlane v3, v0;
	_ =	sdelay $0x1  }
0x37: {  	v4 =	vadd.s32 v1, v4;
	_ =	sdelay $0x1  }
0x38: {  	v3 =	vperm.xlane v3, v2;
	_ =	sdelay $0x1  }
0x39: {  	s16 =	simm.s32 $0x1980;
	v3 =	vadd.s32 v1, v3  }
0x3a: {  	[tilespmem:s16], [sflag:$0x1] =	stream.indirect_vreg.gather [hbm4b:s5+s2], $0x80, v4, vm0, $0xb8;
	[tilespmem:$0x12180] =	vst v63  }
0x3b: {  	s17 =	simm.s32 $0x2180  }
0x3c: {  	[tilespmem:s17], [sflag:$0x1] =	stream.indirect_vreg.gather [hbm4b:s6+s2], $0x80, v4, vm1, $0xb8;
	[tilespmem:$0x12180] =	vst v63  }
0x3d: {  	s18 =	simm.s32 $0x2580  }
0x3e: {  	[tilespmem:s18], [sflag:$0x1] =	stream.indirect_vreg.gather [hbm4b:s5+s2], $0x80, v3, vm0, $0xb8;
	[tilespmem:$0x12180] =	vst v63  }
0x3f: {  	s19 =	simm.s32 $0x2D80  }
0x40: {  	[tilespmem:s19], [sflag:$0x1] =	stream.indirect_vreg.gather [hbm4b:s6+s2], $0x80, v3, vm1, $0xb8;
	[tilespmem:$0x12180] =	vst v63  }
0x41: {  	v3 =	vld [tilespmem:$0x20];
	_ =	sdelay $0x4  }
0x42: {  	v26 =	vshrl.u32 v3, $0x3  }
0x43: {  	v4 =	vmul.u32 $0x18, v26  }
0x44: {  	v3 =	vand.u32 $0x7, v3  }
0x45: {  	v3 =	vor.u32 v3, v4  }
0x46: {  	v4 =	vperm.xlane v3, v0;
	_ =	sdelay $0x1  }
0x47: {  	v4 =	vadd.s32 v1, v4;
	_ =	sdelay $0x1  }
0x48: {  	v3 =	vperm.xlane v3, v2;
	_ =	sdelay $0x1  }
0x49: {  	s21 =	simm.s32 $0x3180;
	v3 =	vadd.s32 v1, v3  }
0x4a: {  	[tilespmem:s21], [sflag:$0x1] =	stream.indirect_vreg.gather [hbm4b:s5+s2], $0x80, v4, vm0, $0xb8;
	[tilespmem:$0x12180] =	vst v63  }
0x4b: {  	s22 =	simm.s32 $0x3980  }
0x4c: {  	[tilespmem:s22], [sflag:$0x1] =	stream.indirect_vreg.gather [hbm4b:s6+s2], $0x80, v4, vm1, $0xb8;
	[tilespmem:$0x12180] =	vst v63  }
0x4d: {  	s23 =	simm.s32 $0x3D80  }
0x4e: {  	[tilespmem:s23], [sflag:$0x1] =	stream.indirect_vreg.gather [hbm4b:s5+s2], $0x80, v3, vm0, $0xb8;
	[tilespmem:$0x12180] =	vst v63  }
0x4f: {  	s24 =	simm.s32 $0x4580  }
0x50: {  	[tilespmem:s24], [sflag:$0x1] =	stream.indirect_vreg.gather [hbm4b:s6+s2], $0x80, v3, vm1, $0xb8;
	[tilespmem:$0x12180] =	vst v63  }
0x51: {  	v3 =	vld [tilespmem:$0x30];
	_ =	sdelay $0x4  }
0x52: {  	v27 =	vshrl.u32 v3, $0x3  }
0x53: {  	v4 =	vmul.u32 $0x18, v27  }
0x54: {  	v3 =	vand.u32 $0x7, v3  }
0x55: {  	v3 =	vor.u32 v3, v4  }
0x56: {  	v4 =	vperm.xlane v3, v0;
	_ =	sdelay $0x1  }
0x57: {  	v4 =	vadd.s32 v1, v4;
	_ =	sdelay $0x1  }
0x58: {  	v3 =	vperm.xlane v3, v2;
	_ =	sdelay $0x1  }
0x59: {  	s26 =	simm.s32 $0x4980;
	v3 =	vadd.s32 v1, v3  }
0x5a: {  	[tilespmem:s26], [sflag:$0x1] =	stream.indirect_vreg.gather [hbm4b:s5+s2], $0x80, v4, vm0, $0xb8;
	[tilespmem:$0x12180] =	vst v63  }
0x5b: {  	s29 =	simm.s32 $0x5180  }
0x5c: {  	[tilespmem:s29], [sflag:$0x1] =	stream.indirect_vreg.gather [hbm4b:s6+s2], $0x80, v4, vm1, $0xb8;
	[tilespmem:$0x12180] =	vst v63  }
0x5d: {  	s9 =	simm.s32 $0x5580  }
0x5e: {  	[tilespmem:s9], [sflag:$0x1] =	stream.indirect_vreg.gather [hbm4b:s5+s2], $0x80, v3, vm0, $0xb8;
	[tilespmem:$0x12180] =	vst v63  }
0x5f: {  	s12 =	simm.s32 $0x5D80  }
0x60: {  	[tilespmem:s12], [sflag:$0x1] =	stream.indirect_vreg.gather [hbm4b:s6+s2], $0x80, v3, vm1, $0xb8;
	[tilespmem:$0x12180] =	vst v63  }
0x61: {  	s11 =	rddreg [dreg:$0x3]  }
0x62: {  	[tilespmem:s30], [sflag:$0x4] =	stream.linear.gather [hbm4b:s11+s2], $0x40, $0x38;
	[tilespmem:$0x12180] =	vst v63  }
0x63: {  	_ =	swait.ge [sflag:s8], $0x40  }
0x64: {  	[sflag:s8] =	ssyncset.done $0x0  }
0x65: {  	[sflag:s8] =	ssyncadd.s32 $0xFFFFFFC0  }
0x66: {  	v3 =	vld [tilespmem:$0x80];
	_ =	sdelay $0x4  }
0x67: {  	v28 =	vshrl.u32 v3, $0x3  }
0x68: {  	v4 =	vmul.u32 $0x18, v28  }
0x69: {  	v3 =	vand.u32 $0x7, v3  }
0x6a: {  	v3 =	vor.u32 v3, v4  }
0x6b: {  	v4 =	vperm.xlane v3, v0;
	_ =	sdelay $0x1  }
0x6c: {  	v4 =	vadd.s32 v1, v4;
	_ =	sdelay $0x1  }
0x6d: {  	v3 =	vperm.xlane v3, v2;
	_ =	sdelay $0x1  }
0x6e: {  	v3 =	vadd.s32 v1, v3  }
0x6f: {  	[tilespmem:s4], [sflag:$0x2] =	stream.indirect_vreg.gather [hbm4b:s5+s2], $0x80, v4, vm0, $0xb8;
	[tilespmem:$0x12180] =	vst v63  }
0x70: {  	_ = 	snop  }
0x71: {  	[tilespmem:s31], [sflag:$0x2] =	stream.indirect_vreg.gather [hbm4b:s6+s2], $0x80, v4, vm1, $0xb8;
	[tilespmem:$0x12180] =	vst v63  }
0x72: {  	s14 =	simm.s32 $0x6D80  }
0x73: {  	[tilespmem:s14], [sflag:$0x2] =	stream.indirect_vreg.gather [hbm4b:s5+s2], $0x80, v3, vm0, $0xb8;
	[tilespmem:$0x12180] =	vst v63  }
0x74: {  	s22 =	simm.s32 $0x7580  }
0x75: {  	[tilespmem:s22], [sflag:$0x2] =	stream.indirect_vreg.gather [hbm4b:s6+s2], $0x80, v3, vm1, $0xb8;
	[tilespmem:$0x12180] =	vst v63  }
0x76: {  	v3 =	vld [tilespmem:$0x90];
	_ =	sdelay $0x4  }
0x77: {  	v29 =	vshrl.u32 v3, $0x3  }
0x78: {  	v4 =	vmul.u32 $0x18, v29  }
0x79: {  	v3 =	vand.u32 $0x7, v3  }
0x7a: {  	v3 =	vor.u32 v3, v4  }
0x7b: {  	v4 =	vperm.xlane v3, v0;
	_ =	sdelay $0x1  }
0x7c: {  	v4 =	vadd.s32 v1, v4;
	_ =	sdelay $0x1  }
0x7d: {  	v3 =	vperm.xlane v3, v2;
	_ =	sdelay $0x1  }
0x7e: {  	s15 =	simm.s32 $0x7980;
	v3 =	vadd.s32 v1, v3  }
0x7f: {  	[tilespmem:s15], [sflag:$0x2] =	stream.indirect_vreg.gather [hbm4b:s5+s2], $0x80, v4, vm0, $0xb8;
	[tilespmem:$0x12180] =	vst v63  }
0x80: {  	s18 =	simm.s32 $0x8180  }
0x81: {  	[tilespmem:s18], [sflag:$0x2] =	stream.indirect_vreg.gather [hbm4b:s6+s2], $0x80, v4, vm1, $0xb8;
	[tilespmem:$0x12180] =	vst v63  }
0x82: {  	s19 =	simm.s32 $0x8580  }
0x83: {  	[tilespmem:s19], [sflag:$0x2] =	stream.indirect_vreg.gather [hbm4b:s5+s2], $0x80, v3, vm0, $0xb8;
	[tilespmem:$0x12180] =	vst v63  }
0x84: {  	s21 =	simm.s32 $0x8D80  }
0x85: {  	[tilespmem:s21], [sflag:$0x2] =	stream.indirect_vreg.gather [hbm4b:s6+s2], $0x80, v3, vm1, $0xb8;
	[tilespmem:$0x12180] =	vst v63  }
0x86: {  	v3 =	vld [tilespmem:$0xA0];
	_ =	sdelay $0x4  }
0x87: {  	v30 =	vshrl.u32 v3, $0x3  }
0x88: {  	v4 =	vmul.u32 $0x18, v30  }
0x89: {  	v3 =	vand.u32 $0x7, v3  }
0x8a: {  	v3 =	vor.u32 v3, v4  }
0x8b: {  	v4 =	vperm.xlane v3, v0;
	_ =	sdelay $0x1  }
0x8c: {  	v4 =	vadd.s32 v1, v4;
	_ =	sdelay $0x1  }
0x8d: {  	v3 =	vperm.xlane v3, v2;
	_ =	sdelay $0x1  }
0x8e: {  	s23 =	simm.s32 $0x9180;
	v3 =	vadd.s32 v1, v3  }
0x8f: {  	[tilespmem:s23], [sflag:$0x2] =	stream.indirect_vreg.gather [hbm4b:s5+s2], $0x80, v4, vm0, $0xb8;
	[tilespmem:$0x12180] =	vst v63  }
0x90: {  	s24 =	simm.s32 $0x9980  }
0x91: {  	[tilespmem:s24], [sflag:$0x2] =	stream.indirect_vreg.gather [hbm4b:s6+s2], $0x80, v4, vm1, $0xb8;
	[tilespmem:$0x12180] =	vst v63  }
0x92: {  	s26 =	simm.s32 $0x9D80  }
0x93: {  	[tilespmem:s26], [sflag:$0x2] =	stream.indirect_vreg.gather [hbm4b:s5+s2], $0x80, v3, vm0, $0xb8;
	[tilespmem:$0x12180] =	vst v63  }
0x94: {  	s29 =	simm.s32 $0xA580  }
0x95: {  	[tilespmem:s29], [sflag:$0x2] =	stream.indirect_vreg.gather [hbm4b:s6+s2], $0x80, v3, vm1, $0xb8;
	[tilespmem:$0x12180] =	vst v63  }
0x96: {  	v3 =	vld [tilespmem:$0xB0];
	_ =	sdelay $0x4  }
0x97: {  	v31 =	vshrl.u32 v3, $0x3  }
0x98: {  	v4 =	vmul.u32 $0x18, v31  }
0x99: {  	v3 =	vand.u32 $0x7, v3  }
0x9a: {  	v3 =	vor.u32 v3, v4  }
0x9b: {  	v4 =	vperm.xlane v3, v0;
	_ =	sdelay $0x1  }
0x9c: {  	v4 =	vadd.s32 v1, v4;
	_ =	sdelay $0x1  }
0x9d: {  	v3 =	vperm.xlane v3, v2;
	_ =	sdelay $0x1  }
0x9e: {  	s9 =	simm.s32 $0xA980;
	v3 =	vadd.s32 v1, v3  }
0x9f: {  	[tilespmem:s9], [sflag:$0x2] =	stream.indirect_vreg.gather [hbm4b:s5+s2], $0x80, v4, vm0, $0xb8;
	[tilespmem:$0x12180] =	vst v63  }
0xa0: {  	s11 =	simm.s32 $0xB180  }
0xa1: {  	[tilespmem:s11], [sflag:$0x2] =	stream.indirect_vreg.gather [hbm4b:s6+s2], $0x80, v4, vm1, $0xb8;
	[tilespmem:$0x12180] =	vst v63  }
0xa2: {  	s12 =	simm.s32 $0xB580  }
0xa3: {  	[tilespmem:s12], [sflag:$0x2] =	stream.indirect_vreg.gather [hbm4b:s5+s2], $0x80, v3, vm0, $0xb8;
	[tilespmem:$0x12180] =	vst v63  }
0xa4: {  	s21 =	simm.s32 $0xBD80  }
0xa5: {  	[tilespmem:s21], [sflag:$0x2] =	stream.indirect_vreg.gather [hbm4b:s6+s2], $0x80, v3, vm1, $0xb8;
	[tilespmem:$0x12180] =	vst v63  }
0xa6: {  	s14 =	rddreg [dreg:$0x4];
	s15 =	simm.s32 $0x100  }
0xa7: {  	[tilespmem:s15], [sflag:$0x4] =	stream.linear.gather [hbm4b:s14+s2], $0x40, $0x38;
	[tilespmem:$0x12180] =	vst v63  }
0xa8: {  	_ =	swait.ge [sflag:s8], $0x40  }
0xa9: {  	[sflag:s8] =	ssyncset.done $0x0  }
0xaa: {  	[sflag:s8] =	ssyncadd.s32 $0xFFFFFFC0  }
0xab: {  	v3 =	vld [tilespmem:$0x100];
	_ =	sdelay $0x4  }
0xac: {  	v32 =	vshrl.u32 v3, $0x3  }
0xad: {  	v4 =	vmul.u32 $0x18, v32  }
0xae: {  	v3 =	vand.u32 $0x7, v3  }
0xaf: {  	v3 =	vor.u32 v3, v4  }
0xb0: {  	v4 =	vperm.xlane v3, v0;
	_ =	sdelay $0x1  }
0xb1: {  	v4 =	vadd.s32 v1, v4;
	_ =	sdelay $0x1  }
0xb2: {  	v3 =	vperm.xlane v3, v2;
	_ =	sdelay $0x1  }
0xb3: {  	s0 =	simm.s32 $0xC180;
	v3 =	vadd.s32 v1, v3  }
0xb4: {  	[tilespmem:s0], [sflag:$0x3] =	stream.indirect_vreg.gather [hbm4b:s5+s2], $0x80, v4, vm0, $0xb8;
	[tilespmem:$0x12180] =	vst v63  }
0xb5: {  	s9 =	simm.s32 $0xC980  }
0xb6: {  	[tilespmem:s9], [sflag:$0x3] =	stream.indirect_vreg.gather [hbm4b:s6+s2], $0x80, v4, vm1, $0xb8;
	[tilespmem:$0x12180] =	vst v63  }
0xb7: {  	s23 =	simm.s32 $0xCD80  }
0xb8: {  	[tilespmem:s23], [sflag:$0x3] =	stream.indirect_vreg.gather [hbm4b:s5+s2], $0x80, v3, vm0, $0xb8;
	[tilespmem:$0x12180] =	vst v63  }
0xb9: {  	s24 =	simm.s32 $0xD580  }
0xba: {  	[tilespmem:s24], [sflag:$0x3] =	stream.indirect_vreg.gather [hbm4b:s6+s2], $0x80, v3, vm1, $0xb8;
	[tilespmem:$0x12180] =	vst v63  }
0xbb: {  	v3 =	vld [tilespmem:$0x110];
	_ =	sdelay $0x4  }
0xbc: {  	v33 =	vshrl.u32 v3, $0x3  }
0xbd: {  	v4 =	vmul.u32 $0x18, v33  }
0xbe: {  	v3 =	vand.u32 $0x7, v3  }
0xbf: {  	v3 =	vor.u32 v3, v4  }
0xc0: {  	v4 =	vperm.xlane v3, v0;
	_ =	sdelay $0x1  }
0xc1: {  	v4 =	vadd.s32 v1, v4;
	_ =	sdelay $0x1  }
0xc2: {  	v3 =	vperm.xlane v3, v2;
	_ =	sdelay $0x1  }
0xc3: {  	s26 =	simm.s32 $0xD980;
	v3 =	vadd.s32 v1, v3  }
0xc4: {  	[tilespmem:s26], [sflag:$0x3] =	stream.indirect_vreg.gather [hbm4b:s5+s2], $0x80, v4, vm0, $0xb8;
	[tilespmem:$0x12180] =	vst v63  }
0xc5: {  	s29 =	simm.s32 $0xE180  }
0xc6: {  	[tilespmem:s29], [sflag:$0x3] =	stream.indirect_vreg.gather [hbm4b:s6+s2], $0x80, v4, vm1, $0xb8;
	[tilespmem:$0x12180] =	vst v63  }
0xc7: {  	s11 =	simm.s32 $0xE580  }
0xc8: {  	[tilespmem:s11], [sflag:$0x3] =	stream.indirect_vreg.gather [hbm4b:s5+s2], $0x80, v3, vm0, $0xb8;
	[tilespmem:$0x12180] =	vst v63  }
0xc9: {  	s12 =	simm.s32 $0xED80  }
0xca: {  	[tilespmem:s12], [sflag:$0x3] =	stream.indirect_vreg.gather [hbm4b:s6+s2], $0x80, v3, vm1, $0xb8;
	[tilespmem:$0x12180] =	vst v63  }
0xcb: {  	v3 =	vld [tilespmem:$0x120];
	_ =	sdelay $0x4  }
0xcc: {  	v34 =	vshrl.u32 v3, $0x3  }
0xcd: {  	v4 =	vmul.u32 $0x18, v34  }
0xce: {  	v3 =	vand.u32 $0x7, v3  }
0xcf: {  	v3 =	vor.u32 v3, v4  }
0xd0: {  	v4 =	vperm.xlane v3, v0;
	_ =	sdelay $0x1  }
0xd1: {  	v4 =	vadd.s32 v1, v4;
	_ =	sdelay $0x1  }
0xd2: {  	v3 =	vperm.xlane v3, v2;
	_ =	sdelay $0x1  }
0xd3: {  	s14 =	simm.s32 $0xF180;
	v3 =	vadd.s32 v1, v3  }
0xd4: {  	[tilespmem:s14], [sflag:$0x3] =	stream.indirect_vreg.gather [hbm4b:s5+s2], $0x80, v4, vm0, $0xb8;
	[tilespmem:$0x12180] =	vst v63  }
0xd5: {  	s15 =	simm.s32 $0xF980  }
0xd6: {  	[tilespmem:s15], [sflag:$0x3] =	stream.indirect_vreg.gather [hbm4b:s6+s2], $0x80, v4, vm1, $0xb8;
	[tilespmem:$0x12180] =	vst v63  }
0xd7: {  	s23 =	simm.s32 $0xFD80  }
0xd8: {  	[tilespmem:s23], [sflag:$0x3] =	stream.indirect_vreg.gather [hbm4b:s5+s2], $0x80, v3, vm0, $0xb8;
	[tilespmem:$0x12180] =	vst v63  }
0xd9: {  	s24 =	simm.s32 $0x10580  }
0xda: {  	[tilespmem:s24], [sflag:$0x3] =	stream.indirect_vreg.gather [hbm4b:s6+s2], $0x80, v3, vm1, $0xb8;
	[tilespmem:$0x12180] =	vst v63  }
0xdb: {  	v3 =	vld [tilespmem:$0x130];
	_ =	sdelay $0x4  }
0xdc: {  	v35 =	vshrl.u32 v3, $0x3  }
0xdd: {  	v4 =	vmul.u32 $0x18, v35  }
0xde: {  	v3 =	vand.u32 $0x7, v3  }
0xdf: {  	v3 =	vor.u32 v3, v4  }
0xe0: {  	v4 =	vperm.xlane v3, v0;
	_ =	sdelay $0x1  }
0xe1: {  	v4 =	vadd.s32 v1, v4;
	_ =	sdelay $0x1  }
0xe2: {  	v3 =	vperm.xlane v3, v2;
	_ =	sdelay $0x1  }
0xe3: {  	s26 =	simm.s32 $0x10980;
	v3 =	vadd.s32 v1, v3  }
0xe4: {  	[tilespmem:s26], [sflag:$0x3] =	stream.indirect_vreg.gather [hbm4b:s5+s2], $0x80, v4, vm0, $0xb8;
	[tilespmem:$0x12180] =	vst v63  }
0xe5: {  	s29 =	simm.s32 $0x11180  }
0xe6: {  	[tilespmem:s29], [sflag:$0x3] =	stream.indirect_vreg.gather [hbm4b:s6+s2], $0x80, v4, vm1, $0xb8;
	[tilespmem:$0x12180] =	vst v63  }
0xe7: {  	s11 =	simm.s32 $0x11580  }
0xe8: {  	[tilespmem:s11], [sflag:$0x3] =	stream.indirect_vreg.gather [hbm4b:s5+s2], $0x80, v3, vm0, $0xb8;
	[tilespmem:$0x12180] =	vst v63  }
0xe9: {  	s12 =	simm.s32 $0x11D80  }
0xea: {  	[tilespmem:s12], [sflag:$0x3] =	stream.indirect_vreg.gather [hbm4b:s6+s2], $0x80, v3, vm1, $0xb8;
	[tilespmem:$0x12180] =	vst v63  }
0xeb: {  	_ =	swait.ge [sflag:s3], $0x6000  }
0xec: {  	[sflag:s3] =	ssyncset.done $0x0  }
0xed: {  	s14 =	rddreg [dreg:$0x16];
	[sflag:s3] =	ssyncadd.s32 $0xFFFFA000  }
0xee: {  	[hbm4b:s14+s2] =	stream.linear.scatter [tilespmem:s20], [sflag:$0x4], $0x6000, $0x38;
	[tilespmem:$0x12180] =	vst v63  }
0xef: {  	_ =	swait.ge [sflag:s8], $0x6000  }
0xf0: {  	[sflag:s8] =	ssyncset.done $0x0  }
0xf1: {  	s15 =	rddreg [dreg:$0x5];
	[sflag:s8] =	ssyncadd.s32 $0xFFFFA000  }
0xf2: {  	[tilespmem:s2], [sflag:$0x4] =	stream.linear.gather [hbm4b:s15+s2], $0x40, $0x38;
	[tilespmem:$0x12180] =	vst v63  }
0xf3: {  	_ =	swait.ge [sflag:s8], $0x40  }
0xf4: {  	[sflag:s8] =	ssyncset.done $0x0  }
0xf5: {  	[sflag:s8] =	ssyncadd.s32 $0xFFFFFFC0  }
0xf6: {  	v3 =	vld [tilespmem:$0x0];
	_ =	sdelay $0x4  }
0xf7: {  	v36 =	vshrl.u32 v3, $0x3  }
0xf8: {  	v4 =	vmul.u32 $0x18, v36  }
0xf9: {  	v3 =	vand.u32 $0x7, v3  }
0xfa: {  	v3 =	vor.u32 v3, v4  }
0xfb: {  	v4 =	vperm.xlane v3, v0;
	_ =	sdelay $0x1  }
0xfc: {  	v4 =	vadd.s32 v1, v4;
	_ =	sdelay $0x1  }
0xfd: {  	v3 =	vperm.xlane v3, v2;
	_ =	sdelay $0x1  }
0xfe: {  	v3 =	vadd.s32 v1, v3  }
0xff: {  	[tilespmem:s20], [sflag:$0x1] =	stream.indirect_vreg.gather [hbm4b:s5+s2], $0x80, v4, vm0, $0xb8;
	[tilespmem:$0x12180] =	vst v63  }
0x100: {  	s9 =	simm.s32 $0x980  }
0x101: {  	[tilespmem:s9], [sflag:$0x1] =	stream.indirect_vreg.gather [hbm4b:s6+s2], $0x80, v4, vm1, $0xb8;
	[tilespmem:$0x12180] =	vst v63  }
0x102: {  	s23 =	simm.s32 $0xD80  }
0x103: {  	[tilespmem:s23], [sflag:$0x1] =	stream.indirect_vreg.gather [hbm4b:s5+s2], $0x80, v3, vm0, $0xb8;
	[tilespmem:$0x12180] =	vst v63  }
0x104: {  	s1 =	simm.s32 $0x1580  }
0x105: {  	[tilespmem:s1], [sflag:$0x1] =	stream.indirect_vreg.gather [hbm4b:s6+s2], $0x80, v3, vm1, $0xb8;
	[tilespmem:$0x12180] =	vst v63  }
0x106: {  	v3 =	vld [tilespmem:$0x10];
	_ =	sdelay $0x4  }
0x107: {  	v37 =	vshrl.u32 v3, $0x3  }
0x108: {  	v4 =	vmul.u32 $0x18, v37  }
0x109: {  	v3 =	vand.u32 $0x7, v3  }
0x10a: {  	v3 =	vor.u32 v3, v4  }
0x10b: {  	v4 =	vperm.xlane v3, v0;
	_ =	sdelay $0x1  }
0x10c: {  	v4 =	vadd.s32 v1, v4;
	_ =	sdelay $0x1  }
0x10d: {  	v3 =	vperm.xlane v3, v2;
	_ =	sdelay $0x1  }
0x10e: {  	s24 =	simm.s32 $0x1980;
	v3 =	vadd.s32 v1, v3  }
0x10f: {  	[tilespmem:s24], [sflag:$0x1] =	stream.indirect_vreg.gather [hbm4b:s5+s2], $0x80, v4, vm0, $0xb8;
	[tilespmem:$0x12180] =	vst v63  }
0x110: {  	s26 =	simm.s32 $0x2180  }
0x111: {  	[tilespmem:s26], [sflag:$0x1] =	stream.indirect_vreg.gather [hbm4b:s6+s2], $0x80, v4, vm1, $0xb8;
	[tilespmem:$0x12180] =	vst v63  }
0x112: {  	s1 =	simm.s32 $0x2580  }
0x113: {  	[tilespmem:s1], [sflag:$0x1] =	stream.indirect_vreg.gather [hbm4b:s5+s2], $0x80, v3, vm0, $0xb8;
	[tilespmem:$0x12180] =	vst v63  }
0x114: {  	s10 =	simm.s32 $0x2D80  }
0x115: {  	[tilespmem:s10], [sflag:$0x1] =	stream.indirect_vreg.gather [hbm4b:s6+s2], $0x80, v3, vm1, $0xb8;
	[tilespmem:$0x12180] =	vst v63  }
0x116: {  	v3 =	vld [tilespmem:$0x20];
	_ =	sdelay $0x4  }
0x117: {  	v38 =	vshrl.u32 v3, $0x3  }
0x118: {  	v4 =	vmul.u32 $0x18, v38  }
0x119: {  	v3 =	vand.u32 $0x7, v3  }
0x11a: {  	v3 =	vor.u32 v3, v4  }
0x11b: {  	v4 =	vperm.xlane v3, v0;
	_ =	sdelay $0x1  }
0x11c: {  	v4 =	vadd.s32 v1, v4;
	_ =	sdelay $0x1  }
0x11d: {  	v3 =	vperm.xlane v3, v2;
	_ =	sdelay $0x1  }
0x11e: {  	s10 =	simm.s32 $0x3180;
	v3 =	vadd.s32 v1, v3  }
0x11f: {  	[tilespmem:s10], [sflag:$0x1] =	stream.indirect_vreg.gather [hbm4b:s5+s2], $0x80, v4, vm0, $0xb8;
	[tilespmem:$0x12180] =	vst v63  }
0x120: {  	s11 =	simm.s32 $0x3980  }
0x121: {  	[tilespmem:s11], [sflag:$0x1] =	stream.indirect_vreg.gather [hbm4b:s6+s2], $0x80, v4, vm1, $0xb8;
	[tilespmem:$0x12180] =	vst v63  }
0x122: {  	s12 =	simm.s32 $0x3D80  }
0x123: {  	[tilespmem:s12], [sflag:$0x1] =	stream.indirect_vreg.gather [hbm4b:s5+s2], $0x80, v3, vm0, $0xb8;
	[tilespmem:$0x12180] =	vst v63  }
0x124: {  	s13 =	simm.s32 $0x4580  }
0x125: {  	[tilespmem:s13], [sflag:$0x1] =	stream.indirect_vreg.gather [hbm4b:s6+s2], $0x80, v3, vm1, $0xb8;
	[tilespmem:$0x12180] =	vst v63  }
0x126: {  	v3 =	vld [tilespmem:$0x30];
	_ =	sdelay $0x4  }
0x127: {  	v39 =	vshrl.u32 v3, $0x3  }
0x128: {  	v4 =	vmul.u32 $0x18, v39  }
0x129: {  	v3 =	vand.u32 $0x7, v3  }
0x12a: {  	v3 =	vor.u32 v3, v4  }
0x12b: {  	v4 =	vperm.xlane v3, v0;
	_ =	sdelay $0x1  }
0x12c: {  	v4 =	vadd.s32 v1, v4;
	_ =	sdelay $0x1  }
0x12d: {  	v3 =	vperm.xlane v3, v2;
	_ =	sdelay $0x1  }
0x12e: {  	s13 =	simm.s32 $0x4980;
	v3 =	vadd.s32 v1, v3  }
0x12f: {  	[tilespmem:s13], [sflag:$0x1] =	stream.indirect_vreg.gather [hbm4b:s5+s2], $0x80, v4, vm0, $0xb8;
	[tilespmem:$0x12180] =	vst v63  }
0x130: {  	s14 =	simm.s32 $0x5180  }
0x131: {  	[tilespmem:s14], [sflag:$0x1] =	stream.indirect_vreg.gather [hbm4b:s6+s2], $0x80, v4, vm1, $0xb8;
	[tilespmem:$0x12180] =	vst v63  }
0x132: {  	s15 =	simm.s32 $0x5580  }
0x133: {  	[tilespmem:s15], [sflag:$0x1] =	stream.indirect_vreg.gather [hbm4b:s5+s2], $0x80, v3, vm0, $0xb8;
	[tilespmem:$0x12180] =	vst v63  }
0x134: {  	s17 =	simm.s32 $0x5D80  }
0x135: {  	[tilespmem:s17], [sflag:$0x1] =	stream.indirect_vreg.gather [hbm4b:s6+s2], $0x80, v3, vm1, $0xb8;
	[tilespmem:$0x12180] =	vst v63  }
0x136: {  	_ =	swait.ge [sflag:s25], $0x6000  }
0x137: {  	[sflag:s25] =	ssyncset.done $0x0  }
0x138: {  	s17 =	rddreg [dreg:$0x6];
	[sflag:s25] =	ssyncadd.s32 $0xFFFFA000  }
0x139: {  	[hbm4b:s17+s2] =	stream.linear.scatter [tilespmem:s4], [sflag:$0x4], $0x6000, $0x38;
	[tilespmem:$0x12180] =	vst v63  }
0x13a: {  	_ =	swait.ge [sflag:s8], $0x6000  }
0x13b: {  	[sflag:s8] =	ssyncset.done $0x0  }
0x13c: {  	s17 =	rddreg [dreg:$0x7];
	[sflag:s8] =	ssyncadd.s32 $0xFFFFA000  }
0x13d: {  	[tilespmem:s30], [sflag:$0x4] =	stream.linear.gather [hbm4b:s17+s2], $0x40, $0x38;
	[tilespmem:$0x12180] =	vst v63  }
0x13e: {  	_ =	swait.ge [sflag:s8], $0x40  }
0x13f: {  	[sflag:s8] =	ssyncset.done $0x0  }
0x140: {  	[sflag:s8] =	ssyncadd.s32 $0xFFFFFFC0  }
0x141: {  	v3 =	vld [tilespmem:$0x80];
	_ =	sdelay $0x4  }
0x142: {  	v40 =	vshrl.u32 v3, $0x3  }
0x143: {  	v4 =	vmul.u32 $0x18, v40  }
0x144: {  	v3 =	vand.u32 $0x7, v3  }
0x145: {  	v3 =	vor.u32 v3, v4  }
0x146: {  	v4 =	vperm.xlane v3, v0;
	_ =	sdelay $0x1  }
0x147: {  	v4 =	vadd.s32 v1, v4;
	_ =	sdelay $0x1  }
0x148: {  	v3 =	vperm.xlane v3, v2;
	_ =	sdelay $0x1  }
0x149: {  	v3 =	vadd.s32 v1, v3  }
0x14a: {  	[tilespmem:s4], [sflag:$0x2] =	stream.indirect_vreg.gather [hbm4b:s5+s2], $0x80, v4, vm0, $0xb8;
	[tilespmem:$0x12180] =	vst v63  }
0x14b: {  	_ = 	snop  }
0x14c: {  	[tilespmem:s31], [sflag:$0x2] =	stream.indirect_vreg.gather [hbm4b:s6+s2], $0x80, v4, vm1, $0xb8;
	[tilespmem:$0x12180] =	vst v63  }
0x14d: {  	s16 =	simm.s32 $0x6D80  }
0x14e: {  	[tilespmem:s16], [sflag:$0x2] =	stream.indirect_vreg.gather [hbm4b:s5+s2], $0x80, v3, vm0, $0xb8;
	[tilespmem:$0x12180] =	vst v63  }
0x14f: {  	_ = 	snop  }
0x150: {  	[tilespmem:s22], [sflag:$0x2] =	stream.indirect_vreg.gather [hbm4b:s6+s2], $0x80, v3, vm1, $0xb8;
	[tilespmem:$0x12180] =	vst v63  }
0x151: {  	v3 =	vld [tilespmem:$0x90];
	_ =	sdelay $0x4  }
0x152: {  	v41 =	vshrl.u32 v3, $0x3  }
0x153: {  	v4 =	vmul.u32 $0x18, v41  }
0x154: {  	v3 =	vand.u32 $0x7, v3  }
0x155: {  	v3 =	vor.u32 v3, v4  }
0x156: {  	v4 =	vperm.xlane v3, v0;
	_ =	sdelay $0x1  }
0x157: {  	v4 =	vadd.s32 v1, v4;
	_ =	sdelay $0x1  }
0x158: {  	v3 =	vperm.xlane v3, v2;
	_ =	sdelay $0x1  }
0x159: {  	s17 =	simm.s32 $0x7980;
	v3 =	vadd.s32 v1, v3  }
0x15a: {  	[tilespmem:s17], [sflag:$0x2] =	stream.indirect_vreg.gather [hbm4b:s5+s2], $0x80, v4, vm0, $0xb8;
	[tilespmem:$0x12180] =	vst v63  }
0x15b: {  	s29 =	simm.s32 $0x8180  }
0x15c: {  	[tilespmem:s29], [sflag:$0x2] =	stream.indirect_vreg.gather [hbm4b:s6+s2], $0x80, v4, vm1, $0xb8;
	[tilespmem:$0x12180] =	vst v63  }
0x15d: {  	s17 =	simm.s32 $0x8580  }
0x15e: {  	[tilespmem:s17], [sflag:$0x2] =	stream.indirect_vreg.gather [hbm4b:s5+s2], $0x80, v3, vm0, $0xb8;
	[tilespmem:$0x12180] =	vst v63  }
0x15f: {  	s18 =	simm.s32 $0x8D80  }
0x160: {  	[tilespmem:s18], [sflag:$0x2] =	stream.indirect_vreg.gather [hbm4b:s6+s2], $0x80, v3, vm1, $0xb8;
	[tilespmem:$0x12180] =	vst v63  }
0x161: {  	v3 =	vld [tilespmem:$0xA0];
	_ =	sdelay $0x4  }
0x162: {  	v42 =	vshrl.u32 v3, $0x3  }
0x163: {  	v4 =	vmul.u32 $0x18, v42  }
0x164: {  	v3 =	vand.u32 $0x7, v3  }
0x165: {  	v3 =	vor.u32 v3, v4  }
0x166: {  	v4 =	vperm.xlane v3, v0;
	_ =	sdelay $0x1  }
0x167: {  	v4 =	vadd.s32 v1, v4;
	_ =	sdelay $0x1  }
0x168: {  	v3 =	vperm.xlane v3, v2;
	_ =	sdelay $0x1  }
0x169: {  	s29 =	simm.s32 $0x9180;
	v3 =	vadd.s32 v1, v3  }
0x16a: {  	[tilespmem:s29], [sflag:$0x2] =	stream.indirect_vreg.gather [hbm4b:s5+s2], $0x80, v4, vm0, $0xb8;
	[tilespmem:$0x12180] =	vst v63  }
0x16b: {  	s17 =	simm.s32 $0x9980  }
0x16c: {  	[tilespmem:s17], [sflag:$0x2] =	stream.indirect_vreg.gather [hbm4b:s6+s2], $0x80, v4, vm1, $0xb8;
	[tilespmem:$0x12180] =	vst v63  }
0x16d: {  	s18 =	simm.s32 $0x9D80  }
0x16e: {  	[tilespmem:s18], [sflag:$0x2] =	stream.indirect_vreg.gather [hbm4b:s5+s2], $0x80, v3, vm0, $0xb8;
	[tilespmem:$0x12180] =	vst v63  }
0x16f: {  	s19 =	simm.s32 $0xA580  }
0x170: {  	[tilespmem:s19], [sflag:$0x2] =	stream.indirect_vreg.gather [hbm4b:s6+s2], $0x80, v3, vm1, $0xb8;
	[tilespmem:$0x12180] =	vst v63  }
0x171: {  	v3 =	vld [tilespmem:$0xB0];
	_ =	sdelay $0x4  }
0x172: {  	v43 =	vshrl.u32 v3, $0x3  }
0x173: {  	v4 =	vmul.u32 $0x18, v43  }
0x174: {  	v3 =	vand.u32 $0x7, v3  }
0x175: {  	v3 =	vor.u32 v3, v4  }
0x176: {  	v4 =	vperm.xlane v3, v0;
	_ =	sdelay $0x1  }
0x177: {  	v4 =	vadd.s32 v1, v4;
	_ =	sdelay $0x1  }
0x178: {  	v3 =	vperm.xlane v3, v2;
	_ =	sdelay $0x1  }
0x179: {  	s29 =	simm.s32 $0xA980;
	v3 =	vadd.s32 v1, v3  }
0x17a: {  	[tilespmem:s29], [sflag:$0x2] =	stream.indirect_vreg.gather [hbm4b:s5+s2], $0x80, v4, vm0, $0xb8;
	[tilespmem:$0x12180] =	vst v63  }
0x17b: {  	s17 =	simm.s32 $0xB180  }
0x17c: {  	[tilespmem:s17], [sflag:$0x2] =	stream.indirect_vreg.gather [hbm4b:s6+s2], $0x80, v4, vm1, $0xb8;
	[tilespmem:$0x12180] =	vst v63  }
0x17d: {  	s18 =	simm.s32 $0xB580  }
0x17e: {  	[tilespmem:s18], [sflag:$0x2] =	stream.indirect_vreg.gather [hbm4b:s5+s2], $0x80, v3, vm0, $0xb8;
	[tilespmem:$0x12180] =	vst v63  }
0x17f: {  	_ = 	snop  }
0x180: {  	[tilespmem:s21], [sflag:$0x2] =	stream.indirect_vreg.gather [hbm4b:s6+s2], $0x80, v3, vm1, $0xb8;
	[tilespmem:$0x12180] =	vst v63  }
0x181: {  	_ =	swait.ge [sflag:s28], $0x6000  }
0x182: {  	[sflag:s28] =	ssyncset.done $0x0  }
0x183: {  	s19 =	rddreg [dreg:$0x8];
	[sflag:s28] =	ssyncadd.s32 $0xFFFFA000  }
0x184: {  	[hbm4b:s19+s2] =	stream.linear.scatter [tilespmem:s0], [sflag:$0x4], $0x6000, $0x38;
	[tilespmem:$0x12180] =	vst v63  }
0x185: {  	_ =	swait.ge [sflag:s8], $0x6000  }
0x186: {  	[sflag:s8] =	ssyncset.done $0x0  }
0x187: {  	s17 =	simm.s32 $0x100;
	s16 =	rddreg [dreg:$0x9];
	[sflag:s8] =	ssyncadd.s32 $0xFFFFA000  }
0x188: {  	[tilespmem:s17], [sflag:$0x4] =	stream.linear.gather [hbm4b:s16+s2], $0x40, $0x38;
	[tilespmem:$0x12180] =	vst v63  }
0x189: {  	_ =	swait.ge [sflag:s8], $0x40  }
0x18a: {  	[sflag:s8] =	ssyncset.done $0x0  }
0x18b: {  	[sflag:s8] =	ssyncadd.s32 $0xFFFFFFC0  }
0x18c: {  	v3 =	vld [tilespmem:$0x100];
	_ =	sdelay $0x4  }
0x18d: {  	v44 =	vshrl.u32 v3, $0x3  }
0x18e: {  	v4 =	vmul.u32 $0x18, v44  }
0x18f: {  	v3 =	vand.u32 $0x7, v3  }
0x190: {  	v3 =	vor.u32 v3, v4  }
0x191: {  	v4 =	vperm.xlane v3, v0;
	_ =	sdelay $0x1  }
0x192: {  	v4 =	vadd.s32 v1, v4;
	_ =	sdelay $0x1  }
0x193: {  	v3 =	vperm.xlane v3, v2;
	_ =	sdelay $0x1  }
0x194: {  	v3 =	vadd.s32 v1, v3  }
0x195: {  	[tilespmem:s0], [sflag:$0x3] =	stream.indirect_vreg.gather [hbm4b:s5+s2], $0x80, v4, vm0, $0xb8;
	[tilespmem:$0x12180] =	vst v63  }
0x196: {  	s18 =	simm.s32 $0xC980  }
0x197: {  	[tilespmem:s18], [sflag:$0x3] =	stream.indirect_vreg.gather [hbm4b:s6+s2], $0x80, v4, vm1, $0xb8;
	[tilespmem:$0x12180] =	vst v63  }
0x198: {  	s19 =	simm.s32 $0xCD80  }
0x199: {  	[tilespmem:s19], [sflag:$0x3] =	stream.indirect_vreg.gather [hbm4b:s5+s2], $0x80, v3, vm0, $0xb8;
	[tilespmem:$0x12180] =	vst v63  }
0x19a: {  	s29 =	simm.s32 $0xD580  }
0x19b: {  	[tilespmem:s29], [sflag:$0x3] =	stream.indirect_vreg.gather [hbm4b:s6+s2], $0x80, v3, vm1, $0xb8;
	[tilespmem:$0x12180] =	vst v63  }
0x19c: {  	v3 =	vld [tilespmem:$0x110];
	_ =	sdelay $0x4  }
0x19d: {  	v45 =	vshrl.u32 v3, $0x3  }
0x19e: {  	v4 =	vmul.u32 $0x18, v45  }
0x19f: {  	v3 =	vand.u32 $0x7, v3  }
0x1a0: {  	v3 =	vor.u32 v3, v4  }
0x1a1: {  	v4 =	vperm.xlane v3, v0;
	_ =	sdelay $0x1  }
0x1a2: {  	v4 =	vadd.s32 v1, v4;
	_ =	sdelay $0x1  }
0x1a3: {  	v3 =	vperm.xlane v3, v2;
	_ =	sdelay $0x1  }
0x1a4: {  	s17 =	simm.s32 $0xD980;
	v3 =	vadd.s32 v1, v3  }
0x1a5: {  	[tilespmem:s17], [sflag:$0x3] =	stream.indirect_vreg.gather [hbm4b:s5+s2], $0x80, v4, vm0, $0xb8;
	[tilespmem:$0x12180] =	vst v63  }
0x1a6: {  	s18 =	simm.s32 $0xE180  }
0x1a7: {  	[tilespmem:s18], [sflag:$0x3] =	stream.indirect_vreg.gather [hbm4b:s6+s2], $0x80, v4, vm1, $0xb8;
	[tilespmem:$0x12180] =	vst v63  }
0x1a8: {  	s19 =	simm.s32 $0xE580  }
0x1a9: {  	[tilespmem:s19], [sflag:$0x3] =	stream.indirect_vreg.gather [hbm4b:s5+s2], $0x80, v3, vm0, $0xb8;
	[tilespmem:$0x12180] =	vst v63  }
0x1aa: {  	s29 =	simm.s32 $0xED80  }
0x1ab: {  	[tilespmem:s29], [sflag:$0x3] =	stream.indirect_vreg.gather [hbm4b:s6+s2], $0x80, v3, vm1, $0xb8;
	[tilespmem:$0x12180] =	vst v63  }
0x1ac: {  	v3 =	vld [tilespmem:$0x120];
	_ =	sdelay $0x4  }
0x1ad: {  	v46 =	vshrl.u32 v3, $0x3  }
0x1ae: {  	v4 =	vmul.u32 $0x18, v46  }
0x1af: {  	v3 =	vand.u32 $0x7, v3  }
0x1b0: {  	v3 =	vor.u32 v3, v4  }
0x1b1: {  	v4 =	vperm.xlane v3, v0;
	_ =	sdelay $0x1  }
0x1b2: {  	v4 =	vadd.s32 v1, v4;
	_ =	sdelay $0x1  }
0x1b3: {  	v3 =	vperm.xlane v3, v2;
	_ =	sdelay $0x1  }
0x1b4: {  	s17 =	simm.s32 $0xF180;
	v3 =	vadd.s32 v1, v3  }
0x1b5: {  	[tilespmem:s17], [sflag:$0x3] =	stream.indirect_vreg.gather [hbm4b:s5+s2], $0x80, v4, vm0, $0xb8;
	[tilespmem:$0x12180] =	vst v63  }
0x1b6: {  	s18 =	simm.s32 $0xF980  }
0x1b7: {  	[tilespmem:s18], [sflag:$0x3] =	stream.indirect_vreg.gather [hbm4b:s6+s2], $0x80, v4, vm1, $0xb8;
	[tilespmem:$0x12180] =	vst v63  }
0x1b8: {  	s19 =	simm.s32 $0xFD80  }
0x1b9: {  	[tilespmem:s19], [sflag:$0x3] =	stream.indirect_vreg.gather [hbm4b:s5+s2], $0x80, v3, vm0, $0xb8;
	[tilespmem:$0x12180] =	vst v63  }
0x1ba: {  	s29 =	simm.s32 $0x10580  }
0x1bb: {  	[tilespmem:s29], [sflag:$0x3] =	stream.indirect_vreg.gather [hbm4b:s6+s2], $0x80, v3, vm1, $0xb8;
	[tilespmem:$0x12180] =	vst v63  }
0x1bc: {  	v3 =	vld [tilespmem:$0x130];
	_ =	sdelay $0x4  }
0x1bd: {  	v47 =	vshrl.u32 v3, $0x3  }
0x1be: {  	v4 =	vmul.u32 $0x18, v47  }
0x1bf: {  	v3 =	vand.u32 $0x7, v3  }
0x1c0: {  	v3 =	vor.u32 v3, v4  }
0x1c1: {  	v4 =	vperm.xlane v3, v0;
	_ =	sdelay $0x1  }
0x1c2: {  	v4 =	vadd.s32 v1, v4;
	_ =	sdelay $0x1  }
0x1c3: {  	v3 =	vperm.xlane v3, v2;
	_ =	sdelay $0x1  }
0x1c4: {  	s17 =	simm.s32 $0x10980;
	v3 =	vadd.s32 v1, v3  }
0x1c5: {  	[tilespmem:s17], [sflag:$0x3] =	stream.indirect_vreg.gather [hbm4b:s5+s2], $0x80, v4, vm0, $0xb8;
	[tilespmem:$0x12180] =	vst v63  }
0x1c6: {  	s18 =	simm.s32 $0x11180  }
0x1c7: {  	[tilespmem:s18], [sflag:$0x3] =	stream.indirect_vreg.gather [hbm4b:s6+s2], $0x80, v4, vm1, $0xb8;
	[tilespmem:$0x12180] =	vst v63  }
0x1c8: {  	s19 =	simm.s32 $0x11580  }
0x1c9: {  	[tilespmem:s19], [sflag:$0x3] =	stream.indirect_vreg.gather [hbm4b:s5+s2], $0x80, v3, vm0, $0xb8;
	[tilespmem:$0x12180] =	vst v63  }
0x1ca: {  	s29 =	simm.s32 $0x11D80  }
0x1cb: {  	[tilespmem:s29], [sflag:$0x3] =	stream.indirect_vreg.gather [hbm4b:s6+s2], $0x80, v3, vm1, $0xb8;
	[tilespmem:$0x12180] =	vst v63  }
0x1cc: {  	_ =	swait.ge [sflag:s3], $0x6000  }
0x1cd: {  	[sflag:s3] =	ssyncset.done $0x0  }
0x1ce: {  	s17 =	rddreg [dreg:$0xa];
	[sflag:s3] =	ssyncadd.s32 $0xFFFFA000  }
0x1cf: {  	[hbm4b:s17+s2] =	stream.linear.scatter [tilespmem:s20], [sflag:$0x4], $0x6000, $0x38;
	[tilespmem:$0x12180] =	vst v63  }
0x1d0: {  	_ =	swait.ge [sflag:s8], $0x6000  }
0x1d1: {  	[sflag:s8] =	ssyncset.done $0x0  }
0x1d2: {  	s18 =	rddreg [dreg:$0xb];
	[sflag:s8] =	ssyncadd.s32 $0xFFFFA000  }
0x1d3: {  	[tilespmem:s2], [sflag:$0x4] =	stream.linear.gather [hbm4b:s18+s2], $0x40, $0x38;
	[tilespmem:$0x12180] =	vst v63  }
0x1d4: {  	_ =	swait.ge [sflag:s8], $0x40  }
0x1d5: {  	[sflag:s8] =	ssyncset.done $0x0  }
0x1d6: {  	[sflag:s8] =	ssyncadd.s32 $0xFFFFFFC0  }
0x1d7: {  	v3 =	vld [tilespmem:$0x0];
	_ =	sdelay $0x4  }
0x1d8: {  	v48 =	vshrl.u32 v3, $0x3  }
0x1d9: {  	v4 =	vmul.u32 $0x18, v48  }
0x1da: {  	v3 =	vand.u32 $0x7, v3  }
0x1db: {  	v3 =	vor.u32 v3, v4  }
0x1dc: {  	v4 =	vperm.xlane v3, v0;
	_ =	sdelay $0x1  }
0x1dd: {  	v4 =	vadd.s32 v1, v4;
	_ =	sdelay $0x1  }
0x1de: {  	v3 =	vperm.xlane v3, v2;
	_ =	sdelay $0x1  }
0x1df: {  	v3 =	vadd.s32 v1, v3  }
0x1e0: {  	[tilespmem:s20], [sflag:$0x1] =	stream.indirect_vreg.gather [hbm4b:s5+s2], $0x80, v4, vm0, $0xb8;
	[tilespmem:$0x12180] =	vst v63  }
0x1e1: {  	_ = 	snop  }
0x1e2: {  	[tilespmem:s9], [sflag:$0x1] =	stream.indirect_vreg.gather [hbm4b:s6+s2], $0x80, v4, vm1, $0xb8;
	[tilespmem:$0x12180] =	vst v63  }
0x1e3: {  	_ = 	snop  }
0x1e4: {  	[tilespmem:s23], [sflag:$0x1] =	stream.indirect_vreg.gather [hbm4b:s5+s2], $0x80, v3, vm0, $0xb8;
	[tilespmem:$0x12180] =	vst v63  }
0x1e5: {  	s19 =	simm.s32 $0x1580  }
0x1e6: {  	[tilespmem:s19], [sflag:$0x1] =	stream.indirect_vreg.gather [hbm4b:s6+s2], $0x80, v3, vm1, $0xb8;
	[tilespmem:$0x12180] =	vst v63  }
0x1e7: {  	v3 =	vld [tilespmem:$0x10];
	_ =	sdelay $0x4  }
0x1e8: {  	v49 =	vshrl.u32 v3, $0x3  }
0x1e9: {  	v4 =	vmul.u32 $0x18, v49  }
0x1ea: {  	v3 =	vand.u32 $0x7, v3  }
0x1eb: {  	v3 =	vor.u32 v3, v4  }
0x1ec: {  	v4 =	vperm.xlane v3, v0;
	_ =	sdelay $0x1  }
0x1ed: {  	v4 =	vadd.s32 v1, v4;
	_ =	sdelay $0x1  }
0x1ee: {  	v3 =	vperm.xlane v3, v2;
	_ =	sdelay $0x1  }
0x1ef: {  	v3 =	vadd.s32 v1, v3  }
0x1f0: {  	[tilespmem:s24], [sflag:$0x1] =	stream.indirect_vreg.gather [hbm4b:s5+s2], $0x80, v4, vm0, $0xb8;
	[tilespmem:$0x12180] =	vst v63  }
0x1f1: {  	_ = 	snop  }
0x1f2: {  	[tilespmem:s26], [sflag:$0x1] =	stream.indirect_vreg.gather [hbm4b:s6+s2], $0x80, v4, vm1, $0xb8;
	[tilespmem:$0x12180] =	vst v63  }
0x1f3: {  	_ = 	snop  }
0x1f4: {  	[tilespmem:s1], [sflag:$0x1] =	stream.indirect_vreg.gather [hbm4b:s5+s2], $0x80, v3, vm0, $0xb8;
	[tilespmem:$0x12180] =	vst v63  }
0x1f5: {  	s16 =	simm.s32 $0x2D80  }
0x1f6: {  	[tilespmem:s16], [sflag:$0x1] =	stream.indirect_vreg.gather [hbm4b:s6+s2], $0x80, v3, vm1, $0xb8;
	[tilespmem:$0x12180] =	vst v63  }
0x1f7: {  	v3 =	vld [tilespmem:$0x20];
	_ =	sdelay $0x4  }
0x1f8: {  	v50 =	vshrl.u32 v3, $0x3  }
0x1f9: {  	v4 =	vmul.u32 $0x18, v50  }
0x1fa: {  	v3 =	vand.u32 $0x7, v3  }
0x1fb: {  	v3 =	vor.u32 v3, v4  }
0x1fc: {  	v4 =	vperm.xlane v3, v0;
	_ =	sdelay $0x1  }
0x1fd: {  	v4 =	vadd.s32 v1, v4;
	_ =	sdelay $0x1  }
0x1fe: {  	v3 =	vperm.xlane v3, v2;
	_ =	sdelay $0x1  }
0x1ff: {  	v3 =	vadd.s32 v1, v3  }
0x200: {  	[tilespmem:s10], [sflag:$0x1] =	stream.indirect_vreg.gather [hbm4b:s5+s2], $0x80, v4, vm0, $0xb8;
	[tilespmem:$0x12180] =	vst v63  }
0x201: {  	_ = 	snop  }
0x202: {  	[tilespmem:s11], [sflag:$0x1] =	stream.indirect_vreg.gather [hbm4b:s6+s2], $0x80, v4, vm1, $0xb8;
	[tilespmem:$0x12180] =	vst v63  }
0x203: {  	_ = 	snop  }
0x204: {  	[tilespmem:s12], [sflag:$0x1] =	stream.indirect_vreg.gather [hbm4b:s5+s2], $0x80, v3, vm0, $0xb8;
	[tilespmem:$0x12180] =	vst v63  }
0x205: {  	s18 =	simm.s32 $0x4580  }
0x206: {  	[tilespmem:s18], [sflag:$0x1] =	stream.indirect_vreg.gather [hbm4b:s6+s2], $0x80, v3, vm1, $0xb8;
	[tilespmem:$0x12180] =	vst v63  }
0x207: {  	v3 =	vld [tilespmem:$0x30];
	_ =	sdelay $0x4  }
0x208: {  	v51 =	vshrl.u32 v3, $0x3  }
0x209: {  	v4 =	vmul.u32 $0x18, v51  }
0x20a: {  	v3 =	vand.u32 $0x7, v3  }
0x20b: {  	v3 =	vor.u32 v3, v4  }
0x20c: {  	v4 =	vperm.xlane v3, v0;
	_ =	sdelay $0x1  }
0x20d: {  	v4 =	vadd.s32 v1, v4;
	_ =	sdelay $0x1  }
0x20e: {  	v3 =	vperm.xlane v3, v2;
	_ =	sdelay $0x1  }
0x20f: {  	v3 =	vadd.s32 v1, v3  }
0x210: {  	[tilespmem:s13], [sflag:$0x1] =	stream.indirect_vreg.gather [hbm4b:s5+s2], $0x80, v4, vm0, $0xb8;
	[tilespmem:$0x12180] =	vst v63  }
0x211: {  	_ = 	snop  }
0x212: {  	[tilespmem:s14], [sflag:$0x1] =	stream.indirect_vreg.gather [hbm4b:s6+s2], $0x80, v4, vm1, $0xb8;
	[tilespmem:$0x12180] =	vst v63  }
0x213: {  	_ = 	snop  }
0x214: {  	[tilespmem:s15], [sflag:$0x1] =	stream.indirect_vreg.gather [hbm4b:s5+s2], $0x80, v3, vm0, $0xb8;
	[tilespmem:$0x12180] =	vst v63  }
0x215: {  	s19 =	simm.s32 $0x5D80  }
0x216: {  	[tilespmem:s19], [sflag:$0x1] =	stream.indirect_vreg.gather [hbm4b:s6+s2], $0x80, v3, vm1, $0xb8;
	[tilespmem:$0x12180] =	vst v63  }
0x217: {  	_ =	swait.ge [sflag:s25], $0x6000  }
0x218: {  	[sflag:s25] =	ssyncset.done $0x0  }
0x219: {  	s29 =	rddreg [dreg:$0xc];
	[sflag:s25] =	ssyncadd.s32 $0xFFFFA000  }
0x21a: {  	[hbm4b:s29+s2] =	stream.linear.scatter [tilespmem:s4], [sflag:$0x4], $0x6000, $0x38;
	[tilespmem:$0x12180] =	vst v63  }
0x21b: {  	_ =	swait.ge [sflag:s8], $0x6000  }
0x21c: {  	[sflag:s8] =	ssyncset.done $0x0  }
0x21d: {  	s29 =	rddreg [dreg:$0xd];
	[sflag:s8] =	ssyncadd.s32 $0xFFFFA000  }
0x21e: {  	[tilespmem:s30], [sflag:$0x4] =	stream.linear.gather [hbm4b:s29+s2], $0x40, $0x38;
	[tilespmem:$0x12180] =	vst v63  }
0x21f: {  	_ =	swait.ge [sflag:s8], $0x40  }
0x220: {  	[sflag:s8] =	ssyncset.done $0x0  }
0x221: {  	[sflag:s8] =	ssyncadd.s32 $0xFFFFFFC0  }
0x222: {  	v3 =	vld [tilespmem:$0x80];
	_ =	sdelay $0x4  }
0x223: {  	v52 =	vshrl.u32 v3, $0x3  }
0x224: {  	v4 =	vmul.u32 $0x18, v52  }
0x225: {  	v3 =	vand.u32 $0x7, v3  }
0x226: {  	v3 =	vor.u32 v3, v4  }
0x227: {  	v4 =	vperm.xlane v3, v0;
	_ =	sdelay $0x1  }
0x228: {  	v4 =	vadd.s32 v1, v4;
	_ =	sdelay $0x1  }
0x229: {  	v3 =	vperm.xlane v3, v2;
	_ =	sdelay $0x1  }
0x22a: {  	v3 =	vadd.s32 v1, v3  }
0x22b: {  	[tilespmem:s4], [sflag:$0x2] =	stream.indirect_vreg.gather [hbm4b:s5+s2], $0x80, v4, vm0, $0xb8;
	[tilespmem:$0x12180] =	vst v63  }
0x22c: {  	_ = 	snop  }
0x22d: {  	[tilespmem:s31], [sflag:$0x2] =	stream.indirect_vreg.gather [hbm4b:s6+s2], $0x80, v4, vm1, $0xb8;
	[tilespmem:$0x12180] =	vst v63  }
0x22e: {  	s29 =	simm.s32 $0x6D80  }
0x22f: {  	[tilespmem:s29], [sflag:$0x2] =	stream.indirect_vreg.gather [hbm4b:s5+s2], $0x80, v3, vm0, $0xb8;
	[tilespmem:$0x12180] =	vst v63  }
0x230: {  	_ = 	snop  }
0x231: {  	[tilespmem:s22], [sflag:$0x2] =	stream.indirect_vreg.gather [hbm4b:s6+s2], $0x80, v3, vm1, $0xb8;
	[tilespmem:$0x12180] =	vst v63  }
0x232: {  	v3 =	vld [tilespmem:$0x90];
	_ =	sdelay $0x4  }
0x233: {  	v53 =	vshrl.u32 v3, $0x3  }
0x234: {  	v4 =	vmul.u32 $0x18, v53  }
0x235: {  	v3 =	vand.u32 $0x7, v3  }
0x236: {  	v3 =	vor.u32 v3, v4  }
0x237: {  	v4 =	vperm.xlane v3, v0;
	_ =	sdelay $0x1  }
0x238: {  	v4 =	vadd.s32 v1, v4;
	_ =	sdelay $0x1  }
0x239: {  	v3 =	vperm.xlane v3, v2;
	_ =	sdelay $0x1  }
0x23a: {  	s29 =	simm.s32 $0x7980;
	v3 =	vadd.s32 v1, v3  }
0x23b: {  	[tilespmem:s29], [sflag:$0x2] =	stream.indirect_vreg.gather [hbm4b:s5+s2], $0x80, v4, vm0, $0xb8;
	[tilespmem:$0x12180] =	vst v63  }
0x23c: {  	s29 =	simm.s32 $0x8180  }
0x23d: {  	[tilespmem:s29], [sflag:$0x2] =	stream.indirect_vreg.gather [hbm4b:s6+s2], $0x80, v4, vm1, $0xb8;
	[tilespmem:$0x12180] =	vst v63  }
0x23e: {  	s29 =	simm.s32 $0x8580  }
0x23f: {  	[tilespmem:s29], [sflag:$0x2] =	stream.indirect_vreg.gather [hbm4b:s5+s2], $0x80, v3, vm0, $0xb8;
	[tilespmem:$0x12180] =	vst v63  }
0x240: {  	s29 =	simm.s32 $0x8D80  }
0x241: {  	[tilespmem:s29], [sflag:$0x2] =	stream.indirect_vreg.gather [hbm4b:s6+s2], $0x80, v3, vm1, $0xb8;
	[tilespmem:$0x12180] =	vst v63  }
0x242: {  	v3 =	vld [tilespmem:$0xA0];
	_ =	sdelay $0x4  }
0x243: {  	v54 =	vshrl.u32 v3, $0x3  }
0x244: {  	v4 =	vmul.u32 $0x18, v54  }
0x245: {  	v3 =	vand.u32 $0x7, v3  }
0x246: {  	v3 =	vor.u32 v3, v4  }
0x247: {  	v4 =	vperm.xlane v3, v0;
	_ =	sdelay $0x1  }
0x248: {  	v4 =	vadd.s32 v1, v4;
	_ =	sdelay $0x1  }
0x249: {  	v3 =	vperm.xlane v3, v2;
	_ =	sdelay $0x1  }
0x24a: {  	s29 =	simm.s32 $0x9180;
	v3 =	vadd.s32 v1, v3  }
0x24b: {  	[tilespmem:s29], [sflag:$0x2] =	stream.indirect_vreg.gather [hbm4b:s5+s2], $0x80, v4, vm0, $0xb8;
	[tilespmem:$0x12180] =	vst v63  }
0x24c: {  	s29 =	simm.s32 $0x9980  }
0x24d: {  	[tilespmem:s29], [sflag:$0x2] =	stream.indirect_vreg.gather [hbm4b:s6+s2], $0x80, v4, vm1, $0xb8;
	[tilespmem:$0x12180] =	vst v63  }
0x24e: {  	s29 =	simm.s32 $0x9D80  }
0x24f: {  	[tilespmem:s29], [sflag:$0x2] =	stream.indirect_vreg.gather [hbm4b:s5+s2], $0x80, v3, vm0, $0xb8;
	[tilespmem:$0x12180] =	vst v63  }
0x250: {  	s29 =	simm.s32 $0xA580  }
0x251: {  	[tilespmem:s29], [sflag:$0x2] =	stream.indirect_vreg.gather [hbm4b:s6+s2], $0x80, v3, vm1, $0xb8;
	[tilespmem:$0x12180] =	vst v63  }
0x252: {  	v3 =	vld [tilespmem:$0xB0];
	_ =	sdelay $0x4  }
0x253: {  	v55 =	vshrl.u32 v3, $0x3  }
0x254: {  	v4 =	vmul.u32 $0x18, v55  }
0x255: {  	v3 =	vand.u32 $0x7, v3  }
0x256: {  	v3 =	vor.u32 v3, v4  }
0x257: {  	v4 =	vperm.xlane v3, v0;
	_ =	sdelay $0x1  }
0x258: {  	v4 =	vadd.s32 v1, v4;
	_ =	sdelay $0x1  }
0x259: {  	v3 =	vperm.xlane v3, v2;
	_ =	sdelay $0x1  }
0x25a: {  	s29 =	simm.s32 $0xA980;
	v3 =	vadd.s32 v1, v3  }
0x25b: {  	[tilespmem:s29], [sflag:$0x2] =	stream.indirect_vreg.gather [hbm4b:s5+s2], $0x80, v4, vm0, $0xb8;
	[tilespmem:$0x12180] =	vst v63  }
0x25c: {  	s29 =	simm.s32 $0xB180  }
0x25d: {  	[tilespmem:s29], [sflag:$0x2] =	stream.indirect_vreg.gather [hbm4b:s6+s2], $0x80, v4, vm1, $0xb8;
	[tilespmem:$0x12180] =	vst v63  }
0x25e: {  	s29 =	simm.s32 $0xB580  }
0x25f: {  	[tilespmem:s29], [sflag:$0x2] =	stream.indirect_vreg.gather [hbm4b:s5+s2], $0x80, v3, vm0, $0xb8;
	[tilespmem:$0x12180] =	vst v63  }
0x260: {  	_ = 	snop  }
0x261: {  	[tilespmem:s21], [sflag:$0x2] =	stream.indirect_vreg.gather [hbm4b:s6+s2], $0x80, v3, vm1, $0xb8;
	[tilespmem:$0x12180] =	vst v63  }
0x262: {  	_ =	swait.ge [sflag:s28], $0x6000  }
0x263: {  	[sflag:s28] =	ssyncset.done $0x0  }
0x264: {  	s22 =	rddreg [dreg:$0xe];
	[sflag:s28] =	ssyncadd.s32 $0xFFFFA000  }
0x265: {  	[hbm4b:s22+s2] =	stream.linear.scatter [tilespmem:s0], [sflag:$0x4], $0x6000, $0x38;
	[tilespmem:$0x12180] =	vst v63  }
0x266: {  	_ =	swait.ge [sflag:s8], $0x6000  }
0x267: {  	[sflag:s8] =	ssyncset.done $0x0  }
0x268: {  	s22 =	simm.s32 $0x100;
	s21 =	rddreg [dreg:$0xf];
	[sflag:s8] =	ssyncadd.s32 $0xFFFFA000  }
0x269: {  	[tilespmem:s22], [sflag:$0x4] =	stream.linear.gather [hbm4b:s21+s2], $0x40, $0x38;
	[tilespmem:$0x12180] =	vst v63  }
0x26a: {  	_ =	swait.ge [sflag:s8], $0x40  }
0x26b: {  	[sflag:s8] =	ssyncset.done $0x0  }
0x26c: {  	[sflag:s8] =	ssyncadd.s32 $0xFFFFFFC0  }
0x26d: {  	v3 =	vld [tilespmem:$0x100];
	_ =	sdelay $0x4  }
0x26e: {  	v56 =	vshrl.u32 v3, $0x3  }
0x26f: {  	v4 =	vmul.u32 $0x18, v56  }
0x270: {  	v3 =	vand.u32 $0x7, v3  }
0x271: {  	v3 =	vor.u32 v3, v4  }
0x272: {  	v4 =	vperm.xlane v3, v0;
	_ =	sdelay $0x1  }
0x273: {  	v4 =	vadd.s32 v1, v4;
	_ =	sdelay $0x1  }
0x274: {  	v3 =	vperm.xlane v3, v2;
	_ =	sdelay $0x1  }
0x275: {  	v3 =	vadd.s32 v1, v3  }
0x276: {  	[tilespmem:s0], [sflag:$0x3] =	stream.indirect_vreg.gather [hbm4b:s5+s2], $0x80, v4, vm0, $0xb8;
	[tilespmem:$0x12180] =	vst v63  }
0x277: {  	s29 =	simm.s32 $0xC980  }
0x278: {  	[tilespmem:s29], [sflag:$0x3] =	stream.indirect_vreg.gather [hbm4b:s6+s2], $0x80, v4, vm1, $0xb8;
	[tilespmem:$0x12180] =	vst v63  }
0x279: {  	s22 =	simm.s32 $0xCD80  }
0x27a: {  	[tilespmem:s22], [sflag:$0x3] =	stream.indirect_vreg.gather [hbm4b:s5+s2], $0x80, v3, vm0, $0xb8;
	[tilespmem:$0x12180] =	vst v63  }
0x27b: {  	s29 =	simm.s32 $0xD580  }
0x27c: {  	[tilespmem:s29], [sflag:$0x3] =	stream.indirect_vreg.gather [hbm4b:s6+s2], $0x80, v3, vm1, $0xb8;
	[tilespmem:$0x12180] =	vst v63  }
0x27d: {  	v3 =	vld [tilespmem:$0x110];
	_ =	sdelay $0x4  }
0x27e: {  	v57 =	vshrl.u32 v3, $0x3  }
0x27f: {  	v4 =	vmul.u32 $0x18, v57  }
0x280: {  	v3 =	vand.u32 $0x7, v3  }
0x281: {  	v3 =	vor.u32 v3, v4  }
0x282: {  	v4 =	vperm.xlane v3, v0;
	_ =	sdelay $0x1  }
0x283: {  	v4 =	vadd.s32 v1, v4;
	_ =	sdelay $0x1  }
0x284: {  	v3 =	vperm.xlane v3, v2;
	_ =	sdelay $0x1  }
0x285: {  	s22 =	simm.s32 $0xD980;
	v3 =	vadd.s32 v1, v3  }
0x286: {  	[tilespmem:s22], [sflag:$0x3] =	stream.indirect_vreg.gather [hbm4b:s5+s2], $0x80, v4, vm0, $0xb8;
	[tilespmem:$0x12180] =	vst v63  }
0x287: {  	s29 =	simm.s32 $0xE180  }
0x288: {  	[tilespmem:s29], [sflag:$0x3] =	stream.indirect_vreg.gather [hbm4b:s6+s2], $0x80, v4, vm1, $0xb8;
	[tilespmem:$0x12180] =	vst v63  }
0x289: {  	s22 =	simm.s32 $0xE580  }
0x28a: {  	[tilespmem:s22], [sflag:$0x3] =	stream.indirect_vreg.gather [hbm4b:s5+s2], $0x80, v3, vm0, $0xb8;
	[tilespmem:$0x12180] =	vst v63  }
0x28b: {  	s29 =	simm.s32 $0xED80  }
0x28c: {  	[tilespmem:s29], [sflag:$0x3] =	stream.indirect_vreg.gather [hbm4b:s6+s2], $0x80, v3, vm1, $0xb8;
	[tilespmem:$0x12180] =	vst v63  }
0x28d: {  	v3 =	vld [tilespmem:$0x120];
	_ =	sdelay $0x4  }
0x28e: {  	v58 =	vshrl.u32 v3, $0x3  }
0x28f: {  	v4 =	vmul.u32 $0x18, v58  }
0x290: {  	v3 =	vand.u32 $0x7, v3  }
0x291: {  	v3 =	vor.u32 v3, v4  }
0x292: {  	v4 =	vperm.xlane v3, v0;
	_ =	sdelay $0x1  }
0x293: {  	v4 =	vadd.s32 v1, v4;
	_ =	sdelay $0x1  }
0x294: {  	v3 =	vperm.xlane v3, v2;
	_ =	sdelay $0x1  }
0x295: {  	s22 =	simm.s32 $0xF180;
	v3 =	vadd.s32 v1, v3  }
0x296: {  	[tilespmem:s22], [sflag:$0x3] =	stream.indirect_vreg.gather [hbm4b:s5+s2], $0x80, v4, vm0, $0xb8;
	[tilespmem:$0x12180] =	vst v63  }
0x297: {  	s29 =	simm.s32 $0xF980  }
0x298: {  	[tilespmem:s29], [sflag:$0x3] =	stream.indirect_vreg.gather [hbm4b:s6+s2], $0x80, v4, vm1, $0xb8;
	[tilespmem:$0x12180] =	vst v63  }
0x299: {  	s22 =	simm.s32 $0xFD80  }
0x29a: {  	[tilespmem:s22], [sflag:$0x3] =	stream.indirect_vreg.gather [hbm4b:s5+s2], $0x80, v3, vm0, $0xb8;
	[tilespmem:$0x12180] =	vst v63  }
0x29b: {  	s29 =	simm.s32 $0x10580  }
0x29c: {  	[tilespmem:s29], [sflag:$0x3] =	stream.indirect_vreg.gather [hbm4b:s6+s2], $0x80, v3, vm1, $0xb8;
	[tilespmem:$0x12180] =	vst v63  }
0x29d: {  	v3 =	vld [tilespmem:$0x130];
	_ =	sdelay $0x4  }
0x29e: {  	v59 =	vshrl.u32 v3, $0x3  }
0x29f: {  	v4 =	vmul.u32 $0x18, v59  }
0x2a0: {  	v3 =	vand.u32 $0x7, v3  }
0x2a1: {  	v3 =	vor.u32 v3, v4  }
0x2a2: {  	v4 =	vperm.xlane v3, v0;
	_ =	sdelay $0x1  }
0x2a3: {  	v4 =	vadd.s32 v1, v4;
	_ =	sdelay $0x1  }
0x2a4: {  	v3 =	vperm.xlane v3, v2;
	_ =	sdelay $0x1  }
0x2a5: {  	s22 =	simm.s32 $0x10980;
	v3 =	vadd.s32 v1, v3  }
0x2a6: {  	[tilespmem:s22], [sflag:$0x3] =	stream.indirect_vreg.gather [hbm4b:s5+s2], $0x80, v4, vm0, $0xb8;
	[tilespmem:$0x12180] =	vst v63  }
0x2a7: {  	s29 =	simm.s32 $0x11180  }
0x2a8: {  	[tilespmem:s29], [sflag:$0x3] =	stream.indirect_vreg.gather [hbm4b:s6+s2], $0x80, v4, vm1, $0xb8;
	[tilespmem:$0x12180] =	vst v63  }
0x2a9: {  	s22 =	simm.s32 $0x11580  }
0x2aa: {  	[tilespmem:s22], [sflag:$0x3] =	stream.indirect_vreg.gather [hbm4b:s5+s2], $0x80, v3, vm0, $0xb8;
	[tilespmem:$0x12180] =	vst v63  }
0x2ab: {  	s29 =	simm.s32 $0x11D80  }
0x2ac: {  	[tilespmem:s29], [sflag:$0x3] =	stream.indirect_vreg.gather [hbm4b:s6+s2], $0x80, v3, vm1, $0xb8;
	[tilespmem:$0x12180] =	vst v63  }
0x2ad: {  	_ =	swait.ge [sflag:s3], $0x6000  }
0x2ae: {  	[sflag:s3] =	ssyncset.done $0x0  }
0x2af: {  	s21 =	rddreg [dreg:$0x10];
	[sflag:s3] =	ssyncadd.s32 $0xFFFFA000  }
0x2b0: {  	[hbm4b:s21+s2] =	stream.linear.scatter [tilespmem:s20], [sflag:$0x4], $0x6000, $0x38;
	[tilespmem:$0x12180] =	vst v63  }
0x2b1: {  	_ =	swait.ge [sflag:s8], $0x6000  }
0x2b2: {  	[sflag:s8] =	ssyncset.done $0x0  }
0x2b3: {  	s22 =	rddreg [dreg:$0x11];
	[sflag:s8] =	ssyncadd.s32 $0xFFFFA000  }
0x2b4: {  	[tilespmem:s2], [sflag:$0x4] =	stream.linear.gather [hbm4b:s22+s2], $0x40, $0x38;
	[tilespmem:$0x12180] =	vst v63  }
0x2b5: {  	_ =	swait.ge [sflag:s8], $0x40  }
0x2b6: {  	[sflag:s8] =	ssyncset.done $0x0  }
0x2b7: {  	[sflag:s8] =	ssyncadd.s32 $0xFFFFFFC0  }
0x2b8: {  	v3 =	vld [tilespmem:$0x0];
	_ =	sdelay $0x4  }
0x2b9: {  	v60 =	vshrl.u32 v3, $0x3  }
0x2ba: {  	v4 =	vmul.u32 $0x18, v60  }
0x2bb: {  	v3 =	vand.u32 $0x7, v3  }
0x2bc: {  	v3 =	vor.u32 v3, v4  }
0x2bd: {  	v4 =	vperm.xlane v3, v0;
	_ =	sdelay $0x1  }
0x2be: {  	v4 =	vadd.s32 v1, v4;
	_ =	sdelay $0x1  }
0x2bf: {  	v3 =	vperm.xlane v3, v2;
	_ =	sdelay $0x1  }
0x2c0: {  	v3 =	vadd.s32 v1, v3  }
0x2c1: {  	[tilespmem:s20], [sflag:$0x1] =	stream.indirect_vreg.gather [hbm4b:s5+s2], $0x80, v4, vm0, $0xb8;
	[tilespmem:$0x12180] =	vst v63  }
0x2c2: {  	s9 =	simm.s32 $0x980  }
0x2c3: {  	[tilespmem:s9], [sflag:$0x1] =	stream.indirect_vreg.gather [hbm4b:s6+s2], $0x80, v4, vm1, $0xb8;
	[tilespmem:$0x12180] =	vst v63  }
0x2c4: {  	s23 =	simm.s32 $0xD80  }
0x2c5: {  	[tilespmem:s23], [sflag:$0x1] =	stream.indirect_vreg.gather [hbm4b:s5+s2], $0x80, v3, vm0, $0xb8;
	[tilespmem:$0x12180] =	vst v63  }
0x2c6: {  	s17 =	simm.s32 $0x1580  }
0x2c7: {  	[tilespmem:s17], [sflag:$0x1] =	stream.indirect_vreg.gather [hbm4b:s6+s2], $0x80, v3, vm1, $0xb8;
	[tilespmem:$0x12180] =	vst v63  }
0x2c8: {  	v3 =	vld [tilespmem:$0x10];
	_ =	sdelay $0x4  }
0x2c9: {  	v61 =	vshrl.u32 v3, $0x3  }
0x2ca: {  	v4 =	vmul.u32 $0x18, v61  }
0x2cb: {  	v3 =	vand.u32 $0x7, v3  }
0x2cc: {  	v3 =	vor.u32 v3, v4  }
0x2cd: {  	v4 =	vperm.xlane v3, v0;
	_ =	sdelay $0x1  }
0x2ce: {  	v4 =	vadd.s32 v1, v4;
	_ =	sdelay $0x1  }
0x2cf: {  	v3 =	vperm.xlane v3, v2;
	_ =	sdelay $0x1  }
0x2d0: {  	s24 =	simm.s32 $0x1980;
	v3 =	vadd.s32 v1, v3  }
0x2d1: {  	[tilespmem:s24], [sflag:$0x1] =	stream.indirect_vreg.gather [hbm4b:s5+s2], $0x80, v4, vm0, $0xb8;
	[tilespmem:$0x12180] =	vst v63  }
0x2d2: {  	s26 =	simm.s32 $0x2180  }
0x2d3: {  	[tilespmem:s26], [sflag:$0x1] =	stream.indirect_vreg.gather [hbm4b:s6+s2], $0x80, v4, vm1, $0xb8;
	[tilespmem:$0x12180] =	vst v63  }
0x2d4: {  	s1 =	simm.s32 $0x2580  }
0x2d5: {  	[tilespmem:s1], [sflag:$0x1] =	stream.indirect_vreg.gather [hbm4b:s5+s2], $0x80, v3, vm0, $0xb8;
	[tilespmem:$0x12180] =	vst v63  }
0x2d6: {  	_ = 	snop  }
0x2d7: {  	[tilespmem:s16], [sflag:$0x1] =	stream.indirect_vreg.gather [hbm4b:s6+s2], $0x80, v3, vm1, $0xb8;
	[tilespmem:$0x12180] =	vst v63  }
0x2d8: {  	v3 =	vld [tilespmem:$0x20];
	_ =	sdelay $0x4  }
0x2d9: {  	v62 =	vshrl.u32 v3, $0x3  }
0x2da: {  	v4 =	vmul.u32 $0x18, v62  }
0x2db: {  	v3 =	vand.u32 $0x7, v3  }
0x2dc: {  	v3 =	vor.u32 v3, v4  }
0x2dd: {  	v4 =	vperm.xlane v3, v0;
	_ =	sdelay $0x1  }
0x2de: {  	v4 =	vadd.s32 v1, v4;
	_ =	sdelay $0x1  }
0x2df: {  	v3 =	vperm.xlane v3, v2;
	_ =	sdelay $0x1  }
0x2e0: {  	s10 =	simm.s32 $0x3180;
	v3 =	vadd.s32 v1, v3  }
0x2e1: {  	[tilespmem:s10], [sflag:$0x1] =	stream.indirect_vreg.gather [hbm4b:s5+s2], $0x80, v4, vm0, $0xb8;
	[tilespmem:$0x12180] =	vst v63  }
0x2e2: {  	s11 =	simm.s32 $0x3980  }
0x2e3: {  	[tilespmem:s11], [sflag:$0x1] =	stream.indirect_vreg.gather [hbm4b:s6+s2], $0x80, v4, vm1, $0xb8;
	[tilespmem:$0x12180] =	vst v63  }
0x2e4: {  	s12 =	simm.s32 $0x3D80  }
0x2e5: {  	[tilespmem:s12], [sflag:$0x1] =	stream.indirect_vreg.gather [hbm4b:s5+s2], $0x80, v3, vm0, $0xb8;
	[tilespmem:$0x12180] =	vst v63  }
0x2e6: {  	_ = 	snop  }
0x2e7: {  	[tilespmem:s18], [sflag:$0x1] =	stream.indirect_vreg.gather [hbm4b:s6+s2], $0x80, v3, vm1, $0xb8;
	[tilespmem:$0x12180] =	vst v63  }
0x2e8: {  	v3 =	vld [tilespmem:$0x30];
	_ =	sdelay $0x4  }
0x2e9: {  	v63 =	vshrl.u32 v3, $0x3  }
0x2ea: {  	v4 =	vmul.u32 $0x18, v63  }
0x2eb: {  	v3 =	vand.u32 $0x7, v3  }
0x2ec: {  	v3 =	vor.u32 v3, v4  }
0x2ed: {  	v4 =	vperm.xlane v3, v0;
	_ =	sdelay $0x1  }
0x2ee: {  	v4 =	vadd.s32 v1, v4;
	_ =	sdelay $0x1  }
0x2ef: {  	v3 =	vperm.xlane v3, v2;
	_ =	sdelay $0x1  }
0x2f0: {  	s13 =	simm.s32 $0x4980;
	v3 =	vadd.s32 v1, v3  }
0x2f1: {  	[tilespmem:s13], [sflag:$0x1] =	stream.indirect_vreg.gather [hbm4b:s5+s2], $0x80, v4, vm0, $0xb8;
	[tilespmem:$0x12180] =	vst v63  }
0x2f2: {  	s14 =	simm.s32 $0x5180  }
0x2f3: {  	[tilespmem:s14], [sflag:$0x1] =	stream.indirect_vreg.gather [hbm4b:s6+s2], $0x80, v4, vm1, $0xb8;
	[tilespmem:$0x12180] =	vst v63  }
0x2f4: {  	s15 =	simm.s32 $0x5580  }
0x2f5: {  	[tilespmem:s15], [sflag:$0x1] =	stream.indirect_vreg.gather [hbm4b:s5+s2], $0x80, v3, vm0, $0xb8;
	[tilespmem:$0x12180] =	vst v63  }
0x2f6: {  	_ = 	snop  }
0x2f7: {  	[tilespmem:s19], [sflag:$0x1] =	stream.indirect_vreg.gather [hbm4b:s6+s2], $0x80, v3, vm1, $0xb8;
	[tilespmem:$0x12180] =	vst v63  }
0x2f8: {  	_ =	swait.ge [sflag:s25], $0x6000  }
0x2f9: {  	[sflag:s25] =	ssyncset.done $0x0  }
0x2fa: {  	s23 =	rddreg [dreg:$0x12];
	[sflag:s25] =	ssyncadd.s32 $0xFFFFA000  }
0x2fb: {  	[hbm4b:s23+s2] =	stream.linear.scatter [tilespmem:s4], [sflag:$0x4], $0x6000, $0x38;
	[tilespmem:$0x12180] =	vst v63  }
0x2fc: {  	_ =	swait.ge [sflag:s8], $0x6000  }
0x2fd: {  	[sflag:s8] =	ssyncset.done $0x0  }
0x2fe: {  	[sflag:s8] =	ssyncadd.s32 $0xFFFFA000  }
0x2ff: {  	_ =	swait.ge [sflag:s28], $0x6000  }
0x300: {  	[sflag:s28] =	ssyncset.done $0x0  }
0x301: {  	s24 =	rddreg [dreg:$0x13];
	[sflag:s28] =	ssyncadd.s32 $0xFFFFA000  }
0x302: {  	[hbm4b:s24+s2] =	stream.linear.scatter [tilespmem:s0], [sflag:$0x4], $0x6000, $0x38;
	[tilespmem:$0x12180] =	vst v63  }
0x303: {  	_ =	swait.ge [sflag:s8], $0x6000  }
0x304: {  	[sflag:s8] =	ssyncset.done $0x0  }
0x305: {  	[sflag:s8] =	ssyncadd.s32 $0xFFFFA000  }
0x306: {  	_ =	swait.ge [sflag:s3], $0x6000  }
0x307: {  	p0 =	sne.s32 s7, $0x1;
	[sflag:s3] =	ssyncset.done $0x0  }
.Ltmp0:
0x308: {  	s26 =	rddreg [dreg:$0x14];
	[sflag:s3] =	ssyncadd.s32 $0xFFFFA000;
	(pc) =	sbr.rel @p0 .LBB2_1-.Ltmp0, $4  }
0x309: {  	[hbm4b:s26+s2] =	stream.linear.scatter [tilespmem:s20], [sflag:$0x4], $0x6000, $0x38;
	[tilespmem:$0x12180] =	vst v63  }
0x30a: {  	_ =	swait.ge [sflag:s8], $0x6000  }
0x30b: {  	[sflag:s8] =	ssyncset.done $0x0  }
0x30c: {  	s7 =	sadd.s32 $0xFFFFFFFF, s7;
	[sflag:s8] =	ssyncadd.s32 $0xFFFFA000  }
0x30d: {  	_ =	sfence.sel $0x180000  }
0x30e: {  	[bflag:$0x0] =	sbarrier.arrive $0xFFFF  }
0x30f: {  	_ =	strace $0x90000047  }
0x310: {  	s0 =	stileid.u32;
	[bflag:$0x2] =	sbarrier.arrive $0xFFFF  }
0x311: {  	p0 =	sne.s32 s0, $0x0;
	s0 =	rddreg [dreg:$0x2]  }
0x312: {  	s0 =	sadd.s32 @!p0 $0x100000, s0  }
0x313: {  	[sflag:s0] =	ssyncadd.tile.s32 @!p0 $0x1;
	_ =	shalt  }
.Lfunc_end2:
_tile_overlayer_lowered:
.L_overlay_start_2:
0x314: {  	(tag) =	ssettag $0x2  }
0x315: {  	s0 =	rddreg [dreg:$0x0];
	s2 =	stileid.u32  }
0x316: {  	s1 =	rddreg [dreg:$0x1];
	p0 =	sne.s32 s2, $0x0  }
0x317: {  	s3 =	rddreg [dreg:$0x2];
	[bflag:$0x3] =	sbarrier.arrive $0xFFFF;
	s2 =	simm.s32 @!p0 $0x1C04  }
0x318: {  	[timem:s3], [sflag:s2] =	dma.local @!p0 [hbm:s0], s1  }
0x319: {  	s0 =	simm.s32 @!p0 $0x4  }
0x31a: {  	_ =	swait.ge @!p0 [sflag:s0], s1  }
0x31b: {  	s1 =	ssub.s32 @!p0 $0x0, s1;
	[sflag:s0] =	ssyncset.done @!p0 $0x0  }
0x31c: {  	[sflag:s0] =	ssyncadd.s32 @!p0 s1  }
0x31d: {  	[bflag:$0x3] =	sbarrier.arrive $0xFFFF  }
0x31e: {  	_ =	shalt  }

</sc_bundles>
